<compile_context>
chip_gen: v7x
topology: tpu7x:2x2x1
jax: 0.10.2.dev20260603
libtpu: 0.0.44.dev20260713+nightly
codegen_flags: <defaults>
</compile_context>

<pallas_src>
import functools

import jax
import jax.numpy as jnp
from jax import lax
from jax.experimental import pallas as pl
from jax.experimental.pallas import tpu as pltpu
from jax.experimental.pallas import tpu_sc as plsc

N_NODES = 10000
N_EDGES = 320000
D = 128
NC = 2
NS = 16
NW = NC * NS
EPW = N_EDGES // NW
CH = 80
NCH = EPW // CH
DEPTH = 4
NPAD = 10240
RPT = NPAD // NS
_SHIFT = 14


def _sc_agg_body(x_hbm, pk_hbm, zf_hbm, zd_hbm,
                 part_hbm, deg_hbm,
                 pkr, srcr, dstr, rows, ones_v, acc_sh, deg_sh,
                 gsem, ssem, isem,
                 *, with_deg):
    cid = lax.axis_index("c")
    sid = lax.axis_index("s")
    wid = cid * NS + sid
    base = wid * EPW

    def unpack(slot):
        for k in range(CH // 16):
            pk = pkr[slot, pl.ds(k * 16, 16)]
            srcr[slot, pl.ds(k * 16, 16)] = lax.rem(pk, 1 << _SHIFT)
            dstr[slot, pl.ds(k * 16, 16)] = lax.shift_right_logical(
                pk, _SHIFT)

    for c in range(DEPTH - 1):
        pltpu.sync_copy(pk_hbm.at[pl.ds(base + c * CH, CH)], pkr.at[c])
        unpack(c)
        pltpu.async_copy(x_hbm.at[srcr.at[c]], rows.at[c], gsem)
    pltpu.async_copy(pk_hbm.at[pl.ds(base + (DEPTH - 1) * CH, CH)],
                     pkr.at[DEPTH - 1], isem)

    pltpu.sync_copy(zf_hbm.at[pl.ds(sid * RPT, RPT)],
                    acc_sh.at[pl.ds(sid * RPT, RPT)])
    if with_deg:
        @pl.when(sid == 0)
        def _():
            pltpu.sync_copy(zd_hbm, deg_sh)
        for i in range(CH // 16):
            ones_v[pl.ds(i * 16, 16)] = jnp.ones((16,), jnp.float32)
    plsc.subcore_barrier()

    def step(j, carry):
        s = lax.rem(j, DEPTH)
        s3 = lax.rem(j + DEPTH - 1, DEPTH)
        pltpu.make_async_copy(x_hbm.at[srcr.at[s]], rows.at[s], gsem).wait()
        @pl.when(j > 0)
        def _():
            pltpu.make_async_copy(rows.at[s3], acc_sh.at[dstr.at[s3]],
                                  ssem).wait()
            if with_deg:
                pltpu.make_async_copy(ones_v, deg_sh.at[dstr.at[s3]],
                                      ssem).wait()
        @pl.when(j + DEPTH - 1 < NCH)
        def _():
            pltpu.make_async_copy(pk_hbm.at[pl.ds(base, CH)], pkr.at[s3],
                                  isem).wait()
            unpack(s3)
            pltpu.async_copy(x_hbm.at[srcr.at[s3]], rows.at[s3], gsem)
        @pl.when(j + DEPTH < NCH)
        def _():
            pltpu.async_copy(pk_hbm.at[pl.ds(base + (j + DEPTH) * CH, CH)],
                             pkr.at[s], isem)
        pltpu.async_copy(rows.at[s], acc_sh.at[dstr.at[s]], ssem, add=True)
        if with_deg:
            pltpu.async_copy(ones_v, deg_sh.at[dstr.at[s]], ssem, add=True)
        return carry

    lax.fori_loop(0, NCH, step, 0)
    _last = (NCH - 1) % DEPTH
    pltpu.make_async_copy(rows.at[_last], acc_sh.at[dstr.at[_last]],
                          ssem).wait()
    if with_deg:
        pltpu.make_async_copy(ones_v, deg_sh.at[dstr.at[_last]], ssem).wait()
    plsc.subcore_barrier()

    pltpu.sync_copy(acc_sh.at[pl.ds(sid * RPT, RPT)],
                    part_hbm.at[cid, pl.ds(sid * RPT, RPT)])
    if with_deg:
        @pl.when(sid == 0)
        def _():
            pltpu.sync_copy(deg_sh, deg_hbm.at[cid])


def _make_sc_agg(with_deg):
    mesh = plsc.VectorSubcoreMesh(core_axis_name="c", subcore_axis_name="s")
    return functools.partial(
        pl.kernel,
        mesh=mesh,
        out_type=[
            jax.ShapeDtypeStruct((NC, NPAD, D), jnp.float32),
            jax.ShapeDtypeStruct((NC, NPAD), jnp.float32),
        ],
        scratch_types=[
            pltpu.VMEM((DEPTH, CH), jnp.int32),
            pltpu.VMEM((DEPTH, CH), jnp.int32),
            pltpu.VMEM((DEPTH, CH), jnp.int32),
            pltpu.VMEM((DEPTH, CH, D), jnp.float32),
            pltpu.VMEM((CH,), jnp.float32),
            pltpu.VMEM_SHARED((NPAD, D), jnp.float32),
            pltpu.VMEM_SHARED((NPAD,), jnp.float32),
            pltpu.SemaphoreType.DMA,
            pltpu.SemaphoreType.DMA,
            pltpu.SemaphoreType.DMA,
        ],
    )(functools.partial(_sc_agg_body, with_deg=with_deg))


_sc_agg_deg = _make_sc_agg(True)
_sc_agg_nodeg = _make_sc_agg(False)


def _dense_body(p_ref, deg_ref, x_ref, wl_ref, wr_ref, b_ref, o_ref, *, relu):
    deg = jnp.maximum(deg_ref[0] + deg_ref[1], 1.0)
    agg = (p_ref[0] + p_ref[1]) / deg
    dn = (((1,), (1,)), ((), ()))
    out = (lax.dot_general(agg, wl_ref[...], dn,
                           preferred_element_type=jnp.float32)
           + lax.dot_general(x_ref[...], wr_ref[...], dn,
                             preferred_element_type=jnp.float32)
           + b_ref[...])
    o_ref[...] = jnp.maximum(out, 0.0) if relu else out


def _dense(parts, deg3, xin, wl, wr, b, relu):
    BM = 2000
    grid = (N_NODES // BM,)
    return pl.pallas_call(
        functools.partial(_dense_body, relu=relu),
        grid=grid,
        in_specs=[
            pl.BlockSpec((NC, BM, D), lambda i: (0, i, 0)),
            pl.BlockSpec((NC, BM, 1), lambda i: (0, i, 0)),
            pl.BlockSpec((BM, D), lambda i: (i, 0)),
            pl.BlockSpec((D, D), lambda i: (0, 0)),
            pl.BlockSpec((D, D), lambda i: (0, 0)),
            pl.BlockSpec((1, D), lambda i: (0, 0)),
        ],
        out_specs=pl.BlockSpec((BM, D), lambda i: (i, 0)),
        out_shape=jax.ShapeDtypeStruct((N_NODES, D), jnp.float32),
    )(parts, deg3, xin, wl, wr, b)


def kernel(x, edge_index, W1l, b1l, W1r, W2l, b2l, W2r):
    src = edge_index[0].astype(jnp.int32)
    dst = edge_index[1].astype(jnp.int32)
    packed = src | (dst << _SHIFT)
    zf = jnp.zeros((NPAD, D), jnp.float32)
    zd = jnp.zeros((NPAD,), jnp.float32)

    part1, deg = _sc_agg_deg(x, packed, zf, zd)
    deg3 = deg.reshape(NC, NPAD, 1)
    h = _dense(part1, deg3, x, W1l, W1r, b1l.reshape(1, D), relu=True)
    part2, _ = _sc_agg_nodeg(h, packed, zf, zd)
    out = _dense(part2, deg3, h, W2l, W2r, b2l.reshape(1, D), relu=False)
    return out

# --- scband reference (transcript-rebuilt; emitter-appended) ---
"""Pipeline reference for scband-graph-sage-66915590472236 (READ-ONLY COPY).

The authoritative reference and input builder live on the scoring server;
editing this copy changes nothing except your own understanding.
"""

import jax, jax.numpy as jnp
import numpy as np

N_NODES = 10000
N_EDGES = 320000
D_IN = 128
D_HID = 128
D_OUT = 128


def setup_inputs(seed: int = 0) -> dict:
    key = jax.random.key(seed)
    ks = jax.random.split(key, 10)
    x = jax.random.normal(ks[0], (N_NODES, D_IN), dtype=jnp.float32)
    edge_index = jax.random.randint(ks[1], (2, N_EDGES), 0, N_NODES, dtype=jnp.int64)
    s1 = 1.0 / np.sqrt(D_IN)
    s2 = 1.0 / np.sqrt(D_HID)
    W1l = jax.random.uniform(ks[2], (D_HID, D_IN), jnp.float32, -s1, s1)
    b1l = jax.random.uniform(ks[3], (D_HID,), jnp.float32, -s1, s1)
    W1r = jax.random.uniform(ks[4], (D_HID, D_IN), jnp.float32, -s1, s1)
    W2l = jax.random.uniform(ks[5], (D_OUT, D_HID), jnp.float32, -s2, s2)
    b2l = jax.random.uniform(ks[6], (D_OUT,), jnp.float32, -s2, s2)
    W2r = jax.random.uniform(ks[7], (D_OUT, D_HID), jnp.float32, -s2, s2)
    return {"x": x, "edge_index": edge_index, "W1l": W1l, "b1l": b1l, "W1r": W1r, "W2l": W2l, "b2l": b2l, "W2r": W2r}


def _sage_conv(x, src, dst, n_nodes, Wl, bl, Wr):
    # PyG SAGEConv(aggr='mean'): out = lin_l(mean_{j in N(i)} x_j) + lin_r(x_i)
    msgs = x[src]  # gather
    agg = jax.ops.segment_sum(msgs, dst, num_segments=n_nodes)  # scatter-add
    deg = jax.ops.segment_sum(jnp.ones((src.shape[0],), x.dtype), dst, num_segments=n_nodes)
    agg = agg / jnp.maximum(deg, 1.0)[:, None]
    return agg @ Wl.T + bl + x @ Wr.T


def reference(x, edge_index, W1l, b1l, W1r, W2l, b2l, W2r):
    src = edge_index[0]
    dst = edge_index[1]
    n = x.shape[0]
    h = jax.nn.relu(_sage_conv(x, src, dst, n, W1l, b1l, W1r))
    # dropout is identity in eval mode (training=False)
    out = _sage_conv(h, src, dst, n, W2l, b2l, W2r)
    return out

if __name__ == "__main__":
    import jax
    _d = setup_inputs()
    print(jax.jit(kernel)(*tuple(_d.values())))

</pallas_src>

<mosaic_0001>
#map = affine_map<(d0, d1) -> (0, 0)>
#map1 = affine_map<(d0, d1) -> (0)>
#map2 = affine_map<(d0, d1) -> (0, 0, 0)>
module attributes {stable_mosaic.version = 14 : i64} {
  func.func @_sc_agg_body(%arg0: i32, %arg1: i32, %arg2: memref<10000x128xf32, #tpu.memory_space<hbm>>, %arg3: memref<320000xi32, #tpu.memory_space<hbm>>, %arg4: memref<10240x128xf32, #tpu.memory_space<hbm>>, %arg5: memref<10240xf32, #tpu.memory_space<hbm>>, %arg6: memref<2x10240x128xf32, #tpu.memory_space<hbm>>, %arg7: memref<2x10240xf32, #tpu.memory_space<hbm>>, %arg8: memref<4x80xi32, #tpu.memory_space<vmem>>, %arg9: memref<4x80xi32, #tpu.memory_space<vmem>>, %arg10: memref<4x80xi32, #tpu.memory_space<vmem>>, %arg11: memref<4x80x128xf32, #tpu.memory_space<vmem>>, %arg12: memref<80xf32, #tpu.memory_space<vmem>>, %arg13: memref<10240x128xf32, #tpu.memory_space<vmem_shared>>, %arg14: memref<10240xf32, #tpu.memory_space<vmem_shared>>, %arg15: memref<!tpu.dma_semaphore, #tpu.memory_space<semaphore_mem>>, %arg16: memref<!tpu.dma_semaphore, #tpu.memory_space<semaphore_mem>>, %arg17: memref<!tpu.dma_semaphore, #tpu.memory_space<semaphore_mem>>) attributes {dimension_semantics = [#tpu.dimension_semantics<core_parallel>, #tpu.dimension_semantics<subcore_parallel>], iteration_bounds = array<i64: 2, 16>, scalar_prefetch = 0 : i64, scratch_operands = 10 : i64, tpu.core_type = #tpu.core_type<sc_vector_subcore>, window_params = [{transform_indices = #map}, {transform_indices = #map1}, {transform_indices = #map}, {transform_indices = #map1}, {transform_indices = #map2}, {transform_indices = #map}]} {
    %mul3A = arith.constant 16 : i32
    %mul3A_0 = arith.muli %arg0, %mul3A : i32
    %add3A = arith.addi %mul3A_0, %arg1 : i32
    %mul3A_1 = arith.constant 10000 : i32
    %mul3A_2 = arith.muli %add3A, %mul3A_1 : i32
    %add3A_3 = arith.constant 0 : i32
    %add3A_4 = arith.addi %mul3A_2, %add3A_3 : i32
    %run_scoped3A = arith.constant 0 : i32
    "tpu.region"() ({
      %run_scoped3A_465 = tpu.sem_alloc : memref<!tpu.dma_semaphore, #tpu.memory_space<semaphore_mem>>
      %dma_start3A_466 = arith.constant 0 : i32
      %dma_start3A_467 = tpu.memref_slice %arg8[%run_scoped3A, %dma_start3A_466] : memref<4x80xi32, #tpu.memory_space<vmem>> -> memref<1x80xi32, #tpu.memory_space<vmem>>
      %dma_start3A_468 = tpu.memref_squeeze %dma_start3A_467 : memref<1x80xi32, #tpu.memory_space<vmem>> -> memref<80xi32, #tpu.memory_space<vmem>>
      %dma_start3A_469 = tpu.memref_slice %arg3[%add3A_4] : memref<320000xi32, #tpu.memory_space<hbm>> -> memref<80xi32, #tpu.memory_space<hbm>>
      %dma_start3A_470 = arith.constant 0 : i32
      %dma_start3A_471 = tpu.memref_slice %arg8[%run_scoped3A, %dma_start3A_470] : memref<4x80xi32, #tpu.memory_space<vmem>> -> memref<1x80xi32, #tpu.memory_space<vmem>>
      %dma_start3A_472 = tpu.memref_squeeze %dma_start3A_471 : memref<1x80xi32, #tpu.memory_space<vmem>> -> memref<80xi32, #tpu.memory_space<vmem>>
      %dma_start3A_473 = tpu.memref_slice %arg3[%add3A_4] : memref<320000xi32, #tpu.memory_space<hbm>> -> memref<80xi32, #tpu.memory_space<hbm>>
      tpu.enqueue_dma source(%dma_start3A_473 : memref<80xi32, #tpu.memory_space<hbm>>) target(%dma_start3A_472 : memref<80xi32, #tpu.memory_space<vmem>>) target_semaphore(%run_scoped3A_465 : memref<!tpu.dma_semaphore, #tpu.memory_space<semaphore_mem>>)
      %dma_wait3A_474 = arith.constant 0 : i32
      %dma_wait3A_475 = tpu.memref_slice %arg8[%run_scoped3A, %dma_wait3A_474] : memref<4x80xi32, #tpu.memory_space<vmem>> -> memref<1x80xi32, #tpu.memory_space<vmem>>
      %dma_wait3A_476 = tpu.memref_squeeze %dma_wait3A_475 : memref<1x80xi32, #tpu.memory_space<vmem>> -> memref<80xi32, #tpu.memory_space<vmem>>
      %dma_wait3A_477 = tpu.memref_slice %arg3[%add3A_4] : memref<320000xi32, #tpu.memory_space<hbm>> -> memref<80xi32, #tpu.memory_space<hbm>>
      %dma_wait3A_478 = arith.constant 0 : i32
      %dma_wait3A_479 = tpu.memref_slice %arg8[%run_scoped3A, %dma_wait3A_478] : memref<4x80xi32, #tpu.memory_space<vmem>> -> memref<1x80xi32, #tpu.memory_space<vmem>>
      %dma_wait3A_480 = tpu.memref_squeeze %dma_wait3A_479 : memref<1x80xi32, #tpu.memory_space<vmem>> -> memref<80xi32, #tpu.memory_space<vmem>>
      %dma_wait3A_481 = tpu.memref_slice %arg3[%add3A_4] : memref<320000xi32, #tpu.memory_space<hbm>> -> memref<80xi32, #tpu.memory_space<hbm>>
      tpu.wait_dma2 semaphore(%run_scoped3A_465 : memref<!tpu.dma_semaphore, #tpu.memory_space<semaphore_mem>>) src(%dma_wait3A_481 : memref<80xi32, #tpu.memory_space<hbm>>) dst(%dma_wait3A_480 : memref<80xi32, #tpu.memory_space<vmem>>)
      tpu.yield
    }) : () -> ()
    %get3A = arith.constant 0 : i32
    %get3A_5 = arith.index_cast %get3A : i32 to index
    %get3A_6 = arith.constant 0 : index
    %get3A_7 = tpu.vector_load %arg8[%get3A_5, %get3A_6] {strides = array<i32>} : memref<4x80xi32, #tpu.memory_space<vmem>>, vector<1x16xi32>,
    %get3A_8 = vector.shape_cast %get3A_7 : vector<1x16xi32> to vector<16xi32>
    %rem3A = arith.constant 16384 : i32
    %rem3A_9 = vector.broadcast %rem3A : i32 to vector<16xi32>
    %rem3A_10 = arith.remsi %get3A_8, %rem3A_9 : vector<16xi32>
    %swap3A = arith.constant 0 : i32
    %swap3A_11 = arith.index_cast %swap3A : i32 to index
    %swap3A_12 = arith.constant 0 : index
    %swap3A_13 = tpu.vector_load %arg9[%swap3A_11, %swap3A_12] {strides = array<i32>} : memref<4x80xi32, #tpu.memory_space<vmem>>, vector<1x16xi32>,
    %swap3A_14 = vector.shape_cast %swap3A_13 : vector<1x16xi32> to vector<16xi32>
    %swap3A_15 = vector.shape_cast %rem3A_10 : vector<16xi32> to vector<1x16xi32>
    tpu.vector_store %arg9[%swap3A_11, %swap3A_12], %swap3A_15 {strides = array<i32>} : memref<4x80xi32, #tpu.memory_space<vmem>>, vector<1x16xi32>,
    %shift_right_logical3A = arith.constant 14 : i32
    %shift_right_logical3A_16 = vector.broadcast %shift_right_logical3A : i32 to vector<16xi32>
    %shift_right_logical3A_17 = arith.shrui %get3A_8, %shift_right_logical3A_16 : vector<16xi32>
    %swap3A_18 = arith.constant 0 : i32
    %swap3A_19 = arith.index_cast %swap3A_18 : i32 to index
    %swap3A_20 = arith.constant 0 : index
    %swap3A_21 = tpu.vector_load %arg10[%swap3A_19, %swap3A_20] {strides = array<i32>} : memref<4x80xi32, #tpu.memory_space<vmem>>, vector<1x16xi32>,
    %swap3A_22 = vector.shape_cast %swap3A_21 : vector<1x16xi32> to vector<16xi32>
    %swap3A_23 = vector.shape_cast %shift_right_logical3A_17 : vector<16xi32> to vector<1x16xi32>
    tpu.vector_store %arg10[%swap3A_19, %swap3A_20], %swap3A_23 {strides = array<i32>} : memref<4x80xi32, #tpu.memory_space<vmem>>, vector<1x16xi32>,
    %get3A_24 = arith.constant 0 : i32
    %get3A_25 = arith.index_cast %get3A_24 : i32 to index
    %get3A_26 = arith.constant 16 : index
    %get3A_27 = tpu.vector_load %arg8[%get3A_25, %get3A_26] {strides = array<i32>} : memref<4x80xi32, #tpu.memory_space<vmem>>, vector<1x16xi32>,
    %get3A_28 = vector.shape_cast %get3A_27 : vector<1x16xi32> to vector<16xi32>
    %rem3A_29 = arith.constant 16384 : i32
    %rem3A_30 = vector.broadcast %rem3A_29 : i32 to vector<16xi32>
    %rem3A_31 = arith.remsi %get3A_28, %rem3A_30 : vector<16xi32>
    %swap3A_32 = arith.constant 0 : i32
    %swap3A_33 = arith.index_cast %swap3A_32 : i32 to index
    %swap3A_34 = arith.constant 16 : index
    %swap3A_35 = tpu.vector_load %arg9[%swap3A_33, %swap3A_34] {strides = array<i32>} : memref<4x80xi32, #tpu.memory_space<vmem>>, vector<1x16xi32>,
    %swap3A_36 = vector.shape_cast %swap3A_35 : vector<1x16xi32> to vector<16xi32>
    %swap3A_37 = vector.shape_cast %rem3A_31 : vector<16xi32> to vector<1x16xi32>
    tpu.vector_store %arg9[%swap3A_33, %swap3A_34], %swap3A_37 {strides = array<i32>} : memref<4x80xi32, #tpu.memory_space<vmem>>, vector<1x16xi32>,
    %shift_right_logical3A_38 = arith.constant 14 : i32
    %shift_right_logical3A_39 = vector.broadcast %shift_right_logical3A_38 : i32 to vector<16xi32>
    %shift_right_logical3A_40 = arith.shrui %get3A_28, %shift_right_logical3A_39 : vector<16xi32>
    %swap3A_41 = arith.constant 0 : i32
    %swap3A_42 = arith.index_cast %swap3A_41 : i32 to index
    %swap3A_43 = arith.constant 16 : index
    %swap3A_44 = tpu.vector_load %arg10[%swap3A_42, %swap3A_43] {strides = array<i32>} : memref<4x80xi32, #tpu.memory_space<vmem>>, vector<1x16xi32>,
    %swap3A_45 = vector.shape_cast %swap3A_44 : vector<1x16xi32> to vector<16xi32>
    %swap3A_46 = vector.shape_cast %shift_right_logical3A_40 : vector<16xi32> to vector<1x16xi32>
    tpu.vector_store %arg10[%swap3A_42, %swap3A_43], %swap3A_46 {strides = array<i32>} : memref<4x80xi32, #tpu.memory_space<vmem>>, vector<1x16xi32>,
    %get3A_47 = arith.constant 0 : i32
    %get3A_48 = arith.index_cast %get3A_47 : i32 to index
    %get3A_49 = arith.constant 32 : index
    %get3A_50 = tpu.vector_load %arg8[%get3A_48, %get3A_49] {strides = array<i32>} : memref<4x80xi32, #tpu.memory_space<vmem>>, vector<1x16xi32>,
    %get3A_51 = vector.shape_cast %get3A_50 : vector<1x16xi32> to vector<16xi32>
    %rem3A_52 = arith.constant 16384 : i32
    %rem3A_53 = vector.broadcast %rem3A_52 : i32 to vector<16xi32>
    %rem3A_54 = arith.remsi %get3A_51, %rem3A_53 : vector<16xi32>
    %swap3A_55 = arith.constant 0 : i32
    %swap3A_56 = arith.index_cast %swap3A_55 : i32 to index
    %swap3A_57 = arith.constant 32 : index
    %swap3A_58 = tpu.vector_load %arg9[%swap3A_56, %swap3A_57] {strides = array<i32>} : memref<4x80xi32, #tpu.memory_space<vmem>>, vector<1x16xi32>,
    %swap3A_59 = vector.shape_cast %swap3A_58 : vector<1x16xi32> to vector<16xi32>
    %swap3A_60 = vector.shape_cast %rem3A_54 : vector<16xi32> to vector<1x16xi32>
    tpu.vector_store %arg9[%swap3A_56, %swap3A_57], %swap3A_60 {strides = array<i32>} : memref<4x80xi32, #tpu.memory_space<vmem>>, vector<1x16xi32>,
    %shift_right_logical3A_61 = arith.constant 14 : i32
    %shift_right_logical3A_62 = vector.broadcast %shift_right_logical3A_61 : i32 to vector<16xi32>
    %shift_right_logical3A_63 = arith.shrui %get3A_51, %shift_right_logical3A_62 : vector<16xi32>
    %swap3A_64 = arith.constant 0 : i32
    %swap3A_65 = arith.index_cast %swap3A_64 : i32 to index
    %swap3A_66 = arith.constant 32 : index
    %swap3A_67 = tpu.vector_load %arg10[%swap3A_65, %swap3A_66] {strides = array<i32>} : memref<4x80xi32, #tpu.memory_space<vmem>>, vector<1x16xi32>,
    %swap3A_68 = vector.shape_cast %swap3A_67 : vector<1x16xi32> to vector<16xi32>
    %swap3A_69 = vector.shape_cast %shift_right_logical3A_63 : vector<16xi32> to vector<1x16xi32>
    tpu.vector_store %arg10[%swap3A_65, %swap3A_66], %swap3A_69 {strides = array<i32>} : memref<4x80xi32, #tpu.memory_space<vmem>>, vector<1x16xi32>,
    %get3A_70 = arith.constant 0 : i32
    %get3A_71 = arith.index_cast %get3A_70 : i32 to index
    %get3A_72 = arith.constant 48 : index
    %get3A_73 = tpu.vector_load %arg8[%get3A_71, %get3A_72] {strides = array<i32>} : memref<4x80xi32, #tpu.memory_space<vmem>>, vector<1x16xi32>,
    %get3A_74 = vector.shape_cast %get3A_73 : vector<1x16xi32> to vector<16xi32>
    %rem3A_75 = arith.constant 16384 : i32
    %rem3A_76 = vector.broadcast %rem3A_75 : i32 to vector<16xi32>
    %rem3A_77 = arith.remsi %get3A_74, %rem3A_76 : vector<16xi32>
    %swap3A_78 = arith.constant 0 : i32
    %swap3A_79 = arith.index_cast %swap3A_78 : i32 to index
    %swap3A_80 = arith.constant 48 : index
    %swap3A_81 = tpu.vector_load %arg9[%swap3A_79, %swap3A_80] {strides = array<i32>} : memref<4x80xi32, #tpu.memory_space<vmem>>, vector<1x16xi32>,
    %swap3A_82 = vector.shape_cast %swap3A_81 : vector<1x16xi32> to vector<16xi32>
    %swap3A_83 = vector.shape_cast %rem3A_77 : vector<16xi32> to vector<1x16xi32>
    tpu.vector_store %arg9[%swap3A_79, %swap3A_80], %swap3A_83 {strides = array<i32>} : memref<4x80xi32, #tpu.memory_space<vmem>>, vector<1x16xi32>,
    %shift_right_logical3A_84 = arith.constant 14 : i32
    %shift_right_logical3A_85 = vector.broadcast %shift_right_logical3A_84 : i32 to vector<16xi32>
    %shift_right_logical3A_86 = arith.shrui %get3A_74, %shift_right_logical3A_85 : vector<16xi32>
    %swap3A_87 = arith.constant 0 : i32
    %swap3A_88 = arith.index_cast %swap3A_87 : i32 to index
    %swap3A_89 = arith.constant 48 : index
    %swap3A_90 = tpu.vector_load %arg10[%swap3A_88, %swap3A_89] {strides = array<i32>} : memref<4x80xi32, #tpu.memory_space<vmem>>, vector<1x16xi32>,
    %swap3A_91 = vector.shape_cast %swap3A_90 : vector<1x16xi32> to vector<16xi32>
    %swap3A_92 = vector.shape_cast %shift_right_logical3A_86 : vector<16xi32> to vector<1x16xi32>
    tpu.vector_store %arg10[%swap3A_88, %swap3A_89], %swap3A_92 {strides = array<i32>} : memref<4x80xi32, #tpu.memory_space<vmem>>, vector<1x16xi32>,
    %get3A_93 = arith.constant 0 : i32
    %get3A_94 = arith.index_cast %get3A_93 : i32 to index
    %get3A_95 = arith.constant 64 : index
    %get3A_96 = tpu.vector_load %arg8[%get3A_94, %get3A_95] {strides = array<i32>} : memref<4x80xi32, #tpu.memory_space<vmem>>, vector<1x16xi32>,
    %get3A_97 = vector.shape_cast %get3A_96 : vector<1x16xi32> to vector<16xi32>
    %rem3A_98 = arith.constant 16384 : i32
    %rem3A_99 = vector.broadcast %rem3A_98 : i32 to vector<16xi32>
    %rem3A_100 = arith.remsi %get3A_97, %rem3A_99 : vector<16xi32>
    %swap3A_101 = arith.constant 0 : i32
    %swap3A_102 = arith.index_cast %swap3A_101 : i32 to index
    %swap3A_103 = arith.constant 64 : index
    %swap3A_104 = tpu.vector_load %arg9[%swap3A_102, %swap3A_103] {strides = array<i32>} : memref<4x80xi32, #tpu.memory_space<vmem>>, vector<1x16xi32>,
    %swap3A_105 = vector.shape_cast %swap3A_104 : vector<1x16xi32> to vector<16xi32>
    %swap3A_106 = vector.shape_cast %rem3A_100 : vector<16xi32> to vector<1x16xi32>
    tpu.vector_store %arg9[%swap3A_102, %swap3A_103], %swap3A_106 {strides = array<i32>} : memref<4x80xi32, #tpu.memory_space<vmem>>, vector<1x16xi32>,
    %shift_right_logical3A_107 = arith.constant 14 : i32
    %shift_right_logical3A_108 = vector.broadcast %shift_right_logical3A_107 : i32 to vector<16xi32>
    %shift_right_logical3A_109 = arith.shrui %get3A_97, %shift_right_logical3A_108 : vector<16xi32>
    %swap3A_110 = arith.constant 0 : i32
    %swap3A_111 = arith.index_cast %swap3A_110 : i32 to index
    %swap3A_112 = arith.constant 64 : index
    %swap3A_113 = tpu.vector_load %arg10[%swap3A_111, %swap3A_112] {strides = array<i32>} : memref<4x80xi32, #tpu.memory_space<vmem>>, vector<1x16xi32>,
    %swap3A_114 = vector.shape_cast %swap3A_113 : vector<1x16xi32> to vector<16xi32>
    %swap3A_115 = vector.shape_cast %shift_right_logical3A_109 : vector<16xi32> to vector<1x16xi32>
    tpu.vector_store %arg10[%swap3A_111, %swap3A_112], %swap3A_115 {strides = array<i32>} : memref<4x80xi32, #tpu.memory_space<vmem>>, vector<1x16xi32>,
    %dma_start3A = arith.constant 0 : i32
    %dma_start3A_116 = arith.constant 0 : i32
    %dma_start3A_117 = arith.constant 0 : i32
    %dma_start3A_118 = arith.constant 0 : i32
    %dma_start3A_119 = tpu.memref_slice %arg11[%dma_start3A_116, %dma_start3A_117, %dma_start3A_118] : memref<4x80x128xf32, #tpu.memory_space<vmem>> -> memref<1x80x128xf32, #tpu.memory_space<vmem>>
    %dma_start3A_120 = tpu.memref_squeeze %dma_start3A_119 : memref<1x80x128xf32, #tpu.memory_space<vmem>> -> memref<80x128xf32, #tpu.memory_space<vmem>>
    %dma_start3A_121 = arith.constant 0 : i32
    %dma_start3A_122 = tpu.memref_slice %arg9[%dma_start3A, %dma_start3A_121] : memref<4x80xi32, #tpu.memory_space<vmem>> -> memref<1x80xi32, #tpu.memory_space<vmem>>
    %dma_start3A_123 = tpu.memref_squeeze %dma_start3A_122 : memref<1x80xi32, #tpu.memory_space<vmem>> -> memref<80xi32, #tpu.memory_space<vmem>>
    %dma_start3A_124 = arith.constant 0 : i32
    %dma_start3A_125 = arith.constant 0 : i32
    %dma_start3A_126 = tpu.memref_slice %arg2[%dma_start3A_124, %dma_start3A_125] : memref<10000x128xf32, #tpu.memory_space<hbm>> -> memref<10000x128xf32, #tpu.memory_space<hbm>>
    tpu.enqueue_indirect_dma source(%dma_start3A_126 : memref<10000x128xf32, #tpu.memory_space<hbm>>) target(%dma_start3A_120 : memref<80x128xf32, #tpu.memory_space<vmem>>) offsets(%dma_start3A_123 : memref<80xi32, #tpu.memory_space<vmem>>) semaphore(%arg15 : memref<!tpu.dma_semaphore, #tpu.memory_space<semaphore_mem>>)
    %add3A_127 = arith.constant 80 : i32
    %add3A_128 = arith.addi %mul3A_2, %add3A_127 : i32
    %run_scoped3A_129 = arith.constant 1 : i32
    "tpu.region"() ({
      %run_scoped3A_465 = tpu.sem_alloc : memref<!tpu.dma_semaphore, #tpu.memory_space<semaphore_mem>>
      %dma_start3A_466 = arith.constant 0 : i32
      %dma_start3A_467 = tpu.memref_slice %arg8[%run_scoped3A_129, %dma_start3A_466] : memref<4x80xi32, #tpu.memory_space<vmem>> -> memref<1x80xi32, #tpu.memory_space<vmem>>
      %dma_start3A_468 = tpu.memref_squeeze %dma_start3A_467 : memref<1x80xi32, #tpu.memory_space<vmem>> -> memref<80xi32, #tpu.memory_space<vmem>>
      %dma_start3A_469 = tpu.memref_slice %arg3[%add3A_128] : memref<320000xi32, #tpu.memory_space<hbm>> -> memref<80xi32, #tpu.memory_space<hbm>>
      %dma_start3A_470 = arith.constant 0 : i32
      %dma_start3A_471 = tpu.memref_slice %arg8[%run_scoped3A_129, %dma_start3A_470] : memref<4x80xi32, #tpu.memory_space<vmem>> -> memref<1x80xi32, #tpu.memory_space<vmem>>
      %dma_start3A_472 = tpu.memref_squeeze %dma_start3A_471 : memref<1x80xi32, #tpu.memory_space<vmem>> -> memref<80xi32, #tpu.memory_space<vmem>>
      %dma_start3A_473 = tpu.memref_slice %arg3[%add3A_128] : memref<320000xi32, #tpu.memory_space<hbm>> -> memref<80xi32, #tpu.memory_space<hbm>>
      tpu.enqueue_dma source(%dma_start3A_473 : memref<80xi32, #tpu.memory_space<hbm>>) target(%dma_start3A_472 : memref<80xi32, #tpu.memory_space<vmem>>) target_semaphore(%run_scoped3A_465 : memref<!tpu.dma_semaphore, #tpu.memory_space<semaphore_mem>>)
      %dma_wait3A_474 = arith.constant 0 : i32
      %dma_wait3A_475 = tpu.memref_slice %arg8[%run_scoped3A_129, %dma_wait3A_474] : memref<4x80xi32, #tpu.memory_space<vmem>> -> memref<1x80xi32, #tpu.memory_space<vmem>>
      %dma_wait3A_476 = tpu.memref_squeeze %dma_wait3A_475 : memref<1x80xi32, #tpu.memory_space<vmem>> -> memref<80xi32, #tpu.memory_space<vmem>>
      %dma_wait3A_477 = tpu.memref_slice %arg3[%add3A_128] : memref<320000xi32, #tpu.memory_space<hbm>> -> memref<80xi32, #tpu.memory_space<hbm>>
      %dma_wait3A_478 = arith.constant 0 : i32
      %dma_wait3A_479 = tpu.memref_slice %arg8[%run_scoped3A_129, %dma_wait3A_478] : memref<4x80xi32, #tpu.memory_space<vmem>> -> memref<1x80xi32, #tpu.memory_space<vmem>>
      %dma_wait3A_480 = tpu.memref_squeeze %dma_wait3A_479 : memref<1x80xi32, #tpu.memory_space<vmem>> -> memref<80xi32, #tpu.memory_space<vmem>>
      %dma_wait3A_481 = tpu.memref_slice %arg3[%add3A_128] : memref<320000xi32, #tpu.memory_space<hbm>> -> memref<80xi32, #tpu.memory_space<hbm>>
      tpu.wait_dma2 semaphore(%run_scoped3A_465 : memref<!tpu.dma_semaphore, #tpu.memory_space<semaphore_mem>>) src(%dma_wait3A_481 : memref<80xi32, #tpu.memory_space<hbm>>) dst(%dma_wait3A_480 : memref<80xi32, #tpu.memory_space<vmem>>)
      tpu.yield
    }) : () -> ()
    %get3A_130 = arith.constant 1 : i32
    %get3A_131 = arith.index_cast %get3A_130 : i32 to index
    %get3A_132 = arith.constant 0 : index
    %get3A_133 = tpu.vector_load %arg8[%get3A_131, %get3A_132] {strides = array<i32>} : memref<4x80xi32, #tpu.memory_space<vmem>>, vector<1x16xi32>,
    %get3A_134 = vector.shape_cast %get3A_133 : vector<1x16xi32> to vector<16xi32>
    %rem3A_135 = arith.constant 16384 : i32
    %rem3A_136 = vector.broadcast %rem3A_135 : i32 to vector<16xi32>
    %rem3A_137 = arith.remsi %get3A_134, %rem3A_136 : vector<16xi32>
    %swap3A_138 = arith.constant 1 : i32
    %swap3A_139 = arith.index_cast %swap3A_138 : i32 to index
    %swap3A_140 = arith.constant 0 : index
    %swap3A_141 = tpu.vector_load %arg9[%swap3A_139, %swap3A_140] {strides = array<i32>} : memref<4x80xi32, #tpu.memory_space<vmem>>, vector<1x16xi32>,
    %swap3A_142 = vector.shape_cast %swap3A_141 : vector<1x16xi32> to vector<16xi32>
    %swap3A_143 = vector.shape_cast %rem3A_137 : vector<16xi32> to vector<1x16xi32>
    tpu.vector_store %arg9[%swap3A_139, %swap3A_140], %swap3A_143 {strides = array<i32>} : memref<4x80xi32, #tpu.memory_space<vmem>>, vector<1x16xi32>,
    %shift_right_logical3A_144 = arith.constant 14 : i32
    %shift_right_logical3A_145 = vector.broadcast %shift_right_logical3A_144 : i32 to vector<16xi32>
    %shift_right_logical3A_146 = arith.shrui %get3A_134, %shift_right_logical3A_145 : vector<16xi32>
    %swap3A_147 = arith.constant 1 : i32
    %swap3A_148 = arith.index_cast %swap3A_147 : i32 to index
    %swap3A_149 = arith.constant 0 : index
    %swap3A_150 = tpu.vector_load %arg10[%swap3A_148, %swap3A_149] {strides = array<i32>} : memref<4x80xi32, #tpu.memory_space<vmem>>, vector<1x16xi32>,
    %swap3A_151 = vector.shape_cast %swap3A_150 : vector<1x16xi32> to vector<16xi32>
    %swap3A_152 = vector.shape_cast %shift_right_logical3A_146 : vector<16xi32> to vector<1x16xi32>
    tpu.vector_store %arg10[%swap3A_148, %swap3A_149], %swap3A_152 {strides = array<i32>} : memref<4x80xi32, #tpu.memory_space<vmem>>, vector<1x16xi32>,
    %get3A_153 = arith.constant 1 : i32
    %get3A_154 = arith.index_cast %get3A_153 : i32 to index
    %get3A_155 = arith.constant 16 : index
    %get3A_156 = tpu.vector_load %arg8[%get3A_154, %get3A_155] {strides = array<i32>} : memref<4x80xi32, #tpu.memory_space<vmem>>, vector<1x16xi32>,
    %get3A_157 = vector.shape_cast %get3A_156 : vector<1x16xi32> to vector<16xi32>
    %rem3A_158 = arith.constant 16384 : i32
    %rem3A_159 = vector.broadcast %rem3A_158 : i32 to vector<16xi32>
    %rem3A_160 = arith.remsi %get3A_157, %rem3A_159 : vector<16xi32>
    %swap3A_161 = arith.constant 1 : i32
    %swap3A_162 = arith.index_cast %swap3A_161 : i32 to index
    %swap3A_163 = arith.constant 16 : index
    %swap3A_164 = tpu.vector_load %arg9[%swap3A_162, %swap3A_163] {strides = array<i32>} : memref<4x80xi32, #tpu.memory_space<vmem>>, vector<1x16xi32>,
    %swap3A_165 = vector.shape_cast %swap3A_164 : vector<1x16xi32> to vector<16xi32>
    %swap3A_166 = vector.shape_cast %rem3A_160 : vector<16xi32> to vector<1x16xi32>
    tpu.vector_store %arg9[%swap3A_162, %swap3A_163], %swap3A_166 {strides = array<i32>} : memref<4x80xi32, #tpu.memory_space<vmem>>, vector<1x16xi32>,
    %shift_right_logical3A_167 = arith.constant 14 : i32
    %shift_right_logical3A_168 = vector.broadcast %shift_right_logical3A_167 : i32 to vector<16xi32>
    %shift_right_logical3A_169 = arith.shrui %get3A_157, %shift_right_logical3A_168 : vector<16xi32>
    %swap3A_170 = arith.constant 1 : i32
    %swap3A_171 = arith.index_cast %swap3A_170 : i32 to index
    %swap3A_172 = arith.constant 16 : index
    %swap3A_173 = tpu.vector_load %arg10[%swap3A_171, %swap3A_172] {strides = array<i32>} : memref<4x80xi32, #tpu.memory_space<vmem>>, vector<1x16xi32>,
    %swap3A_174 = vector.shape_cast %swap3A_173 : vector<1x16xi32> to vector<16xi32>
    %swap3A_175 = vector.shape_cast %shift_right_logical3A_169 : vector<16xi32> to vector<1x16xi32>
    tpu.vector_store %arg10[%swap3A_171, %swap3A_172], %swap3A_175 {strides = array<i32>} : memref<4x80xi32, #tpu.memory_space<vmem>>, vector<1x16xi32>,
    %get3A_176 = arith.constant 1 : i32
    %get3A_177 = arith.index_cast %get3A_176 : i32 to index
    %get3A_178 = arith.constant 32 : index
    %get3A_179 = tpu.vector_load %arg8[%get3A_177, %get3A_178] {strides = array<i32>} : memref<4x80xi32, #tpu.memory_space<vmem>>, vector<1x16xi32>,
    %get3A_180 = vector.shape_cast %get3A_179 : vector<1x16xi32> to vector<16xi32>
    %rem3A_181 = arith.constant 16384 : i32
    %rem3A_182 = vector.broadcast %rem3A_181 : i32 to vector<16xi32>
    %rem3A_183 = arith.remsi %get3A_180, %rem3A_182 : vector<16xi32>
    %swap3A_184 = arith.constant 1 : i32
    %swap3A_185 = arith.index_cast %swap3A_184 : i32 to index
    %swap3A_186 = arith.constant 32 : index
    %swap3A_187 = tpu.vector_load %arg9[%swap3A_185, %swap3A_186] {strides = array<i32>} : memref<4x80xi32, #tpu.memory_space<vmem>>, vector<1x16xi32>,
    %swap3A_188 = vector.shape_cast %swap3A_187 : vector<1x16xi32> to vector<16xi32>
    %swap3A_189 = vector.shape_cast %rem3A_183 : vector<16xi32> to vector<1x16xi32>
    tpu.vector_store %arg9[%swap3A_185, %swap3A_186], %swap3A_189 {strides = array<i32>} : memref<4x80xi32, #tpu.memory_space<vmem>>, vector<1x16xi32>,
    %shift_right_logical3A_190 = arith.constant 14 : i32
    %shift_right_logical3A_191 = vector.broadcast %shift_right_logical3A_190 : i32 to vector<16xi32>
    %shift_right_logical3A_192 = arith.shrui %get3A_180, %shift_right_logical3A_191 : vector<16xi32>
    %swap3A_193 = arith.constant 1 : i32
    %swap3A_194 = arith.index_cast %swap3A_193 : i32 to index
    %swap3A_195 = arith.constant 32 : index
    %swap3A_196 = tpu.vector_load %arg10[%swap3A_194, %swap3A_195] {strides = array<i32>} : memref<4x80xi32, #tpu.memory_space<vmem>>, vector<1x16xi32>,
    %swap3A_197 = vector.shape_cast %swap3A_196 : vector<1x16xi32> to vector<16xi32>
    %swap3A_198 = vector.shape_cast %shift_right_logical3A_192 : vector<16xi32> to vector<1x16xi32>
    tpu.vector_store %arg10[%swap3A_194, %swap3A_195], %swap3A_198 {strides = array<i32>} : memref<4x80xi32, #tpu.memory_space<vmem>>, vector<1x16xi32>,
    %get3A_199 = arith.constant 1 : i32
    %get3A_200 = arith.index_cast %get3A_199 : i32 to index
    %get3A_201 = arith.constant 48 : index
    %get3A_202 = tpu.vector_load %arg8[%get3A_200, %get3A_201] {strides = array<i32>} : memref<4x80xi32, #tpu.memory_space<vmem>>, vector<1x16xi32>,
    %get3A_203 = vector.shape_cast %get3A_202 : vector<1x16xi32> to vector<16xi32>
    %rem3A_204 = arith.constant 16384 : i32
    %rem3A_205 = vector.broadcast %rem3A_204 : i32 to vector<16xi32>
    %rem3A_206 = arith.remsi %get3A_203, %rem3A_205 : vector<16xi32>
    %swap3A_207 = arith.constant 1 : i32
    %swap3A_208 = arith.index_cast %swap3A_207 : i32 to index
    %swap3A_209 = arith.constant 48 : index
    %swap3A_210 = tpu.vector_load %arg9[%swap3A_208, %swap3A_209] {strides = array<i32>} : memref<4x80xi32, #tpu.memory_space<vmem>>, vector<1x16xi32>,
    %swap3A_211 = vector.shape_cast %swap3A_210 : vector<1x16xi32> to vector<16xi32>
    %swap3A_212 = vector.shape_cast %rem3A_206 : vector<16xi32> to vector<1x16xi32>
    tpu.vector_store %arg9[%swap3A_208, %swap3A_209], %swap3A_212 {strides = array<i32>} : memref<4x80xi32, #tpu.memory_space<vmem>>, vector<1x16xi32>,
    %shift_right_logical3A_213 = arith.constant 14 : i32
    %shift_right_logical3A_214 = vector.broadcast %shift_right_logical3A_213 : i32 to vector<16xi32>
    %shift_right_logical3A_215 = arith.shrui %get3A_203, %shift_right_logical3A_214 : vector<16xi32>
    %swap3A_216 = arith.constant 1 : i32
    %swap3A_217 = arith.index_cast %swap3A_216 : i32 to index
    %swap3A_218 = arith.constant 48 : index
    %swap3A_219 = tpu.vector_load %arg10[%swap3A_217, %swap3A_218] {strides = array<i32>} : memref<4x80xi32, #tpu.memory_space<vmem>>, vector<1x16xi32>,
    %swap3A_220 = vector.shape_cast %swap3A_219 : vector<1x16xi32> to vector<16xi32>
    %swap3A_221 = vector.shape_cast %shift_right_logical3A_215 : vector<16xi32> to vector<1x16xi32>
    tpu.vector_store %arg10[%swap3A_217, %swap3A_218], %swap3A_221 {strides = array<i32>} : memref<4x80xi32, #tpu.memory_space<vmem>>, vector<1x16xi32>,
    %get3A_222 = arith.constant 1 : i32
    %get3A_223 = arith.index_cast %get3A_222 : i32 to index
    %get3A_224 = arith.constant 64 : index
    %get3A_225 = tpu.vector_load %arg8[%get3A_223, %get3A_224] {strides = array<i32>} : memref<4x80xi32, #tpu.memory_space<vmem>>, vector<1x16xi32>,
    %get3A_226 = vector.shape_cast %get3A_225 : vector<1x16xi32> to vector<16xi32>
    %rem3A_227 = arith.constant 16384 : i32
    %rem3A_228 = vector.broadcast %rem3A_227 : i32 to vector<16xi32>
    %rem3A_229 = arith.remsi %get3A_226, %rem3A_228 : vector<16xi32>
    %swap3A_230 = arith.constant 1 : i32
    %swap3A_231 = arith.index_cast %swap3A_230 : i32 to index
    %swap3A_232 = arith.constant 64 : index
    %swap3A_233 = tpu.vector_load %arg9[%swap3A_231, %swap3A_232] {strides = array<i32>} : memref<4x80xi32, #tpu.memory_space<vmem>>, vector<1x16xi32>,
    %swap3A_234 = vector.shape_cast %swap3A_233 : vector<1x16xi32> to vector<16xi32>
    %swap3A_235 = vector.shape_cast %rem3A_229 : vector<16xi32> to vector<1x16xi32>
    tpu.vector_store %arg9[%swap3A_231, %swap3A_232], %swap3A_235 {strides = array<i32>} : memref<4x80xi32, #tpu.memory_space<vmem>>, vector<1x16xi32>,
    %shift_right_logical3A_236 = arith.constant 14 : i32
    %shift_right_logical3A_237 = vector.broadcast %shift_right_logical3A_236 : i32 to vector<16xi32>
    %shift_right_logical3A_238 = arith.shrui %get3A_226, %shift_right_logical3A_237 : vector<16xi32>
    %swap3A_239 = arith.constant 1 : i32
    %swap3A_240 = arith.index_cast %swap3A_239 : i32 to index
    %swap3A_241 = arith.constant 64 : index
    %swap3A_242 = tpu.vector_load %arg10[%swap3A_240, %swap3A_241] {strides = array<i32>} : memref<4x80xi32, #tpu.memory_space<vmem>>, vector<1x16xi32>,
    %swap3A_243 = vector.shape_cast %swap3A_242 : vector<1x16xi32> to vector<16xi32>
    %swap3A_244 = vector.shape_cast %shift_right_logical3A_238 : vector<16xi32> to vector<1x16xi32>
    tpu.vector_store %arg10[%swap3A_240, %swap3A_241], %swap3A_244 {strides = array<i32>} : memref<4x80xi32, #tpu.memory_space<vmem>>, vector<1x16xi32>,
    %dma_start3A_245 = arith.constant 1 : i32
    %dma_start3A_246 = arith.constant 1 : i32
    %dma_start3A_247 = arith.constant 0 : i32
    %dma_start3A_248 = arith.constant 0 : i32
    %dma_start3A_249 = tpu.memref_slice %arg11[%dma_start3A_246, %dma_start3A_247, %dma_start3A_248] : memref<4x80x128xf32, #tpu.memory_space<vmem>> -> memref<1x80x128xf32, #tpu.memory_space<vmem>>
    %dma_start3A_250 = tpu.memref_squeeze %dma_start3A_249 : memref<1x80x128xf32, #tpu.memory_space<vmem>> -> memref<80x128xf32, #tpu.memory_space<vmem>>
    %dma_start3A_251 = arith.constant 0 : i32
    %dma_start3A_252 = tpu.memref_slice %arg9[%dma_start3A_245, %dma_start3A_251] : memref<4x80xi32, #tpu.memory_space<vmem>> -> memref<1x80xi32, #tpu.memory_space<vmem>>
    %dma_start3A_253 = tpu.memref_squeeze %dma_start3A_252 : memref<1x80xi32, #tpu.memory_space<vmem>> -> memref<80xi32, #tpu.memory_space<vmem>>
    %dma_start3A_254 = arith.constant 0 : i32
    %dma_start3A_255 = arith.constant 0 : i32
    %dma_start3A_256 = tpu.memref_slice %arg2[%dma_start3A_254, %dma_start3A_255] : memref<10000x128xf32, #tpu.memory_space<hbm>> -> memref<10000x128xf32, #tpu.memory_space<hbm>>
    tpu.enqueue_indirect_dma source(%dma_start3A_256 : memref<10000x128xf32, #tpu.memory_space<hbm>>) target(%dma_start3A_250 : memref<80x128xf32, #tpu.memory_space<vmem>>) offsets(%dma_start3A_253 : memref<80xi32, #tpu.memory_space<vmem>>) semaphore(%arg15 : memref<!tpu.dma_semaphore, #tpu.memory_space<semaphore_mem>>)
    %add3A_257 = arith.constant 160 : i32
    %add3A_258 = arith.addi %mul3A_2, %add3A_257 : i32
    %run_scoped3A_259 = arith.constant 2 : i32
    "tpu.region"() ({
      %run_scoped3A_465 = tpu.sem_alloc : memref<!tpu.dma_semaphore, #tpu.memory_space<semaphore_mem>>
      %dma_start3A_466 = arith.constant 0 : i32
      %dma_start3A_467 = tpu.memref_slice %arg8[%run_scoped3A_259, %dma_start3A_466] : memref<4x80xi32, #tpu.memory_space<vmem>> -> memref<1x80xi32, #tpu.memory_space<vmem>>
      %dma_start3A_468 = tpu.memref_squeeze %dma_start3A_467 : memref<1x80xi32, #tpu.memory_space<vmem>> -> memref<80xi32, #tpu.memory_space<vmem>>
      %dma_start3A_469 = tpu.memref_slice %arg3[%add3A_258] : memref<320000xi32, #tpu.memory_space<hbm>> -> memref<80xi32, #tpu.memory_space<hbm>>
      %dma_start3A_470 = arith.constant 0 : i32
      %dma_start3A_471 = tpu.memref_slice %arg8[%run_scoped3A_259, %dma_start3A_470] : memref<4x80xi32, #tpu.memory_space<vmem>> -> memref<1x80xi32, #tpu.memory_space<vmem>>
      %dma_start3A_472 = tpu.memref_squeeze %dma_start3A_471 : memref<1x80xi32, #tpu.memory_space<vmem>> -> memref<80xi32, #tpu.memory_space<vmem>>
      %dma_start3A_473 = tpu.memref_slice %arg3[%add3A_258] : memref<320000xi32, #tpu.memory_space<hbm>> -> memref<80xi32, #tpu.memory_space<hbm>>
      tpu.enqueue_dma source(%dma_start3A_473 : memref<80xi32, #tpu.memory_space<hbm>>) target(%dma_start3A_472 : memref<80xi32, #tpu.memory_space<vmem>>) target_semaphore(%run_scoped3A_465 : memref<!tpu.dma_semaphore, #tpu.memory_space<semaphore_mem>>)
      %dma_wait3A_474 = arith.constant 0 : i32
      %dma_wait3A_475 = tpu.memref_slice %arg8[%run_scoped3A_259, %dma_wait3A_474] : memref<4x80xi32, #tpu.memory_space<vmem>> -> memref<1x80xi32, #tpu.memory_space<vmem>>
      %dma_wait3A_476 = tpu.memref_squeeze %dma_wait3A_475 : memref<1x80xi32, #tpu.memory_space<vmem>> -> memref<80xi32, #tpu.memory_space<vmem>>
      %dma_wait3A_477 = tpu.memref_slice %arg3[%add3A_258] : memref<320000xi32, #tpu.memory_space<hbm>> -> memref<80xi32, #tpu.memory_space<hbm>>
      %dma_wait3A_478 = arith.constant 0 : i32
      %dma_wait3A_479 = tpu.memref_slice %arg8[%run_scoped3A_259, %dma_wait3A_478] : memref<4x80xi32, #tpu.memory_space<vmem>> -> memref<1x80xi32, #tpu.memory_space<vmem>>
      %dma_wait3A_480 = tpu.memref_squeeze %dma_wait3A_479 : memref<1x80xi32, #tpu.memory_space<vmem>> -> memref<80xi32, #tpu.memory_space<vmem>>
      %dma_wait3A_481 = tpu.memref_slice %arg3[%add3A_258] : memref<320000xi32, #tpu.memory_space<hbm>> -> memref<80xi32, #tpu.memory_space<hbm>>
      tpu.wait_dma2 semaphore(%run_scoped3A_465 : memref<!tpu.dma_semaphore, #tpu.memory_space<semaphore_mem>>) src(%dma_wait3A_481 : memref<80xi32, #tpu.memory_space<hbm>>) dst(%dma_wait3A_480 : memref<80xi32, #tpu.memory_space<vmem>>)
      tpu.yield
    }) : () -> ()
    %get3A_260 = arith.constant 2 : i32
    %get3A_261 = arith.index_cast %get3A_260 : i32 to index
    %get3A_262 = arith.constant 0 : index
    %get3A_263 = tpu.vector_load %arg8[%get3A_261, %get3A_262] {strides = array<i32>} : memref<4x80xi32, #tpu.memory_space<vmem>>, vector<1x16xi32>,
    %get3A_264 = vector.shape_cast %get3A_263 : vector<1x16xi32> to vector<16xi32>
    %rem3A_265 = arith.constant 16384 : i32
    %rem3A_266 = vector.broadcast %rem3A_265 : i32 to vector<16xi32>
    %rem3A_267 = arith.remsi %get3A_264, %rem3A_266 : vector<16xi32>
    %swap3A_268 = arith.constant 2 : i32
    %swap3A_269 = arith.index_cast %swap3A_268 : i32 to index
    %swap3A_270 = arith.constant 0 : index
    %swap3A_271 = tpu.vector_load %arg9[%swap3A_269, %swap3A_270] {strides = array<i32>} : memref<4x80xi32, #tpu.memory_space<vmem>>, vector<1x16xi32>,
    %swap3A_272 = vector.shape_cast %swap3A_271 : vector<1x16xi32> to vector<16xi32>
    %swap3A_273 = vector.shape_cast %rem3A_267 : vector<16xi32> to vector<1x16xi32>
    tpu.vector_store %arg9[%swap3A_269, %swap3A_270], %swap3A_273 {strides = array<i32>} : memref<4x80xi32, #tpu.memory_space<vmem>>, vector<1x16xi32>,
    %shift_right_logical3A_274 = arith.constant 14 : i32
    %shift_right_logical3A_275 = vector.broadcast %shift_right_logical3A_274 : i32 to vector<16xi32>
    %shift_right_logical3A_276 = arith.shrui %get3A_264, %shift_right_logical3A_275 : vector<16xi32>
    %swap3A_277 = arith.constant 2 : i32
    %swap3A_278 = arith.index_cast %swap3A_277 : i32 to index
    %swap3A_279 = arith.constant 0 : index
    %swap3A_280 = tpu.vector_load %arg10[%swap3A_278, %swap3A_279] {strides = array<i32>} : memref<4x80xi32, #tpu.memory_space<vmem>>, vector<1x16xi32>,
    %swap3A_281 = vector.shape_cast %swap3A_280 : vector<1x16xi32> to vector<16xi32>
    %swap3A_282 = vector.shape_cast %shift_right_logical3A_276 : vector<16xi32> to vector<1x16xi32>
    tpu.vector_store %arg10[%swap3A_278, %swap3A_279], %swap3A_282 {strides = array<i32>} : memref<4x80xi32, #tpu.memory_space<vmem>>, vector<1x16xi32>,
    %get3A_283 = arith.constant 2 : i32
    %get3A_284 = arith.index_cast %get3A_283 : i32 to index
    %get3A_285 = arith.constant 16 : index
    %get3A_286 = tpu.vector_load %arg8[%get3A_284, %get3A_285] {strides = array<i32>} : memref<4x80xi32, #tpu.memory_space<vmem>>, vector<1x16xi32>,
    %get3A_287 = vector.shape_cast %get3A_286 : vector<1x16xi32> to vector<16xi32>
    %rem3A_288 = arith.constant 16384 : i32
    %rem3A_289 = vector.broadcast %rem3A_288 : i32 to vector<16xi32>
    %rem3A_290 = arith.remsi %get3A_287, %rem3A_289 : vector<16xi32>
    %swap3A_291 = arith.constant 2 : i32
    %swap3A_292 = arith.index_cast %swap3A_291 : i32 to index
    %swap3A_293 = arith.constant 16 : index
    %swap3A_294 = tpu.vector_load %arg9[%swap3A_292, %swap3A_293] {strides = array<i32>} : memref<4x80xi32, #tpu.memory_space<vmem>>, vector<1x16xi32>,
    %swap3A_295 = vector.shape_cast %swap3A_294 : vector<1x16xi32> to vector<16xi32>
    %swap3A_296 = vector.shape_cast %rem3A_290 : vector<16xi32> to vector<1x16xi32>
    tpu.vector_store %arg9[%swap3A_292, %swap3A_293], %swap3A_296 {strides = array<i32>} : memref<4x80xi32, #tpu.memory_space<vmem>>, vector<1x16xi32>,
    %shift_right_logical3A_297 = arith.constant 14 : i32
    %shift_right_logical3A_298 = vector.broadcast %shift_right_logical3A_297 : i32 to vector<16xi32>
    %shift_right_logical3A_299 = arith.shrui %get3A_287, %shift_right_logical3A_298 : vector<16xi32>
    %swap3A_300 = arith.constant 2 : i32
    %swap3A_301 = arith.index_cast %swap3A_300 : i32 to index
    %swap3A_302 = arith.constant 16 : index
    %swap3A_303 = tpu.vector_load %arg10[%swap3A_301, %swap3A_302] {strides = array<i32>} : memref<4x80xi32, #tpu.memory_space<vmem>>, vector<1x16xi32>,
    %swap3A_304 = vector.shape_cast %swap3A_303 : vector<1x16xi32> to vector<16xi32>
    %swap3A_305 = vector.shape_cast %shift_right_logical3A_299 : vector<16xi32> to vector<1x16xi32>
    tpu.vector_store %arg10[%swap3A_301, %swap3A_302], %swap3A_305 {strides = array<i32>} : memref<4x80xi32, #tpu.memory_space<vmem>>, vector<1x16xi32>,
    %get3A_306 = arith.constant 2 : i32
    %get3A_307 = arith.index_cast %get3A_306 : i32 to index
    %get3A_308 = arith.constant 32 : index
    %get3A_309 = tpu.vector_load %arg8[%get3A_307, %get3A_308] {strides = array<i32>} : memref<4x80xi32, #tpu.memory_space<vmem>>, vector<1x16xi32>,
    %get3A_310 = vector.shape_cast %get3A_309 : vector<1x16xi32> to vector<16xi32>
    %rem3A_311 = arith.constant 16384 : i32
    %rem3A_312 = vector.broadcast %rem3A_311 : i32 to vector<16xi32>
    %rem3A_313 = arith.remsi %get3A_310, %rem3A_312 : vector<16xi32>
    %swap3A_314 = arith.constant 2 : i32
    %swap3A_315 = arith.index_cast %swap3A_314 : i32 to index
    %swap3A_316 = arith.constant 32 : index
    %swap3A_317 = tpu.vector_load %arg9[%swap3A_315, %swap3A_316] {strides = array<i32>} : memref<4x80xi32, #tpu.memory_space<vmem>>, vector<1x16xi32>,
    %swap3A_318 = vector.shape_cast %swap3A_317 : vector<1x16xi32> to vector<16xi32>
    %swap3A_319 = vector.shape_cast %rem3A_313 : vector<16xi32> to vector<1x16xi32>
    tpu.vector_store %arg9[%swap3A_315, %swap3A_316], %swap3A_319 {strides = array<i32>} : memref<4x80xi32, #tpu.memory_space<vmem>>, vector<1x16xi32>,
    %shift_right_logical3A_320 = arith.constant 14 : i32
    %shift_right_logical3A_321 = vector.broadcast %shift_right_logical3A_320 : i32 to vector<16xi32>
    %shift_right_logical3A_322 = arith.shrui %get3A_310, %shift_right_logical3A_321 : vector<16xi32>
    %swap3A_323 = arith.constant 2 : i32
    %swap3A_324 = arith.index_cast %swap3A_323 : i32 to index
    %swap3A_325 = arith.constant 32 : index
    %swap3A_326 = tpu.vector_load %arg10[%swap3A_324, %swap3A_325] {strides = array<i32>} : memref<4x80xi32, #tpu.memory_space<vmem>>, vector<1x16xi32>,
    %swap3A_327 = vector.shape_cast %swap3A_326 : vector<1x16xi32> to vector<16xi32>
    %swap3A_328 = vector.shape_cast %shift_right_logical3A_322 : vector<16xi32> to vector<1x16xi32>
    tpu.vector_store %arg10[%swap3A_324, %swap3A_325], %swap3A_328 {strides = array<i32>} : memref<4x80xi32, #tpu.memory_space<vmem>>, vector<1x16xi32>,
    %get3A_329 = arith.constant 2 : i32
    %get3A_330 = arith.index_cast %get3A_329 : i32 to index
    %get3A_331 = arith.constant 48 : index
    %get3A_332 = tpu.vector_load %arg8[%get3A_330, %get3A_331] {strides = array<i32>} : memref<4x80xi32, #tpu.memory_space<vmem>>, vector<1x16xi32>,
    %get3A_333 = vector.shape_cast %get3A_332 : vector<1x16xi32> to vector<16xi32>
    %rem3A_334 = arith.constant 16384 : i32
    %rem3A_335 = vector.broadcast %rem3A_334 : i32 to vector<16xi32>
    %rem3A_336 = arith.remsi %get3A_333, %rem3A_335 : vector<16xi32>
    %swap3A_337 = arith.constant 2 : i32
    %swap3A_338 = arith.index_cast %swap3A_337 : i32 to index
    %swap3A_339 = arith.constant 48 : index
    %swap3A_340 = tpu.vector_load %arg9[%swap3A_338, %swap3A_339] {strides = array<i32>} : memref<4x80xi32, #tpu.memory_space<vmem>>, vector<1x16xi32>,
    %swap3A_341 = vector.shape_cast %swap3A_340 : vector<1x16xi32> to vector<16xi32>
    %swap3A_342 = vector.shape_cast %rem3A_336 : vector<16xi32> to vector<1x16xi32>
    tpu.vector_store %arg9[%swap3A_338, %swap3A_339], %swap3A_342 {strides = array<i32>} : memref<4x80xi32, #tpu.memory_space<vmem>>, vector<1x16xi32>,
    %shift_right_logical3A_343 = arith.constant 14 : i32
    %shift_right_logical3A_344 = vector.broadcast %shift_right_logical3A_343 : i32 to vector<16xi32>
    %shift_right_logical3A_345 = arith.shrui %get3A_333, %shift_right_logical3A_344 : vector<16xi32>
    %swap3A_346 = arith.constant 2 : i32
    %swap3A_347 = arith.index_cast %swap3A_346 : i32 to index
    %swap3A_348 = arith.constant 48 : index
    %swap3A_349 = tpu.vector_load %arg10[%swap3A_347, %swap3A_348] {strides = array<i32>} : memref<4x80xi32, #tpu.memory_space<vmem>>, vector<1x16xi32>,
    %swap3A_350 = vector.shape_cast %swap3A_349 : vector<1x16xi32> to vector<16xi32>
    %swap3A_351 = vector.shape_cast %shift_right_logical3A_345 : vector<16xi32> to vector<1x16xi32>
    tpu.vector_store %arg10[%swap3A_347, %swap3A_348], %swap3A_351 {strides = array<i32>} : memref<4x80xi32, #tpu.memory_space<vmem>>, vector<1x16xi32>,
    %get3A_352 = arith.constant 2 : i32
    %get3A_353 = arith.index_cast %get3A_352 : i32 to index
    %get3A_354 = arith.constant 64 : index
    %get3A_355 = tpu.vector_load %arg8[%get3A_353, %get3A_354] {strides = array<i32>} : memref<4x80xi32, #tpu.memory_space<vmem>>, vector<1x16xi32>,
    %get3A_356 = vector.shape_cast %get3A_355 : vector<1x16xi32> to vector<16xi32>
    %rem3A_357 = arith.constant 16384 : i32
    %rem3A_358 = vector.broadcast %rem3A_357 : i32 to vector<16xi32>
    %rem3A_359 = arith.remsi %get3A_356, %rem3A_358 : vector<16xi32>
    %swap3A_360 = arith.constant 2 : i32
    %swap3A_361 = arith.index_cast %swap3A_360 : i32 to index
    %swap3A_362 = arith.constant 64 : index
    %swap3A_363 = tpu.vector_load %arg9[%swap3A_361, %swap3A_362] {strides = array<i32>} : memref<4x80xi32, #tpu.memory_space<vmem>>, vector<1x16xi32>,
    %swap3A_364 = vector.shape_cast %swap3A_363 : vector<1x16xi32> to vector<16xi32>
    %swap3A_365 = vector.shape_cast %rem3A_359 : vector<16xi32> to vector<1x16xi32>
    tpu.vector_store %arg9[%swap3A_361, %swap3A_362], %swap3A_365 {strides = array<i32>} : memref<4x80xi32, #tpu.memory_space<vmem>>, vector<1x16xi32>,
    %shift_right_logical3A_366 = arith.constant 14 : i32
    %shift_right_logical3A_367 = vector.broadcast %shift_right_logical3A_366 : i32 to vector<16xi32>
    %shift_right_logical3A_368 = arith.shrui %get3A_356, %shift_right_logical3A_367 : vector<16xi32>
    %swap3A_369 = arith.constant 2 : i32
    %swap3A_370 = arith.index_cast %swap3A_369 : i32 to index
    %swap3A_371 = arith.constant 64 : index
    %swap3A_372 = tpu.vector_load %arg10[%swap3A_370, %swap3A_371] {strides = array<i32>} : memref<4x80xi32, #tpu.memory_space<vmem>>, vector<1x16xi32>,
    %swap3A_373 = vector.shape_cast %swap3A_372 : vector<1x16xi32> to vector<16xi32>
    %swap3A_374 = vector.shape_cast %shift_right_logical3A_368 : vector<16xi32> to vector<1x16xi32>
    tpu.vector_store %arg10[%swap3A_370, %swap3A_371], %swap3A_374 {strides = array<i32>} : memref<4x80xi32, #tpu.memory_space<vmem>>, vector<1x16xi32>,
    %dma_start3A_375 = arith.constant 2 : i32
    %dma_start3A_376 = arith.constant 2 : i32
    %dma_start3A_377 = arith.constant 0 : i32
    %dma_start3A_378 = arith.constant 0 : i32
    %dma_start3A_379 = tpu.memref_slice %arg11[%dma_start3A_376, %dma_start3A_377, %dma_start3A_378] : memref<4x80x128xf32, #tpu.memory_space<vmem>> -> memref<1x80x128xf32, #tpu.memory_space<vmem>>
    %dma_start3A_380 = tpu.memref_squeeze %dma_start3A_379 : memref<1x80x128xf32, #tpu.memory_space<vmem>> -> memref<80x128xf32, #tpu.memory_space<vmem>>
    %dma_start3A_381 = arith.constant 0 : i32
    %dma_start3A_382 = tpu.memref_slice %arg9[%dma_start3A_375, %dma_start3A_381] : memref<4x80xi32, #tpu.memory_space<vmem>> -> memref<1x80xi32, #tpu.memory_space<vmem>>
    %dma_start3A_383 = tpu.memref_squeeze %dma_start3A_382 : memref<1x80xi32, #tpu.memory_space<vmem>> -> memref<80xi32, #tpu.memory_space<vmem>>
    %dma_start3A_384 = arith.constant 0 : i32
    %dma_start3A_385 = arith.constant 0 : i32
    %dma_start3A_386 = tpu.memref_slice %arg2[%dma_start3A_384, %dma_start3A_385] : memref<10000x128xf32, #tpu.memory_space<hbm>> -> memref<10000x128xf32, #tpu.memory_space<hbm>>
    tpu.enqueue_indirect_dma source(%dma_start3A_386 : memref<10000x128xf32, #tpu.memory_space<hbm>>) target(%dma_start3A_380 : memref<80x128xf32, #tpu.memory_space<vmem>>) offsets(%dma_start3A_383 : memref<80xi32, #tpu.memory_space<vmem>>) semaphore(%arg15 : memref<!tpu.dma_semaphore, #tpu.memory_space<semaphore_mem>>)
    %add3A_387 = arith.constant 240 : i32
    %add3A_388 = arith.addi %mul3A_2, %add3A_387 : i32
    %dma_start3A_389 = arith.constant 3 : i32
    %dma_start3A_390 = arith.constant 0 : i32
    %dma_start3A_391 = tpu.memref_slice %arg8[%dma_start3A_389, %dma_start3A_390] : memref<4x80xi32, #tpu.memory_space<vmem>> -> memref<1x80xi32, #tpu.memory_space<vmem>>
    %dma_start3A_392 = tpu.memref_squeeze %dma_start3A_391 : memref<1x80xi32, #tpu.memory_space<vmem>> -> memref<80xi32, #tpu.memory_space<vmem>>
    %dma_start3A_393 = tpu.memref_slice %arg3[%add3A_388] : memref<320000xi32, #tpu.memory_space<hbm>> -> memref<80xi32, #tpu.memory_space<hbm>>
    %dma_start3A_394 = arith.constant 0 : i32
    %dma_start3A_395 = tpu.memref_slice %arg8[%dma_start3A_389, %dma_start3A_394] : memref<4x80xi32, #tpu.memory_space<vmem>> -> memref<1x80xi32, #tpu.memory_space<vmem>>
    %dma_start3A_396 = tpu.memref_squeeze %dma_start3A_395 : memref<1x80xi32, #tpu.memory_space<vmem>> -> memref<80xi32, #tpu.memory_space<vmem>>
    %dma_start3A_397 = tpu.memref_slice %arg3[%add3A_388] : memref<320000xi32, #tpu.memory_space<hbm>> -> memref<80xi32, #tpu.memory_space<hbm>>
    tpu.enqueue_dma source(%dma_start3A_397 : memref<80xi32, #tpu.memory_space<hbm>>) target(%dma_start3A_396 : memref<80xi32, #tpu.memory_space<vmem>>) target_semaphore(%arg17 : memref<!tpu.dma_semaphore, #tpu.memory_space<semaphore_mem>>)
    %mul3A_398 = arith.constant 640 : i32
    %mul3A_399 = arith.muli %arg1, %mul3A_398 : i32
    %mul3A_400 = arith.constant 640 : i32
    %mul3A_401 = arith.muli %arg1, %mul3A_400 : i32
    "tpu.region"() ({
      %run_scoped3A_465 = tpu.sem_alloc : memref<!tpu.dma_semaphore, #tpu.memory_space<semaphore_mem>>
      %dma_start3A_466 = arith.constant 0 : i32
      %dma_start3A_467 = tpu.memref_slice %arg13[%mul3A_401, %dma_start3A_466] : memref<10240x128xf32, #tpu.memory_space<vmem_shared>> -> memref<640x128xf32, #tpu.memory_space<vmem_shared>>
      %dma_start3A_468 = arith.constant 0 : i32
      %dma_start3A_469 = tpu.memref_slice %arg4[%mul3A_399, %dma_start3A_468] : memref<10240x128xf32, #tpu.memory_space<hbm>> -> memref<640x128xf32, #tpu.memory_space<hbm>>
      tpu.enqueue_dma source(%dma_start3A_469 : memref<640x128xf32, #tpu.memory_space<hbm>>) target(%dma_start3A_467 : memref<640x128xf32, #tpu.memory_space<vmem_shared>>) target_semaphore(%run_scoped3A_465 : memref<!tpu.dma_semaphore, #tpu.memory_space<semaphore_mem>>)
      %dma_wait3A_470 = arith.constant 0 : i32
      %dma_wait3A_471 = tpu.memref_slice %arg13[%mul3A_401, %dma_wait3A_470] : memref<10240x128xf32, #tpu.memory_space<vmem_shared>> -> memref<640x128xf32, #tpu.memory_space<vmem_shared>>
      %dma_wait3A_472 = arith.constant 0 : i32
      %dma_wait3A_473 = tpu.memref_slice %arg4[%mul3A_399, %dma_wait3A_472] : memref<10240x128xf32, #tpu.memory_space<hbm>> -> memref<640x128xf32, #tpu.memory_space<hbm>>
      tpu.wait_dma2 semaphore(%run_scoped3A_465 : memref<!tpu.dma_semaphore, #tpu.memory_space<semaphore_mem>>) src(%dma_wait3A_473 : memref<640x128xf32, #tpu.memory_space<hbm>>) dst(%dma_wait3A_471 : memref<640x128xf32, #tpu.memory_space<vmem_shared>>)
      tpu.yield
    }) : () -> ()
    %eq3A = arith.constant 0 : i32
    %eq3A_402 = arith.cmpi eq, %arg1, %eq3A : i32
    %convert_element_type3A = arith.extui %eq3A_402 : i1 to i32
    %cond3A = arith.constant 0 : i32
    %cond3A_403 = arith.cmpi ne, %convert_element_type3A, %cond3A : i32
    scf.if %cond3A_403 {
      "tpu.region"() ({
        %run_scoped3A_465 = tpu.sem_alloc : memref<!tpu.dma_semaphore, #tpu.memory_space<semaphore_mem>>
        tpu.enqueue_dma source(%arg5 : memref<10240xf32, #tpu.memory_space<hbm>>) target(%arg14 : memref<10240xf32, #tpu.memory_space<vmem_shared>>) target_semaphore(%run_scoped3A_465 : memref<!tpu.dma_semaphore, #tpu.memory_space<semaphore_mem>>)
        tpu.wait_dma2 semaphore(%run_scoped3A_465 : memref<!tpu.dma_semaphore, #tpu.memory_space<semaphore_mem>>) src(%arg5 : memref<10240xf32, #tpu.memory_space<hbm>>) dst(%arg14 : memref<10240xf32, #tpu.memory_space<vmem_shared>>)
        tpu.yield
      }) : () -> ()
    } else {
    }
    %broadcast_in_dim3A = arith.constant 1.000000e+00 : f32
    %broadcast_in_dim3A_404 = vector.broadcast %broadcast_in_dim3A : f32 to vector<16xf32>
    %swap3A_405 = arith.constant 0 : index
    %swap3A_406 = tpu.vector_load %arg12[%swap3A_405] {strides = array<i32>} : memref<80xf32, #tpu.memory_space<vmem>>, vector<16xf32>,
    %swap3A_407 = vector.shape_cast %swap3A_406 : vector<16xf32> to vector<16xf32>
    %swap3A_408 = vector.shape_cast %broadcast_in_dim3A_404 : vector<16xf32> to vector<16xf32>
    tpu.vector_store %arg12[%swap3A_405], %swap3A_408 {strides = array<i32>} : memref<80xf32, #tpu.memory_space<vmem>>, vector<16xf32>,
    %broadcast_in_dim3A_409 = arith.constant 1.000000e+00 : f32
    %broadcast_in_dim3A_410 = vector.broadcast %broadcast_in_dim3A_409 : f32 to vector<16xf32>
    %swap3A_411 = arith.constant 16 : index
    %swap3A_412 = tpu.vector_load %arg12[%swap3A_411] {strides = array<i32>} : memref<80xf32, #tpu.memory_space<vmem>>, vector<16xf32>,
    %swap3A_413 = vector.shape_cast %swap3A_412 : vector<16xf32> to vector<16xf32>
    %swap3A_414 = vector.shape_cast %broadcast_in_dim3A_410 : vector<16xf32> to vector<16xf32>
    tpu.vector_store %arg12[%swap3A_411], %swap3A_414 {strides = array<i32>} : memref<80xf32, #tpu.memory_space<vmem>>, vector<16xf32>,
    %broadcast_in_dim3A_415 = arith.constant 1.000000e+00 : f32
    %broadcast_in_dim3A_416 = vector.broadcast %broadcast_in_dim3A_415 : f32 to vector<16xf32>
    %swap3A_417 = arith.constant 32 : index
    %swap3A_418 = tpu.vector_load %arg12[%swap3A_417] {strides = array<i32>} : memref<80xf32, #tpu.memory_space<vmem>>, vector<16xf32>,
    %swap3A_419 = vector.shape_cast %swap3A_418 : vector<16xf32> to vector<16xf32>
    %swap3A_420 = vector.shape_cast %broadcast_in_dim3A_416 : vector<16xf32> to vector<16xf32>
    tpu.vector_store %arg12[%swap3A_417], %swap3A_420 {strides = array<i32>} : memref<80xf32, #tpu.memory_space<vmem>>, vector<16xf32>,
    %broadcast_in_dim3A_421 = arith.constant 1.000000e+00 : f32
    %broadcast_in_dim3A_422 = vector.broadcast %broadcast_in_dim3A_421 : f32 to vector<16xf32>
    %swap3A_423 = arith.constant 48 : index
    %swap3A_424 = tpu.vector_load %arg12[%swap3A_423] {strides = array<i32>} : memref<80xf32, #tpu.memory_space<vmem>>, vector<16xf32>,
    %swap3A_425 = vector.shape_cast %swap3A_424 : vector<16xf32> to vector<16xf32>
    %swap3A_426 = vector.shape_cast %broadcast_in_dim3A_422 : vector<16xf32> to vector<16xf32>
    tpu.vector_store %arg12[%swap3A_423], %swap3A_426 {strides = array<i32>} : memref<80xf32, #tpu.memory_space<vmem>>, vector<16xf32>,
    %broadcast_in_dim3A_427 = arith.constant 1.000000e+00 : f32
    %broadcast_in_dim3A_428 = vector.broadcast %broadcast_in_dim3A_427 : f32 to vector<16xf32>
    %swap3A_429 = arith.constant 64 : index
    %swap3A_430 = tpu.vector_load %arg12[%swap3A_429] {strides = array<i32>} : memref<80xf32, #tpu.memory_space<vmem>>, vector<16xf32>,
    %swap3A_431 = vector.shape_cast %swap3A_430 : vector<16xf32> to vector<16xf32>
    %swap3A_432 = vector.shape_cast %broadcast_in_dim3A_428 : vector<16xf32> to vector<16xf32>
    tpu.vector_store %arg12[%swap3A_429], %swap3A_432 {strides = array<i32>} : memref<80xf32, #tpu.memory_space<vmem>>, vector<16xf32>,
    %barrier3A = arith.constant 0 : index
    tpu.barrier barrier_id(%barrier3A)
    %scan3A = arith.constant 0 : i32
    %scan3A_433 = arith.constant 0 : i32
    %scan3A_434 = arith.constant 125 : i32
    %scan3A_435 = arith.addi %scan3A_433, %scan3A_434 : i32
    %scan3A_436 = arith.constant 1 : i32
    scf.for %scan3A_465 = %scan3A_433 to %scan3A_435 step %scan3A_436  : i32 {
      %rem3A_466 = arith.constant 4 : i32
      %rem3A_467 = arith.remsi %scan3A_465, %rem3A_466 : i32
      %add3A_468 = arith.constant 4 : i32
      %add3A_469 = arith.addi %scan3A_465, %add3A_468 : i32
      %sub3A = arith.constant 1 : i32
      %sub3A_470 = arith.subi %add3A_469, %sub3A : i32
      %rem3A_471 = arith.constant 4 : i32
      %rem3A_472 = arith.remsi %sub3A_470, %rem3A_471 : i32
      %dma_wait3A_473 = arith.constant 0 : i32
      %dma_wait3A_474 = arith.constant 0 : i32
      %dma_wait3A_475 = tpu.memref_slice %arg11[%rem3A_467, %dma_wait3A_473, %dma_wait3A_474] : memref<4x80x128xf32, #tpu.memory_space<vmem>> -> memref<1x80x128xf32, #tpu.memory_space<vmem>>
      %dma_wait3A_476 = tpu.memref_squeeze %dma_wait3A_475 : memref<1x80x128xf32, #tpu.memory_space<vmem>> -> memref<80x128xf32, #tpu.memory_space<vmem>>
      %dma_wait3A_477 = arith.constant 0 : i32
      %dma_wait3A_478 = tpu.memref_slice %arg9[%rem3A_467, %dma_wait3A_477] : memref<4x80xi32, #tpu.memory_space<vmem>> -> memref<1x80xi32, #tpu.memory_space<vmem>>
      %dma_wait3A_479 = tpu.memref_squeeze %dma_wait3A_478 : memref<1x80xi32, #tpu.memory_space<vmem>> -> memref<80xi32, #tpu.memory_space<vmem>>
      %dma_wait3A_480 = arith.constant 0 : i32
      %dma_wait3A_481 = arith.constant 0 : i32
      %dma_wait3A_482 = tpu.memref_slice %arg2[%dma_wait3A_480, %dma_wait3A_481] : memref<10000x128xf32, #tpu.memory_space<hbm>> -> memref<10000x128xf32, #tpu.memory_space<hbm>>
      tpu.wait_indirect_dma semaphore(%arg15 : memref<!tpu.dma_semaphore, #tpu.memory_space<semaphore_mem>>) src(%dma_wait3A_482 : memref<10000x128xf32, #tpu.memory_space<hbm>>) dst(%dma_wait3A_476 : memref<80x128xf32, #tpu.memory_space<vmem>>)
      %gt3A = arith.constant 0 : i32
      %gt3A_483 = arith.cmpi sgt, %scan3A_465, %gt3A : i32
      %convert_element_type3A_484 = arith.extui %gt3A_483 : i1 to i32
      %cond3A_485 = arith.constant 0 : i32
      %cond3A_486 = arith.cmpi ne, %convert_element_type3A_484, %cond3A_485 : i32
      scf.if %cond3A_486 {
        %dma_wait3A_517 = arith.constant 0 : i32
        %dma_wait3A_518 = arith.constant 0 : i32
        %dma_wait3A_519 = tpu.memref_slice %arg11[%rem3A_472, %dma_wait3A_517, %dma_wait3A_518] : memref<4x80x128xf32, #tpu.memory_space<vmem>> -> memref<1x80x128xf32, #tpu.memory_space<vmem>>
        %dma_wait3A_520 = tpu.memref_squeeze %dma_wait3A_519 : memref<1x80x128xf32, #tpu.memory_space<vmem>> -> memref<80x128xf32, #tpu.memory_space<vmem>>
        %dma_wait3A_521 = arith.constant 0 : i32
        %dma_wait3A_522 = tpu.memref_slice %arg10[%rem3A_472, %dma_wait3A_521] : memref<4x80xi32, #tpu.memory_space<vmem>> -> memref<1x80xi32, #tpu.memory_space<vmem>>
        %dma_wait3A_523 = tpu.memref_squeeze %dma_wait3A_522 : memref<1x80xi32, #tpu.memory_space<vmem>> -> memref<80xi32, #tpu.memory_space<vmem>>
        %dma_wait3A_524 = arith.constant 0 : i32
        %dma_wait3A_525 = arith.constant 0 : i32
        %dma_wait3A_526 = tpu.memref_slice %arg13[%dma_wait3A_524, %dma_wait3A_525] : memref<10240x128xf32, #tpu.memory_space<vmem_shared>> -> memref<10240x128xf32, #tpu.memory_space<vmem_shared>>
        tpu.wait_indirect_dma semaphore(%arg16 : memref<!tpu.dma_semaphore, #tpu.memory_space<semaphore_mem>>) src(%dma_wait3A_520 : memref<80x128xf32, #tpu.memory_space<vmem>>) dst(%dma_wait3A_526 : memref<10240x128xf32, #tpu.memory_space<vmem_shared>>)
        %dma_wait3A_527 = arith.constant 0 : i32
        %dma_wait3A_528 = tpu.memref_slice %arg10[%rem3A_472, %dma_wait3A_527] : memref<4x80xi32, #tpu.memory_space<vmem>> -> memref<1x80xi32, #tpu.memory_space<vmem>>
        %dma_wait3A_529 = tpu.memref_squeeze %dma_wait3A_528 : memref<1x80xi32, #tpu.memory_space<vmem>> -> memref<80xi32, #tpu.memory_space<vmem>>
        %dma_wait3A_530 = arith.constant 0 : i32
        %dma_wait3A_531 = tpu.memref_slice %arg14[%dma_wait3A_530] : memref<10240xf32, #tpu.memory_space<vmem_shared>> -> memref<10240xf32, #tpu.memory_space<vmem_shared>>
        tpu.wait_indirect_dma semaphore(%arg16 : memref<!tpu.dma_semaphore, #tpu.memory_space<semaphore_mem>>) src(%arg12 : memref<80xf32, #tpu.memory_space<vmem>>) dst(%dma_wait3A_531 : memref<10240xf32, #tpu.memory_space<vmem_shared>>)
      } else {
      }
      %add3A_487 = arith.constant 4 : i32
      %add3A_488 = arith.addi %scan3A_465, %add3A_487 : i32
      %sub3A_489 = arith.constant 1 : i32
      %sub3A_490 = arith.subi %add3A_488, %sub3A_489 : i32
      %lt3A = arith.constant 125 : i32
      %lt3A_491 = arith.cmpi slt, %sub3A_490, %lt3A : i32
      %convert_element_type3A_492 = arith.extui %lt3A_491 : i1 to i32
      %cond3A_493 = arith.constant 0 : i32
      %cond3A_494 = arith.cmpi ne, %convert_element_type3A_492, %cond3A_493 : i32
      scf.if %cond3A_494 {
        %dma_wait3A_517 = arith.constant 0 : i32
        %dma_wait3A_518 = tpu.memref_slice %arg8[%rem3A_472, %dma_wait3A_517] : memref<4x80xi32, #tpu.memory_space<vmem>> -> memref<1x80xi32, #tpu.memory_space<vmem>>
        %dma_wait3A_519 = tpu.memref_squeeze %dma_wait3A_518 : memref<1x80xi32, #tpu.memory_space<vmem>> -> memref<80xi32, #tpu.memory_space<vmem>>
        %dma_wait3A_520 = tpu.memref_slice %arg3[%mul3A_2] : memref<320000xi32, #tpu.memory_space<hbm>> -> memref<80xi32, #tpu.memory_space<hbm>>
        %dma_wait3A_521 = arith.constant 0 : i32
        %dma_wait3A_522 = tpu.memref_slice %arg8[%rem3A_472, %dma_wait3A_521] : memref<4x80xi32, #tpu.memory_space<vmem>> -> memref<1x80xi32, #tpu.memory_space<vmem>>
        %dma_wait3A_523 = tpu.memref_squeeze %dma_wait3A_522 : memref<1x80xi32, #tpu.memory_space<vmem>> -> memref<80xi32, #tpu.memory_space<vmem>>
        %dma_wait3A_524 = tpu.memref_slice %arg3[%mul3A_2] : memref<320000xi32, #tpu.memory_space<hbm>> -> memref<80xi32, #tpu.memory_space<hbm>>
        tpu.wait_dma2 semaphore(%arg17 : memref<!tpu.dma_semaphore, #tpu.memory_space<semaphore_mem>>) src(%dma_wait3A_524 : memref<80xi32, #tpu.memory_space<hbm>>) dst(%dma_wait3A_523 : memref<80xi32, #tpu.memory_space<vmem>>)
        %get3A_525 = arith.index_cast %rem3A_472 : i32 to index
        %get3A_526 = arith.constant 0 : index
        %get3A_527 = tpu.vector_load %arg8[%get3A_525, %get3A_526] {strides = array<i32>} : memref<4x80xi32, #tpu.memory_space<vmem>>, vector<1x16xi32>,
        %get3A_528 = vector.shape_cast %get3A_527 : vector<1x16xi32> to vector<16xi32>
        %rem3A_529 = arith.constant 16384 : i32
        %rem3A_530 = vector.broadcast %rem3A_529 : i32 to vector<16xi32>
        %rem3A_531 = arith.remsi %get3A_528, %rem3A_530 : vector<16xi32>
        %swap3A_532 = arith.index_cast %rem3A_472 : i32 to index
        %swap3A_533 = arith.constant 0 : index
        %swap3A_534 = tpu.vector_load %arg9[%swap3A_532, %swap3A_533] {strides = array<i32>} : memref<4x80xi32, #tpu.memory_space<vmem>>, vector<1x16xi32>,
        %swap3A_535 = vector.shape_cast %swap3A_534 : vector<1x16xi32> to vector<16xi32>
        %swap3A_536 = vector.shape_cast %rem3A_531 : vector<16xi32> to vector<1x16xi32>
        tpu.vector_store %arg9[%swap3A_532, %swap3A_533], %swap3A_536 {strides = array<i32>} : memref<4x80xi32, #tpu.memory_space<vmem>>, vector<1x16xi32>,
        %shift_right_logical3A_537 = arith.constant 14 : i32
        %shift_right_logical3A_538 = vector.broadcast %shift_right_logical3A_537 : i32 to vector<16xi32>
        %shift_right_logical3A_539 = arith.shrui %get3A_528, %shift_right_logical3A_538 : vector<16xi32>
        %swap3A_540 = arith.index_cast %rem3A_472 : i32 to index
        %swap3A_541 = arith.constant 0 : index
        %swap3A_542 = tpu.vector_load %arg10[%swap3A_540, %swap3A_541] {strides = array<i32>} : memref<4x80xi32, #tpu.memory_space<vmem>>, vector<1x16xi32>,
        %swap3A_543 = vector.shape_cast %swap3A_542 : vector<1x16xi32> to vector<16xi32>
        %swap3A_544 = vector.shape_cast %shift_right_logical3A_539 : vector<16xi32> to vector<1x16xi32>
        tpu.vector_store %arg10[%swap3A_540, %swap3A_541], %swap3A_544 {strides = array<i32>} : memref<4x80xi32, #tpu.memory_space<vmem>>, vector<1x16xi32>,
        %get3A_545 = arith.index_cast %rem3A_472 : i32 to index
        %get3A_546 = arith.constant 16 : index
        %get3A_547 = tpu.vector_load %arg8[%get3A_545, %get3A_546] {strides = array<i32>} : memref<4x80xi32, #tpu.memory_space<vmem>>, vector<1x16xi32>,
        %get3A_548 = vector.shape_cast %get3A_547 : vector<1x16xi32> to vector<16xi32>
        %rem3A_549 = arith.constant 16384 : i32
        %rem3A_550 = vector.broadcast %rem3A_549 : i32 to vector<16xi32>
        %rem3A_551 = arith.remsi %get3A_548, %rem3A_550 : vector<16xi32>
        %swap3A_552 = arith.index_cast %rem3A_472 : i32 to index
        %swap3A_553 = arith.constant 16 : index
        %swap3A_554 = tpu.vector_load %arg9[%swap3A_552, %swap3A_553] {strides = array<i32>} : memref<4x80xi32, #tpu.memory_space<vmem>>, vector<1x16xi32>,
        %swap3A_555 = vector.shape_cast %swap3A_554 : vector<1x16xi32> to vector<16xi32>
        %swap3A_556 = vector.shape_cast %rem3A_551 : vector<16xi32> to vector<1x16xi32>
        tpu.vector_store %arg9[%swap3A_552, %swap3A_553], %swap3A_556 {strides = array<i32>} : memref<4x80xi32, #tpu.memory_space<vmem>>, vector<1x16xi32>,
        %shift_right_logical3A_557 = arith.constant 14 : i32
        %shift_right_logical3A_558 = vector.broadcast %shift_right_logical3A_557 : i32 to vector<16xi32>
        %shift_right_logical3A_559 = arith.shrui %get3A_548, %shift_right_logical3A_558 : vector<16xi32>
        %swap3A_560 = arith.index_cast %rem3A_472 : i32 to index
        %swap3A_561 = arith.constant 16 : index
        %swap3A_562 = tpu.vector_load %arg10[%swap3A_560, %swap3A_561] {strides = array<i32>} : memref<4x80xi32, #tpu.memory_space<vmem>>, vector<1x16xi32>,
        %swap3A_563 = vector.shape_cast %swap3A_562 : vector<1x16xi32> to vector<16xi32>
        %swap3A_564 = vector.shape_cast %shift_right_logical3A_559 : vector<16xi32> to vector<1x16xi32>
        tpu.vector_store %arg10[%swap3A_560, %swap3A_561], %swap3A_564 {strides = array<i32>} : memref<4x80xi32, #tpu.memory_space<vmem>>, vector<1x16xi32>,
        %get3A_565 = arith.index_cast %rem3A_472 : i32 to index
        %get3A_566 = arith.constant 32 : index
        %get3A_567 = tpu.vector_load %arg8[%get3A_565, %get3A_566] {strides = array<i32>} : memref<4x80xi32, #tpu.memory_space<vmem>>, vector<1x16xi32>,
        %get3A_568 = vector.shape_cast %get3A_567 : vector<1x16xi32> to vector<16xi32>
        %rem3A_569 = arith.constant 16384 : i32
        %rem3A_570 = vector.broadcast %rem3A_569 : i32 to vector<16xi32>
        %rem3A_571 = arith.remsi %get3A_568, %rem3A_570 : vector<16xi32>
        %swap3A_572 = arith.index_cast %rem3A_472 : i32 to index
        %swap3A_573 = arith.constant 32 : index
        %swap3A_574 = tpu.vector_load %arg9[%swap3A_572, %swap3A_573] {strides = array<i32>} : memref<4x80xi32, #tpu.memory_space<vmem>>, vector<1x16xi32>,
        %swap3A_575 = vector.shape_cast %swap3A_574 : vector<1x16xi32> to vector<16xi32>
        %swap3A_576 = vector.shape_cast %rem3A_571 : vector<16xi32> to vector<1x16xi32>
        tpu.vector_store %arg9[%swap3A_572, %swap3A_573], %swap3A_576 {strides = array<i32>} : memref<4x80xi32, #tpu.memory_space<vmem>>, vector<1x16xi32>,
        %shift_right_logical3A_577 = arith.constant 14 : i32
        %shift_right_logical3A_578 = vector.broadcast %shift_right_logical3A_577 : i32 to vector<16xi32>
        %shift_right_logical3A_579 = arith.shrui %get3A_568, %shift_right_logical3A_578 : vector<16xi32>
        %swap3A_580 = arith.index_cast %rem3A_472 : i32 to index
        %swap3A_581 = arith.constant 32 : index
        %swap3A_582 = tpu.vector_load %arg10[%swap3A_580, %swap3A_581] {strides = array<i32>} : memref<4x80xi32, #tpu.memory_space<vmem>>, vector<1x16xi32>,
        %swap3A_583 = vector.shape_cast %swap3A_582 : vector<1x16xi32> to vector<16xi32>
        %swap3A_584 = vector.shape_cast %shift_right_logical3A_579 : vector<16xi32> to vector<1x16xi32>
        tpu.vector_store %arg10[%swap3A_580, %swap3A_581], %swap3A_584 {strides = array<i32>} : memref<4x80xi32, #tpu.memory_space<vmem>>, vector<1x16xi32>,
        %get3A_585 = arith.index_cast %rem3A_472 : i32 to index
        %get3A_586 = arith.constant 48 : index
        %get3A_587 = tpu.vector_load %arg8[%get3A_585, %get3A_586] {strides = array<i32>} : memref<4x80xi32, #tpu.memory_space<vmem>>, vector<1x16xi32>,
        %get3A_588 = vector.shape_cast %get3A_587 : vector<1x16xi32> to vector<16xi32>
        %rem3A_589 = arith.constant 16384 : i32
        %rem3A_590 = vector.broadcast %rem3A_589 : i32 to vector<16xi32>
        %rem3A_591 = arith.remsi %get3A_588, %rem3A_590 : vector<16xi32>
        %swap3A_592 = arith.index_cast %rem3A_472 : i32 to index
        %swap3A_593 = arith.constant 48 : index
        %swap3A_594 = tpu.vector_load %arg9[%swap3A_592, %swap3A_593] {strides = array<i32>} : memref<4x80xi32, #tpu.memory_space<vmem>>, vector<1x16xi32>,
        %swap3A_595 = vector.shape_cast %swap3A_594 : vector<1x16xi32> to vector<16xi32>
        %swap3A_596 = vector.shape_cast %rem3A_591 : vector<16xi32> to vector<1x16xi32>
        tpu.vector_store %arg9[%swap3A_592, %swap3A_593], %swap3A_596 {strides = array<i32>} : memref<4x80xi32, #tpu.memory_space<vmem>>, vector<1x16xi32>,
        %shift_right_logical3A_597 = arith.constant 14 : i32
        %shift_right_logical3A_598 = vector.broadcast %shift_right_logical3A_597 : i32 to vector<16xi32>
        %shift_right_logical3A_599 = arith.shrui %get3A_588, %shift_right_logical3A_598 : vector<16xi32>
        %swap3A_600 = arith.index_cast %rem3A_472 : i32 to index
        %swap3A_601 = arith.constant 48 : index
        %swap3A_602 = tpu.vector_load %arg10[%swap3A_600, %swap3A_601] {strides = array<i32>} : memref<4x80xi32, #tpu.memory_space<vmem>>, vector<1x16xi32>,
        %swap3A_603 = vector.shape_cast %swap3A_602 : vector<1x16xi32> to vector<16xi32>
        %swap3A_604 = vector.shape_cast %shift_right_logical3A_599 : vector<16xi32> to vector<1x16xi32>
        tpu.vector_store %arg10[%swap3A_600, %swap3A_601], %swap3A_604 {strides = array<i32>} : memref<4x80xi32, #tpu.memory_space<vmem>>, vector<1x16xi32>,
        %get3A_605 = arith.index_cast %rem3A_472 : i32 to index
        %get3A_606 = arith.constant 64 : index
        %get3A_607 = tpu.vector_load %arg8[%get3A_605, %get3A_606] {strides = array<i32>} : memref<4x80xi32, #tpu.memory_space<vmem>>, vector<1x16xi32>,
        %get3A_608 = vector.shape_cast %get3A_607 : vector<1x16xi32> to vector<16xi32>
        %rem3A_609 = arith.constant 16384 : i32
        %rem3A_610 = vector.broadcast %rem3A_609 : i32 to vector<16xi32>
        %rem3A_611 = arith.remsi %get3A_608, %rem3A_610 : vector<16xi32>
        %swap3A_612 = arith.index_cast %rem3A_472 : i32 to index
        %swap3A_613 = arith.constant 64 : index
        %swap3A_614 = tpu.vector_load %arg9[%swap3A_612, %swap3A_613] {strides = array<i32>} : memref<4x80xi32, #tpu.memory_space<vmem>>, vector<1x16xi32>,
        %swap3A_615 = vector.shape_cast %swap3A_614 : vector<1x16xi32> to vector<16xi32>
        %swap3A_616 = vector.shape_cast %rem3A_611 : vector<16xi32> to vector<1x16xi32>
        tpu.vector_store %arg9[%swap3A_612, %swap3A_613], %swap3A_616 {strides = array<i32>} : memref<4x80xi32, #tpu.memory_space<vmem>>, vector<1x16xi32>,
        %shift_right_logical3A_617 = arith.constant 14 : i32
        %shift_right_logical3A_618 = vector.broadcast %shift_right_logical3A_617 : i32 to vector<16xi32>
        %shift_right_logical3A_619 = arith.shrui %get3A_608, %shift_right_logical3A_618 : vector<16xi32>
        %swap3A_620 = arith.index_cast %rem3A_472 : i32 to index
        %swap3A_621 = arith.constant 64 : index
        %swap3A_622 = tpu.vector_load %arg10[%swap3A_620, %swap3A_621] {strides = array<i32>} : memref<4x80xi32, #tpu.memory_space<vmem>>, vector<1x16xi32>,
        %swap3A_623 = vector.shape_cast %swap3A_622 : vector<1x16xi32> to vector<16xi32>
        %swap3A_624 = vector.shape_cast %shift_right_logical3A_619 : vector<16xi32> to vector<1x16xi32>
        tpu.vector_store %arg10[%swap3A_620, %swap3A_621], %swap3A_624 {strides = array<i32>} : memref<4x80xi32, #tpu.memory_space<vmem>>, vector<1x16xi32>,
        %dma_start3A_625 = arith.constant 0 : i32
        %dma_start3A_626 = arith.constant 0 : i32
        %dma_start3A_627 = tpu.memref_slice %arg11[%rem3A_472, %dma_start3A_625, %dma_start3A_626] : memref<4x80x128xf32, #tpu.memory_space<vmem>> -> memref<1x80x128xf32, #tpu.memory_space<vmem>>
        %dma_start3A_628 = tpu.memref_squeeze %dma_start3A_627 : memref<1x80x128xf32, #tpu.memory_space<vmem>> -> memref<80x128xf32, #tpu.memory_space<vmem>>
        %dma_start3A_629 = arith.constant 0 : i32
        %dma_start3A_630 = tpu.memref_slice %arg9[%rem3A_472, %dma_start3A_629] : memref<4x80xi32, #tpu.memory_space<vmem>> -> memref<1x80xi32, #tpu.memory_space<vmem>>
        %dma_start3A_631 = tpu.memref_squeeze %dma_start3A_630 : memref<1x80xi32, #tpu.memory_space<vmem>> -> memref<80xi32, #tpu.memory_space<vmem>>
        %dma_start3A_632 = arith.constant 0 : i32
        %dma_start3A_633 = arith.constant 0 : i32
        %dma_start3A_634 = tpu.memref_slice %arg2[%dma_start3A_632, %dma_start3A_633] : memref<10000x128xf32, #tpu.memory_space<hbm>> -> memref<10000x128xf32, #tpu.memory_space<hbm>>
        tpu.enqueue_indirect_dma source(%dma_start3A_634 : memref<10000x128xf32, #tpu.memory_space<hbm>>) target(%dma_start3A_628 : memref<80x128xf32, #tpu.memory_space<vmem>>) offsets(%dma_start3A_631 : memref<80xi32, #tpu.memory_space<vmem>>) semaphore(%arg15 : memref<!tpu.dma_semaphore, #tpu.memory_space<semaphore_mem>>)
      } else {
      }
      %add3A_495 = arith.constant 4 : i32
      %add3A_496 = arith.addi %scan3A_465, %add3A_495 : i32
      %lt3A_497 = arith.constant 125 : i32
      %lt3A_498 = arith.cmpi slt, %add3A_496, %lt3A_497 : i32
      %convert_element_type3A_499 = arith.extui %lt3A_498 : i1 to i32
      %cond3A_500 = arith.constant 0 : i32
      %cond3A_501 = arith.cmpi ne, %convert_element_type3A_499, %cond3A_500 : i32
      scf.if %cond3A_501 {
        %add3A_517 = arith.constant 4 : i32
        %add3A_518 = arith.addi %scan3A_465, %add3A_517 : i32
        %mul3A_519 = arith.constant 80 : i32
        %mul3A_520 = arith.muli %add3A_518, %mul3A_519 : i32
        %add3A_521 = arith.addi %mul3A_2, %mul3A_520 : i32
        %dma_start3A_522 = arith.constant 0 : i32
        %dma_start3A_523 = tpu.memref_slice %arg8[%rem3A_467, %dma_start3A_522] : memref<4x80xi32, #tpu.memory_space<vmem>> -> memref<1x80xi32, #tpu.memory_space<vmem>>
        %dma_start3A_524 = tpu.memref_squeeze %dma_start3A_523 : memref<1x80xi32, #tpu.memory_space<vmem>> -> memref<80xi32, #tpu.memory_space<vmem>>
        %dma_start3A_525 = tpu.memref_slice %arg3[%add3A_521] : memref<320000xi32, #tpu.memory_space<hbm>> -> memref<80xi32, #tpu.memory_space<hbm>>
        %dma_start3A_526 = arith.constant 0 : i32
        %dma_start3A_527 = tpu.memref_slice %arg8[%rem3A_467, %dma_start3A_526] : memref<4x80xi32, #tpu.memory_space<vmem>> -> memref<1x80xi32, #tpu.memory_space<vmem>>
        %dma_start3A_528 = tpu.memref_squeeze %dma_start3A_527 : memref<1x80xi32, #tpu.memory_space<vmem>> -> memref<80xi32, #tpu.memory_space<vmem>>
        %dma_start3A_529 = tpu.memref_slice %arg3[%add3A_521] : memref<320000xi32, #tpu.memory_space<hbm>> -> memref<80xi32, #tpu.memory_space<hbm>>
        tpu.enqueue_dma source(%dma_start3A_529 : memref<80xi32, #tpu.memory_space<hbm>>) target(%dma_start3A_528 : memref<80xi32, #tpu.memory_space<vmem>>) target_semaphore(%arg17 : memref<!tpu.dma_semaphore, #tpu.memory_space<semaphore_mem>>)
      } else {
      }
      %dma_start3A_502 = arith.constant 0 : i32
      %dma_start3A_503 = arith.constant 0 : i32
      %dma_start3A_504 = tpu.memref_slice %arg11[%rem3A_467, %dma_start3A_502, %dma_start3A_503] : memref<4x80x128xf32, #tpu.memory_space<vmem>> -> memref<1x80x128xf32, #tpu.memory_space<vmem>>
      %dma_start3A_505 = tpu.memref_squeeze %dma_start3A_504 : memref<1x80x128xf32, #tpu.memory_space<vmem>> -> memref<80x128xf32, #tpu.memory_space<vmem>>
      %dma_start3A_506 = arith.constant 0 : i32
      %dma_start3A_507 = tpu.memref_slice %arg10[%rem3A_467, %dma_start3A_506] : memref<4x80xi32, #tpu.memory_space<vmem>> -> memref<1x80xi32, #tpu.memory_space<vmem>>
      %dma_start3A_508 = tpu.memref_squeeze %dma_start3A_507 : memref<1x80xi32, #tpu.memory_space<vmem>> -> memref<80xi32, #tpu.memory_space<vmem>>
      %dma_start3A_509 = arith.constant 0 : i32
      %dma_start3A_510 = arith.constant 0 : i32
      %dma_start3A_511 = tpu.memref_slice %arg13[%dma_start3A_509, %dma_start3A_510] : memref<10240x128xf32, #tpu.memory_space<vmem_shared>> -> memref<10240x128xf32, #tpu.memory_space<vmem_shared>>
      tpu.enqueue_indirect_dma source(%dma_start3A_505 : memref<80x128xf32, #tpu.memory_space<vmem>>) target(%dma_start3A_511 : memref<10240x128xf32, #tpu.memory_space<vmem_shared>>) offsets(%dma_start3A_508 : memref<80xi32, #tpu.memory_space<vmem>>) semaphore(%arg16 : memref<!tpu.dma_semaphore, #tpu.memory_space<semaphore_mem>>) {add = true}
      %dma_start3A_512 = arith.constant 0 : i32
      %dma_start3A_513 = tpu.memref_slice %arg10[%rem3A_467, %dma_start3A_512] : memref<4x80xi32, #tpu.memory_space<vmem>> -> memref<1x80xi32, #tpu.memory_space<vmem>>
      %dma_start3A_514 = tpu.memref_squeeze %dma_start3A_513 : memref<1x80xi32, #tpu.memory_space<vmem>> -> memref<80xi32, #tpu.memory_space<vmem>>
      %dma_start3A_515 = arith.constant 0 : i32
      %dma_start3A_516 = tpu.memref_slice %arg14[%dma_start3A_515] : memref<10240xf32, #tpu.memory_space<vmem_shared>> -> memref<10240xf32, #tpu.memory_space<vmem_shared>>
      tpu.enqueue_indirect_dma source(%arg12 : memref<80xf32, #tpu.memory_space<vmem>>) target(%dma_start3A_516 : memref<10240xf32, #tpu.memory_space<vmem_shared>>) offsets(%dma_start3A_514 : memref<80xi32, #tpu.memory_space<vmem>>) semaphore(%arg16 : memref<!tpu.dma_semaphore, #tpu.memory_space<semaphore_mem>>) {add = true}
    }
    %scan3A_437 = arith.constant 125 : i32
    %dma_wait3A = arith.constant 0 : i32
    %dma_wait3A_438 = arith.constant 0 : i32
    %dma_wait3A_439 = arith.constant 0 : i32
    %dma_wait3A_440 = arith.constant 0 : i32
    %dma_wait3A_441 = tpu.memref_slice %arg11[%dma_wait3A, %dma_wait3A_439, %dma_wait3A_440] : memref<4x80x128xf32, #tpu.memory_space<vmem>> -> memref<1x80x128xf32, #tpu.memory_space<vmem>>
    %dma_wait3A_442 = tpu.memref_squeeze %dma_wait3A_441 : memref<1x80x128xf32, #tpu.memory_space<vmem>> -> memref<80x128xf32, #tpu.memory_space<vmem>>
    %dma_wait3A_443 = arith.constant 0 : i32
    %dma_wait3A_444 = tpu.memref_slice %arg10[%dma_wait3A_438, %dma_wait3A_443] : memref<4x80xi32, #tpu.memory_space<vmem>> -> memref<1x80xi32, #tpu.memory_space<vmem>>
    %dma_wait3A_445 = tpu.memref_squeeze %dma_wait3A_444 : memref<1x80xi32, #tpu.memory_space<vmem>> -> memref<80xi32, #tpu.memory_space<vmem>>
    %dma_wait3A_446 = arith.constant 0 : i32
    %dma_wait3A_447 = arith.constant 0 : i32
    %dma_wait3A_448 = tpu.memref_slice %arg13[%dma_wait3A_446, %dma_wait3A_447] : memref<10240x128xf32, #tpu.memory_space<vmem_shared>> -> memref<10240x128xf32, #tpu.memory_space<vmem_shared>>
    tpu.wait_indirect_dma semaphore(%arg16 : memref<!tpu.dma_semaphore, #tpu.memory_space<semaphore_mem>>) src(%dma_wait3A_442 : memref<80x128xf32, #tpu.memory_space<vmem>>) dst(%dma_wait3A_448 : memref<10240x128xf32, #tpu.memory_space<vmem_shared>>)
    %dma_wait3A_449 = arith.constant 0 : i32
    %dma_wait3A_450 = arith.constant 0 : i32
    %dma_wait3A_451 = tpu.memref_slice %arg10[%dma_wait3A_449, %dma_wait3A_450] : memref<4x80xi32, #tpu.memory_space<vmem>> -> memref<1x80xi32, #tpu.memory_space<vmem>>
    %dma_wait3A_452 = tpu.memref_squeeze %dma_wait3A_451 : memref<1x80xi32, #tpu.memory_space<vmem>> -> memref<80xi32, #tpu.memory_space<vmem>>
    %dma_wait3A_453 = arith.constant 0 : i32
    %dma_wait3A_454 = tpu.memref_slice %arg14[%dma_wait3A_453] : memref<10240xf32, #tpu.memory_space<vmem_shared>> -> memref<10240xf32, #tpu.memory_space<vmem_shared>>
    tpu.wait_indirect_dma semaphore(%arg16 : memref<!tpu.dma_semaphore, #tpu.memory_space<semaphore_mem>>) src(%arg12 : memref<80xf32, #tpu.memory_space<vmem>>) dst(%dma_wait3A_454 : memref<10240xf32, #tpu.memory_space<vmem_shared>>)
    %barrier3A_455 = arith.constant 0 : index
    tpu.barrier barrier_id(%barrier3A_455)
    %mul3A_456 = arith.constant 640 : i32
    %mul3A_457 = arith.muli %arg1, %mul3A_456 : i32
    %mul3A_458 = arith.constant 640 : i32
    %mul3A_459 = arith.muli %arg1, %mul3A_458 : i32
    "tpu.region"() ({
      %run_scoped3A_465 = tpu.sem_alloc : memref<!tpu.dma_semaphore, #tpu.memory_space<semaphore_mem>>
      %dma_start3A_466 = arith.constant 0 : i32
      %dma_start3A_467 = tpu.memref_slice %arg6[%arg0, %mul3A_459, %dma_start3A_466] : memref<2x10240x128xf32, #tpu.memory_space<hbm>> -> memref<1x640x128xf32, #tpu.memory_space<hbm>>
      %dma_start3A_468 = tpu.memref_squeeze %dma_start3A_467 : memref<1x640x128xf32, #tpu.memory_space<hbm>> -> memref<640x128xf32, #tpu.memory_space<hbm>>
      %dma_start3A_469 = arith.constant 0 : i32
      %dma_start3A_470 = tpu.memref_slice %arg13[%mul3A_457, %dma_start3A_469] : memref<10240x128xf32, #tpu.memory_space<vmem_shared>> -> memref<640x128xf32, #tpu.memory_space<vmem_shared>>
      tpu.enqueue_dma source(%dma_start3A_470 : memref<640x128xf32, #tpu.memory_space<vmem_shared>>) target(%dma_start3A_468 : memref<640x128xf32, #tpu.memory_space<hbm>>) target_semaphore(%run_scoped3A_465 : memref<!tpu.dma_semaphore, #tpu.memory_space<semaphore_mem>>)
      %dma_wait3A_471 = arith.constant 0 : i32
      %dma_wait3A_472 = tpu.memref_slice %arg6[%arg0, %mul3A_459, %dma_wait3A_471] : memref<2x10240x128xf32, #tpu.memory_space<hbm>> -> memref<1x640x128xf32, #tpu.memory_space<hbm>>
      %dma_wait3A_473 = tpu.memref_squeeze %dma_wait3A_472 : memref<1x640x128xf32, #tpu.memory_space<hbm>> -> memref<640x128xf32, #tpu.memory_space<hbm>>
      %dma_wait3A_474 = arith.constant 0 : i32
      %dma_wait3A_475 = tpu.memref_slice %arg13[%mul3A_457, %dma_wait3A_474] : memref<10240x128xf32, #tpu.memory_space<vmem_shared>> -> memref<640x128xf32, #tpu.memory_space<vmem_shared>>
      tpu.wait_dma2 semaphore(%run_scoped3A_465 : memref<!tpu.dma_semaphore, #tpu.memory_space<semaphore_mem>>) src(%dma_wait3A_475 : memref<640x128xf32, #tpu.memory_space<vmem_shared>>) dst(%dma_wait3A_473 : memref<640x128xf32, #tpu.memory_space<hbm>>)
      tpu.yield
    }) : () -> ()
    %eq3A_460 = arith.constant 0 : i32
    %eq3A_461 = arith.cmpi eq, %arg1, %eq3A_460 : i32
    %convert_element_type3A_462 = arith.extui %eq3A_461 : i1 to i32
    %cond3A_463 = arith.constant 0 : i32
    %cond3A_464 = arith.cmpi ne, %convert_element_type3A_462, %cond3A_463 : i32
    scf.if %cond3A_464 {
      "tpu.region"() ({
        %run_scoped3A_465 = tpu.sem_alloc : memref<!tpu.dma_semaphore, #tpu.memory_space<semaphore_mem>>
        %dma_start3A_466 = arith.constant 0 : i32
        %dma_start3A_467 = tpu.memref_slice %arg7[%arg0, %dma_start3A_466] : memref<2x10240xf32, #tpu.memory_space<hbm>> -> memref<1x10240xf32, #tpu.memory_space<hbm>>
        %dma_start3A_468 = tpu.memref_squeeze %dma_start3A_467 : memref<1x10240xf32, #tpu.memory_space<hbm>> -> memref<10240xf32, #tpu.memory_space<hbm>>
        tpu.enqueue_dma source(%arg14 : memref<10240xf32, #tpu.memory_space<vmem_shared>>) target(%dma_start3A_468 : memref<10240xf32, #tpu.memory_space<hbm>>) target_semaphore(%run_scoped3A_465 : memref<!tpu.dma_semaphore, #tpu.memory_space<semaphore_mem>>)
        %dma_wait3A_469 = arith.constant 0 : i32
        %dma_wait3A_470 = tpu.memref_slice %arg7[%arg0, %dma_wait3A_469] : memref<2x10240xf32, #tpu.memory_space<hbm>> -> memref<1x10240xf32, #tpu.memory_space<hbm>>
        %dma_wait3A_471 = tpu.memref_squeeze %dma_wait3A_470 : memref<1x10240xf32, #tpu.memory_space<hbm>> -> memref<10240xf32, #tpu.memory_space<hbm>>
        tpu.wait_dma2 semaphore(%run_scoped3A_465 : memref<!tpu.dma_semaphore, #tpu.memory_space<semaphore_mem>>) src(%arg14 : memref<10240xf32, #tpu.memory_space<vmem_shared>>) dst(%dma_wait3A_471 : memref<10240xf32, #tpu.memory_space<hbm>>)
        tpu.yield
      }) : () -> ()
    } else {
    }
    return
  }
}

#map = affine_map<(d0, d1) -> (0, 0)>
#map1 = affine_map<(d0, d1) -> (0)>
#map2 = affine_map<(d0, d1) -> (0, 0, 0)>
module attributes {stable_mosaic.version = 14 : i64} {
  func.func @_sc_agg_body(%arg0: i32, %arg1: i32, %arg2: memref<10000x128xf32, #tpu.memory_space<hbm>>, %arg3: memref<320000xi32, #tpu.memory_space<hbm>>, %arg4: memref<10240x128xf32, #tpu.memory_space<hbm>>, %arg5: memref<10240xf32, #tpu.memory_space<hbm>>, %arg6: memref<2x10240x128xf32, #tpu.memory_space<hbm>>, %arg7: memref<2x10240xf32, #tpu.memory_space<hbm>>, %arg8: memref<4x80xi32, #tpu.memory_space<vmem>>, %arg9: memref<4x80xi32, #tpu.memory_space<vmem>>, %arg10: memref<4x80xi32, #tpu.memory_space<vmem>>, %arg11: memref<4x80x128xf32, #tpu.memory_space<vmem>>, %arg12: memref<80xf32, #tpu.memory_space<vmem>>, %arg13: memref<10240x128xf32, #tpu.memory_space<vmem_shared>>, %arg14: memref<10240xf32, #tpu.memory_space<vmem_shared>>, %arg15: memref<!tpu.dma_semaphore, #tpu.memory_space<semaphore_mem>>, %arg16: memref<!tpu.dma_semaphore, #tpu.memory_space<semaphore_mem>>, %arg17: memref<!tpu.dma_semaphore, #tpu.memory_space<semaphore_mem>>) attributes {dimension_semantics = [#tpu.dimension_semantics<core_parallel>, #tpu.dimension_semantics<subcore_parallel>], iteration_bounds = array<i64: 2, 16>, scalar_prefetch = 0 : i64, scratch_operands = 10 : i64, tpu.core_type = #tpu.core_type<sc_vector_subcore>, window_params = [{transform_indices = #map}, {transform_indices = #map1}, {transform_indices = #map}, {transform_indices = #map1}, {transform_indices = #map2}, {transform_indices = #map}]} {
    %mul3A = arith.constant 16 : i32
    %mul3A_0 = arith.muli %arg0, %mul3A : i32
    %add3A = arith.addi %mul3A_0, %arg1 : i32
    %mul3A_1 = arith.constant 10000 : i32
    %mul3A_2 = arith.muli %add3A, %mul3A_1 : i32
    %add3A_3 = arith.constant 0 : i32
    %add3A_4 = arith.addi %mul3A_2, %add3A_3 : i32
    %run_scoped3A = arith.constant 0 : i32
    "tpu.region"() ({
      %run_scoped3A_423 = tpu.sem_alloc : memref<!tpu.dma_semaphore, #tpu.memory_space<semaphore_mem>>
      %dma_start3A_424 = arith.constant 0 : i32
      %dma_start3A_425 = tpu.memref_slice %arg8[%run_scoped3A, %dma_start3A_424] : memref<4x80xi32, #tpu.memory_space<vmem>> -> memref<1x80xi32, #tpu.memory_space<vmem>>
      %dma_start3A_426 = tpu.memref_squeeze %dma_start3A_425 : memref<1x80xi32, #tpu.memory_space<vmem>> -> memref<80xi32, #tpu.memory_space<vmem>>
      %dma_start3A_427 = tpu.memref_slice %arg3[%add3A_4] : memref<320000xi32, #tpu.memory_space<hbm>> -> memref<80xi32, #tpu.memory_space<hbm>>
      %dma_start3A_428 = arith.constant 0 : i32
      %dma_start3A_429 = tpu.memref_slice %arg8[%run_scoped3A, %dma_start3A_428] : memref<4x80xi32, #tpu.memory_space<vmem>> -> memref<1x80xi32, #tpu.memory_space<vmem>>
      %dma_start3A_430 = tpu.memref_squeeze %dma_start3A_429 : memref<1x80xi32, #tpu.memory_space<vmem>> -> memref<80xi32, #tpu.memory_space<vmem>>
      %dma_start3A_431 = tpu.memref_slice %arg3[%add3A_4] : memref<320000xi32, #tpu.memory_space<hbm>> -> memref<80xi32, #tpu.memory_space<hbm>>
      tpu.enqueue_dma source(%dma_start3A_431 : memref<80xi32, #tpu.memory_space<hbm>>) target(%dma_start3A_430 : memref<80xi32, #tpu.memory_space<vmem>>) target_semaphore(%run_scoped3A_423 : memref<!tpu.dma_semaphore, #tpu.memory_space<semaphore_mem>>)
      %dma_wait3A_432 = arith.constant 0 : i32
      %dma_wait3A_433 = tpu.memref_slice %arg8[%run_scoped3A, %dma_wait3A_432] : memref<4x80xi32, #tpu.memory_space<vmem>> -> memref<1x80xi32, #tpu.memory_space<vmem>>
      %dma_wait3A_434 = tpu.memref_squeeze %dma_wait3A_433 : memref<1x80xi32, #tpu.memory_space<vmem>> -> memref<80xi32, #tpu.memory_space<vmem>>
      %dma_wait3A_435 = tpu.memref_slice %arg3[%add3A_4] : memref<320000xi32, #tpu.memory_space<hbm>> -> memref<80xi32, #tpu.memory_space<hbm>>
      %dma_wait3A_436 = arith.constant 0 : i32
      %dma_wait3A_437 = tpu.memref_slice %arg8[%run_scoped3A, %dma_wait3A_436] : memref<4x80xi32, #tpu.memory_space<vmem>> -> memref<1x80xi32, #tpu.memory_space<vmem>>
      %dma_wait3A_438 = tpu.memref_squeeze %dma_wait3A_437 : memref<1x80xi32, #tpu.memory_space<vmem>> -> memref<80xi32, #tpu.memory_space<vmem>>
      %dma_wait3A_439 = tpu.memref_slice %arg3[%add3A_4] : memref<320000xi32, #tpu.memory_space<hbm>> -> memref<80xi32, #tpu.memory_space<hbm>>
      tpu.wait_dma2 semaphore(%run_scoped3A_423 : memref<!tpu.dma_semaphore, #tpu.memory_space<semaphore_mem>>) src(%dma_wait3A_439 : memref<80xi32, #tpu.memory_space<hbm>>) dst(%dma_wait3A_438 : memref<80xi32, #tpu.memory_space<vmem>>)
      tpu.yield
    }) : () -> ()
    %get3A = arith.constant 0 : i32
    %get3A_5 = arith.index_cast %get3A : i32 to index
    %get3A_6 = arith.constant 0 : index
    %get3A_7 = tpu.vector_load %arg8[%get3A_5, %get3A_6] {strides = array<i32>} : memref<4x80xi32, #tpu.memory_space<vmem>>, vector<1x16xi32>,
    %get3A_8 = vector.shape_cast %get3A_7 : vector<1x16xi32> to vector<16xi32>
    %rem3A = arith.constant 16384 : i32
    %rem3A_9 = vector.broadcast %rem3A : i32 to vector<16xi32>
    %rem3A_10 = arith.remsi %get3A_8, %rem3A_9 : vector<16xi32>
    %swap3A = arith.constant 0 : i32
    %swap3A_11 = arith.index_cast %swap3A : i32 to index
    %swap3A_12 = arith.constant 0 : index
    %swap3A_13 = tpu.vector_load %arg9[%swap3A_11, %swap3A_12] {strides = array<i32>} : memref<4x80xi32, #tpu.memory_space<vmem>>, vector<1x16xi32>,
    %swap3A_14 = vector.shape_cast %swap3A_13 : vector<1x16xi32> to vector<16xi32>
    %swap3A_15 = vector.shape_cast %rem3A_10 : vector<16xi32> to vector<1x16xi32>
    tpu.vector_store %arg9[%swap3A_11, %swap3A_12], %swap3A_15 {strides = array<i32>} : memref<4x80xi32, #tpu.memory_space<vmem>>, vector<1x16xi32>,
    %shift_right_logical3A = arith.constant 14 : i32
    %shift_right_logical3A_16 = vector.broadcast %shift_right_logical3A : i32 to vector<16xi32>
    %shift_right_logical3A_17 = arith.shrui %get3A_8, %shift_right_logical3A_16 : vector<16xi32>
    %swap3A_18 = arith.constant 0 : i32
    %swap3A_19 = arith.index_cast %swap3A_18 : i32 to index
    %swap3A_20 = arith.constant 0 : index
    %swap3A_21 = tpu.vector_load %arg10[%swap3A_19, %swap3A_20] {strides = array<i32>} : memref<4x80xi32, #tpu.memory_space<vmem>>, vector<1x16xi32>,
    %swap3A_22 = vector.shape_cast %swap3A_21 : vector<1x16xi32> to vector<16xi32>
    %swap3A_23 = vector.shape_cast %shift_right_logical3A_17 : vector<16xi32> to vector<1x16xi32>
    tpu.vector_store %arg10[%swap3A_19, %swap3A_20], %swap3A_23 {strides = array<i32>} : memref<4x80xi32, #tpu.memory_space<vmem>>, vector<1x16xi32>,
    %get3A_24 = arith.constant 0 : i32
    %get3A_25 = arith.index_cast %get3A_24 : i32 to index
    %get3A_26 = arith.constant 16 : index
    %get3A_27 = tpu.vector_load %arg8[%get3A_25, %get3A_26] {strides = array<i32>} : memref<4x80xi32, #tpu.memory_space<vmem>>, vector<1x16xi32>,
    %get3A_28 = vector.shape_cast %get3A_27 : vector<1x16xi32> to vector<16xi32>
    %rem3A_29 = arith.constant 16384 : i32
    %rem3A_30 = vector.broadcast %rem3A_29 : i32 to vector<16xi32>
    %rem3A_31 = arith.remsi %get3A_28, %rem3A_30 : vector<16xi32>
    %swap3A_32 = arith.constant 0 : i32
    %swap3A_33 = arith.index_cast %swap3A_32 : i32 to index
    %swap3A_34 = arith.constant 16 : index
    %swap3A_35 = tpu.vector_load %arg9[%swap3A_33, %swap3A_34] {strides = array<i32>} : memref<4x80xi32, #tpu.memory_space<vmem>>, vector<1x16xi32>,
    %swap3A_36 = vector.shape_cast %swap3A_35 : vector<1x16xi32> to vector<16xi32>
    %swap3A_37 = vector.shape_cast %rem3A_31 : vector<16xi32> to vector<1x16xi32>
    tpu.vector_store %arg9[%swap3A_33, %swap3A_34], %swap3A_37 {strides = array<i32>} : memref<4x80xi32, #tpu.memory_space<vmem>>, vector<1x16xi32>,
    %shift_right_logical3A_38 = arith.constant 14 : i32
    %shift_right_logical3A_39 = vector.broadcast %shift_right_logical3A_38 : i32 to vector<16xi32>
    %shift_right_logical3A_40 = arith.shrui %get3A_28, %shift_right_logical3A_39 : vector<16xi32>
    %swap3A_41 = arith.constant 0 : i32
    %swap3A_42 = arith.index_cast %swap3A_41 : i32 to index
    %swap3A_43 = arith.constant 16 : index
    %swap3A_44 = tpu.vector_load %arg10[%swap3A_42, %swap3A_43] {strides = array<i32>} : memref<4x80xi32, #tpu.memory_space<vmem>>, vector<1x16xi32>,
    %swap3A_45 = vector.shape_cast %swap3A_44 : vector<1x16xi32> to vector<16xi32>
    %swap3A_46 = vector.shape_cast %shift_right_logical3A_40 : vector<16xi32> to vector<1x16xi32>
    tpu.vector_store %arg10[%swap3A_42, %swap3A_43], %swap3A_46 {strides = array<i32>} : memref<4x80xi32, #tpu.memory_space<vmem>>, vector<1x16xi32>,
    %get3A_47 = arith.constant 0 : i32
    %get3A_48 = arith.index_cast %get3A_47 : i32 to index
    %get3A_49 = arith.constant 32 : index
    %get3A_50 = tpu.vector_load %arg8[%get3A_48, %get3A_49] {strides = array<i32>} : memref<4x80xi32, #tpu.memory_space<vmem>>, vector<1x16xi32>,
    %get3A_51 = vector.shape_cast %get3A_50 : vector<1x16xi32> to vector<16xi32>
    %rem3A_52 = arith.constant 16384 : i32
    %rem3A_53 = vector.broadcast %rem3A_52 : i32 to vector<16xi32>
    %rem3A_54 = arith.remsi %get3A_51, %rem3A_53 : vector<16xi32>
    %swap3A_55 = arith.constant 0 : i32
    %swap3A_56 = arith.index_cast %swap3A_55 : i32 to index
    %swap3A_57 = arith.constant 32 : index
    %swap3A_58 = tpu.vector_load %arg9[%swap3A_56, %swap3A_57] {strides = array<i32>} : memref<4x80xi32, #tpu.memory_space<vmem>>, vector<1x16xi32>,
    %swap3A_59 = vector.shape_cast %swap3A_58 : vector<1x16xi32> to vector<16xi32>
    %swap3A_60 = vector.shape_cast %rem3A_54 : vector<16xi32> to vector<1x16xi32>
    tpu.vector_store %arg9[%swap3A_56, %swap3A_57], %swap3A_60 {strides = array<i32>} : memref<4x80xi32, #tpu.memory_space<vmem>>, vector<1x16xi32>,
    %shift_right_logical3A_61 = arith.constant 14 : i32
    %shift_right_logical3A_62 = vector.broadcast %shift_right_logical3A_61 : i32 to vector<16xi32>
    %shift_right_logical3A_63 = arith.shrui %get3A_51, %shift_right_logical3A_62 : vector<16xi32>
    %swap3A_64 = arith.constant 0 : i32
    %swap3A_65 = arith.index_cast %swap3A_64 : i32 to index
    %swap3A_66 = arith.constant 32 : index
    %swap3A_67 = tpu.vector_load %arg10[%swap3A_65, %swap3A_66] {strides = array<i32>} : memref<4x80xi32, #tpu.memory_space<vmem>>, vector<1x16xi32>,
    %swap3A_68 = vector.shape_cast %swap3A_67 : vector<1x16xi32> to vector<16xi32>
    %swap3A_69 = vector.shape_cast %shift_right_logical3A_63 : vector<16xi32> to vector<1x16xi32>
    tpu.vector_store %arg10[%swap3A_65, %swap3A_66], %swap3A_69 {strides = array<i32>} : memref<4x80xi32, #tpu.memory_space<vmem>>, vector<1x16xi32>,
    %get3A_70 = arith.constant 0 : i32
    %get3A_71 = arith.index_cast %get3A_70 : i32 to index
    %get3A_72 = arith.constant 48 : index
    %get3A_73 = tpu.vector_load %arg8[%get3A_71, %get3A_72] {strides = array<i32>} : memref<4x80xi32, #tpu.memory_space<vmem>>, vector<1x16xi32>,
    %get3A_74 = vector.shape_cast %get3A_73 : vector<1x16xi32> to vector<16xi32>
    %rem3A_75 = arith.constant 16384 : i32
    %rem3A_76 = vector.broadcast %rem3A_75 : i32 to vector<16xi32>
    %rem3A_77 = arith.remsi %get3A_74, %rem3A_76 : vector<16xi32>
    %swap3A_78 = arith.constant 0 : i32
    %swap3A_79 = arith.index_cast %swap3A_78 : i32 to index
    %swap3A_80 = arith.constant 48 : index
    %swap3A_81 = tpu.vector_load %arg9[%swap3A_79, %swap3A_80] {strides = array<i32>} : memref<4x80xi32, #tpu.memory_space<vmem>>, vector<1x16xi32>,
    %swap3A_82 = vector.shape_cast %swap3A_81 : vector<1x16xi32> to vector<16xi32>
    %swap3A_83 = vector.shape_cast %rem3A_77 : vector<16xi32> to vector<1x16xi32>
    tpu.vector_store %arg9[%swap3A_79, %swap3A_80], %swap3A_83 {strides = array<i32>} : memref<4x80xi32, #tpu.memory_space<vmem>>, vector<1x16xi32>,
    %shift_right_logical3A_84 = arith.constant 14 : i32
    %shift_right_logical3A_85 = vector.broadcast %shift_right_logical3A_84 : i32 to vector<16xi32>
    %shift_right_logical3A_86 = arith.shrui %get3A_74, %shift_right_logical3A_85 : vector<16xi32>
    %swap3A_87 = arith.constant 0 : i32
    %swap3A_88 = arith.index_cast %swap3A_87 : i32 to index
    %swap3A_89 = arith.constant 48 : index
    %swap3A_90 = tpu.vector_load %arg10[%swap3A_88, %swap3A_89] {strides = array<i32>} : memref<4x80xi32, #tpu.memory_space<vmem>>, vector<1x16xi32>,
    %swap3A_91 = vector.shape_cast %swap3A_90 : vector<1x16xi32> to vector<16xi32>
    %swap3A_92 = vector.shape_cast %shift_right_logical3A_86 : vector<16xi32> to vector<1x16xi32>
    tpu.vector_store %arg10[%swap3A_88, %swap3A_89], %swap3A_92 {strides = array<i32>} : memref<4x80xi32, #tpu.memory_space<vmem>>, vector<1x16xi32>,
    %get3A_93 = arith.constant 0 : i32
    %get3A_94 = arith.index_cast %get3A_93 : i32 to index
    %get3A_95 = arith.constant 64 : index
    %get3A_96 = tpu.vector_load %arg8[%get3A_94, %get3A_95] {strides = array<i32>} : memref<4x80xi32, #tpu.memory_space<vmem>>, vector<1x16xi32>,
    %get3A_97 = vector.shape_cast %get3A_96 : vector<1x16xi32> to vector<16xi32>
    %rem3A_98 = arith.constant 16384 : i32
    %rem3A_99 = vector.broadcast %rem3A_98 : i32 to vector<16xi32>
    %rem3A_100 = arith.remsi %get3A_97, %rem3A_99 : vector<16xi32>
    %swap3A_101 = arith.constant 0 : i32
    %swap3A_102 = arith.index_cast %swap3A_101 : i32 to index
    %swap3A_103 = arith.constant 64 : index
    %swap3A_104 = tpu.vector_load %arg9[%swap3A_102, %swap3A_103] {strides = array<i32>} : memref<4x80xi32, #tpu.memory_space<vmem>>, vector<1x16xi32>,
    %swap3A_105 = vector.shape_cast %swap3A_104 : vector<1x16xi32> to vector<16xi32>
    %swap3A_106 = vector.shape_cast %rem3A_100 : vector<16xi32> to vector<1x16xi32>
    tpu.vector_store %arg9[%swap3A_102, %swap3A_103], %swap3A_106 {strides = array<i32>} : memref<4x80xi32, #tpu.memory_space<vmem>>, vector<1x16xi32>,
    %shift_right_logical3A_107 = arith.constant 14 : i32
    %shift_right_logical3A_108 = vector.broadcast %shift_right_logical3A_107 : i32 to vector<16xi32>
    %shift_right_logical3A_109 = arith.shrui %get3A_97, %shift_right_logical3A_108 : vector<16xi32>
    %swap3A_110 = arith.constant 0 : i32
    %swap3A_111 = arith.index_cast %swap3A_110 : i32 to index
    %swap3A_112 = arith.constant 64 : index
    %swap3A_113 = tpu.vector_load %arg10[%swap3A_111, %swap3A_112] {strides = array<i32>} : memref<4x80xi32, #tpu.memory_space<vmem>>, vector<1x16xi32>,
    %swap3A_114 = vector.shape_cast %swap3A_113 : vector<1x16xi32> to vector<16xi32>
    %swap3A_115 = vector.shape_cast %shift_right_logical3A_109 : vector<16xi32> to vector<1x16xi32>
    tpu.vector_store %arg10[%swap3A_111, %swap3A_112], %swap3A_115 {strides = array<i32>} : memref<4x80xi32, #tpu.memory_space<vmem>>, vector<1x16xi32>,
    %dma_start3A = arith.constant 0 : i32
    %dma_start3A_116 = arith.constant 0 : i32
    %dma_start3A_117 = arith.constant 0 : i32
    %dma_start3A_118 = arith.constant 0 : i32
    %dma_start3A_119 = tpu.memref_slice %arg11[%dma_start3A_116, %dma_start3A_117, %dma_start3A_118] : memref<4x80x128xf32, #tpu.memory_space<vmem>> -> memref<1x80x128xf32, #tpu.memory_space<vmem>>
    %dma_start3A_120 = tpu.memref_squeeze %dma_start3A_119 : memref<1x80x128xf32, #tpu.memory_space<vmem>> -> memref<80x128xf32, #tpu.memory_space<vmem>>
    %dma_start3A_121 = arith.constant 0 : i32
    %dma_start3A_122 = tpu.memref_slice %arg9[%dma_start3A, %dma_start3A_121] : memref<4x80xi32, #tpu.memory_space<vmem>> -> memref<1x80xi32, #tpu.memory_space<vmem>>
    %dma_start3A_123 = tpu.memref_squeeze %dma_start3A_122 : memref<1x80xi32, #tpu.memory_space<vmem>> -> memref<80xi32, #tpu.memory_space<vmem>>
    %dma_start3A_124 = arith.constant 0 : i32
    %dma_start3A_125 = arith.constant 0 : i32
    %dma_start3A_126 = tpu.memref_slice %arg2[%dma_start3A_124, %dma_start3A_125] : memref<10000x128xf32, #tpu.memory_space<hbm>> -> memref<10000x128xf32, #tpu.memory_space<hbm>>
    tpu.enqueue_indirect_dma source(%dma_start3A_126 : memref<10000x128xf32, #tpu.memory_space<hbm>>) target(%dma_start3A_120 : memref<80x128xf32, #tpu.memory_space<vmem>>) offsets(%dma_start3A_123 : memref<80xi32, #tpu.memory_space<vmem>>) semaphore(%arg15 : memref<!tpu.dma_semaphore, #tpu.memory_space<semaphore_mem>>)
    %add3A_127 = arith.constant 80 : i32
    %add3A_128 = arith.addi %mul3A_2, %add3A_127 : i32
    %run_scoped3A_129 = arith.constant 1 : i32
    "tpu.region"() ({
      %run_scoped3A_423 = tpu.sem_alloc : memref<!tpu.dma_semaphore, #tpu.memory_space<semaphore_mem>>
      %dma_start3A_424 = arith.constant 0 : i32
      %dma_start3A_425 = tpu.memref_slice %arg8[%run_scoped3A_129, %dma_start3A_424] : memref<4x80xi32, #tpu.memory_space<vmem>> -> memref<1x80xi32, #tpu.memory_space<vmem>>
      %dma_start3A_426 = tpu.memref_squeeze %dma_start3A_425 : memref<1x80xi32, #tpu.memory_space<vmem>> -> memref<80xi32, #tpu.memory_space<vmem>>
      %dma_start3A_427 = tpu.memref_slice %arg3[%add3A_128] : memref<320000xi32, #tpu.memory_space<hbm>> -> memref<80xi32, #tpu.memory_space<hbm>>
      %dma_start3A_428 = arith.constant 0 : i32
      %dma_start3A_429 = tpu.memref_slice %arg8[%run_scoped3A_129, %dma_start3A_428] : memref<4x80xi32, #tpu.memory_space<vmem>> -> memref<1x80xi32, #tpu.memory_space<vmem>>
      %dma_start3A_430 = tpu.memref_squeeze %dma_start3A_429 : memref<1x80xi32, #tpu.memory_space<vmem>> -> memref<80xi32, #tpu.memory_space<vmem>>
      %dma_start3A_431 = tpu.memref_slice %arg3[%add3A_128] : memref<320000xi32, #tpu.memory_space<hbm>> -> memref<80xi32, #tpu.memory_space<hbm>>
      tpu.enqueue_dma source(%dma_start3A_431 : memref<80xi32, #tpu.memory_space<hbm>>) target(%dma_start3A_430 : memref<80xi32, #tpu.memory_space<vmem>>) target_semaphore(%run_scoped3A_423 : memref<!tpu.dma_semaphore, #tpu.memory_space<semaphore_mem>>)
      %dma_wait3A_432 = arith.constant 0 : i32
      %dma_wait3A_433 = tpu.memref_slice %arg8[%run_scoped3A_129, %dma_wait3A_432] : memref<4x80xi32, #tpu.memory_space<vmem>> -> memref<1x80xi32, #tpu.memory_space<vmem>>
      %dma_wait3A_434 = tpu.memref_squeeze %dma_wait3A_433 : memref<1x80xi32, #tpu.memory_space<vmem>> -> memref<80xi32, #tpu.memory_space<vmem>>
      %dma_wait3A_435 = tpu.memref_slice %arg3[%add3A_128] : memref<320000xi32, #tpu.memory_space<hbm>> -> memref<80xi32, #tpu.memory_space<hbm>>
      %dma_wait3A_436 = arith.constant 0 : i32
      %dma_wait3A_437 = tpu.memref_slice %arg8[%run_scoped3A_129, %dma_wait3A_436] : memref<4x80xi32, #tpu.memory_space<vmem>> -> memref<1x80xi32, #tpu.memory_space<vmem>>
      %dma_wait3A_438 = tpu.memref_squeeze %dma_wait3A_437 : memref<1x80xi32, #tpu.memory_space<vmem>> -> memref<80xi32, #tpu.memory_space<vmem>>
      %dma_wait3A_439 = tpu.memref_slice %arg3[%add3A_128] : memref<320000xi32, #tpu.memory_space<hbm>> -> memref<80xi32, #tpu.memory_space<hbm>>
      tpu.wait_dma2 semaphore(%run_scoped3A_423 : memref<!tpu.dma_semaphore, #tpu.memory_space<semaphore_mem>>) src(%dma_wait3A_439 : memref<80xi32, #tpu.memory_space<hbm>>) dst(%dma_wait3A_438 : memref<80xi32, #tpu.memory_space<vmem>>)
      tpu.yield
    }) : () -> ()
    %get3A_130 = arith.constant 1 : i32
    %get3A_131 = arith.index_cast %get3A_130 : i32 to index
    %get3A_132 = arith.constant 0 : index
    %get3A_133 = tpu.vector_load %arg8[%get3A_131, %get3A_132] {strides = array<i32>} : memref<4x80xi32, #tpu.memory_space<vmem>>, vector<1x16xi32>,
    %get3A_134 = vector.shape_cast %get3A_133 : vector<1x16xi32> to vector<16xi32>
    %rem3A_135 = arith.constant 16384 : i32
    %rem3A_136 = vector.broadcast %rem3A_135 : i32 to vector<16xi32>
    %rem3A_137 = arith.remsi %get3A_134, %rem3A_136 : vector<16xi32>
    %swap3A_138 = arith.constant 1 : i32
    %swap3A_139 = arith.index_cast %swap3A_138 : i32 to index
    %swap3A_140 = arith.constant 0 : index
    %swap3A_141 = tpu.vector_load %arg9[%swap3A_139, %swap3A_140] {strides = array<i32>} : memref<4x80xi32, #tpu.memory_space<vmem>>, vector<1x16xi32>,
    %swap3A_142 = vector.shape_cast %swap3A_141 : vector<1x16xi32> to vector<16xi32>
    %swap3A_143 = vector.shape_cast %rem3A_137 : vector<16xi32> to vector<1x16xi32>
    tpu.vector_store %arg9[%swap3A_139, %swap3A_140], %swap3A_143 {strides = array<i32>} : memref<4x80xi32, #tpu.memory_space<vmem>>, vector<1x16xi32>,
    %shift_right_logical3A_144 = arith.constant 14 : i32
    %shift_right_logical3A_145 = vector.broadcast %shift_right_logical3A_144 : i32 to vector<16xi32>
    %shift_right_logical3A_146 = arith.shrui %get3A_134, %shift_right_logical3A_145 : vector<16xi32>
    %swap3A_147 = arith.constant 1 : i32
    %swap3A_148 = arith.index_cast %swap3A_147 : i32 to index
    %swap3A_149 = arith.constant 0 : index
    %swap3A_150 = tpu.vector_load %arg10[%swap3A_148, %swap3A_149] {strides = array<i32>} : memref<4x80xi32, #tpu.memory_space<vmem>>, vector<1x16xi32>,
    %swap3A_151 = vector.shape_cast %swap3A_150 : vector<1x16xi32> to vector<16xi32>
    %swap3A_152 = vector.shape_cast %shift_right_logical3A_146 : vector<16xi32> to vector<1x16xi32>
    tpu.vector_store %arg10[%swap3A_148, %swap3A_149], %swap3A_152 {strides = array<i32>} : memref<4x80xi32, #tpu.memory_space<vmem>>, vector<1x16xi32>,
    %get3A_153 = arith.constant 1 : i32
    %get3A_154 = arith.index_cast %get3A_153 : i32 to index
    %get3A_155 = arith.constant 16 : index
    %get3A_156 = tpu.vector_load %arg8[%get3A_154, %get3A_155] {strides = array<i32>} : memref<4x80xi32, #tpu.memory_space<vmem>>, vector<1x16xi32>,
    %get3A_157 = vector.shape_cast %get3A_156 : vector<1x16xi32> to vector<16xi32>
    %rem3A_158 = arith.constant 16384 : i32
    %rem3A_159 = vector.broadcast %rem3A_158 : i32 to vector<16xi32>
    %rem3A_160 = arith.remsi %get3A_157, %rem3A_159 : vector<16xi32>
    %swap3A_161 = arith.constant 1 : i32
    %swap3A_162 = arith.index_cast %swap3A_161 : i32 to index
    %swap3A_163 = arith.constant 16 : index
    %swap3A_164 = tpu.vector_load %arg9[%swap3A_162, %swap3A_163] {strides = array<i32>} : memref<4x80xi32, #tpu.memory_space<vmem>>, vector<1x16xi32>,
    %swap3A_165 = vector.shape_cast %swap3A_164 : vector<1x16xi32> to vector<16xi32>
    %swap3A_166 = vector.shape_cast %rem3A_160 : vector<16xi32> to vector<1x16xi32>
    tpu.vector_store %arg9[%swap3A_162, %swap3A_163], %swap3A_166 {strides = array<i32>} : memref<4x80xi32, #tpu.memory_space<vmem>>, vector<1x16xi32>,
    %shift_right_logical3A_167 = arith.constant 14 : i32
    %shift_right_logical3A_168 = vector.broadcast %shift_right_logical3A_167 : i32 to vector<16xi32>
    %shift_right_logical3A_169 = arith.shrui %get3A_157, %shift_right_logical3A_168 : vector<16xi32>
    %swap3A_170 = arith.constant 1 : i32
    %swap3A_171 = arith.index_cast %swap3A_170 : i32 to index
    %swap3A_172 = arith.constant 16 : index
    %swap3A_173 = tpu.vector_load %arg10[%swap3A_171, %swap3A_172] {strides = array<i32>} : memref<4x80xi32, #tpu.memory_space<vmem>>, vector<1x16xi32>,
    %swap3A_174 = vector.shape_cast %swap3A_173 : vector<1x16xi32> to vector<16xi32>
    %swap3A_175 = vector.shape_cast %shift_right_logical3A_169 : vector<16xi32> to vector<1x16xi32>
    tpu.vector_store %arg10[%swap3A_171, %swap3A_172], %swap3A_175 {strides = array<i32>} : memref<4x80xi32, #tpu.memory_space<vmem>>, vector<1x16xi32>,
    %get3A_176 = arith.constant 1 : i32
    %get3A_177 = arith.index_cast %get3A_176 : i32 to index
    %get3A_178 = arith.constant 32 : index
    %get3A_179 = tpu.vector_load %arg8[%get3A_177, %get3A_178] {strides = array<i32>} : memref<4x80xi32, #tpu.memory_space<vmem>>, vector<1x16xi32>,
    %get3A_180 = vector.shape_cast %get3A_179 : vector<1x16xi32> to vector<16xi32>
    %rem3A_181 = arith.constant 16384 : i32
    %rem3A_182 = vector.broadcast %rem3A_181 : i32 to vector<16xi32>
    %rem3A_183 = arith.remsi %get3A_180, %rem3A_182 : vector<16xi32>
    %swap3A_184 = arith.constant 1 : i32
    %swap3A_185 = arith.index_cast %swap3A_184 : i32 to index
    %swap3A_186 = arith.constant 32 : index
    %swap3A_187 = tpu.vector_load %arg9[%swap3A_185, %swap3A_186] {strides = array<i32>} : memref<4x80xi32, #tpu.memory_space<vmem>>, vector<1x16xi32>,
    %swap3A_188 = vector.shape_cast %swap3A_187 : vector<1x16xi32> to vector<16xi32>
    %swap3A_189 = vector.shape_cast %rem3A_183 : vector<16xi32> to vector<1x16xi32>
    tpu.vector_store %arg9[%swap3A_185, %swap3A_186], %swap3A_189 {strides = array<i32>} : memref<4x80xi32, #tpu.memory_space<vmem>>, vector<1x16xi32>,
    %shift_right_logical3A_190 = arith.constant 14 : i32
    %shift_right_logical3A_191 = vector.broadcast %shift_right_logical3A_190 : i32 to vector<16xi32>
    %shift_right_logical3A_192 = arith.shrui %get3A_180, %shift_right_logical3A_191 : vector<16xi32>
    %swap3A_193 = arith.constant 1 : i32
    %swap3A_194 = arith.index_cast %swap3A_193 : i32 to index
    %swap3A_195 = arith.constant 32 : index
    %swap3A_196 = tpu.vector_load %arg10[%swap3A_194, %swap3A_195] {strides = array<i32>} : memref<4x80xi32, #tpu.memory_space<vmem>>, vector<1x16xi32>,
    %swap3A_197 = vector.shape_cast %swap3A_196 : vector<1x16xi32> to vector<16xi32>
    %swap3A_198 = vector.shape_cast %shift_right_logical3A_192 : vector<16xi32> to vector<1x16xi32>
    tpu.vector_store %arg10[%swap3A_194, %swap3A_195], %swap3A_198 {strides = array<i32>} : memref<4x80xi32, #tpu.memory_space<vmem>>, vector<1x16xi32>,
    %get3A_199 = arith.constant 1 : i32
    %get3A_200 = arith.index_cast %get3A_199 : i32 to index
    %get3A_201 = arith.constant 48 : index
    %get3A_202 = tpu.vector_load %arg8[%get3A_200, %get3A_201] {strides = array<i32>} : memref<4x80xi32, #tpu.memory_space<vmem>>, vector<1x16xi32>,
    %get3A_203 = vector.shape_cast %get3A_202 : vector<1x16xi32> to vector<16xi32>
    %rem3A_204 = arith.constant 16384 : i32
    %rem3A_205 = vector.broadcast %rem3A_204 : i32 to vector<16xi32>
    %rem3A_206 = arith.remsi %get3A_203, %rem3A_205 : vector<16xi32>
    %swap3A_207 = arith.constant 1 : i32
    %swap3A_208 = arith.index_cast %swap3A_207 : i32 to index
    %swap3A_209 = arith.constant 48 : index
    %swap3A_210 = tpu.vector_load %arg9[%swap3A_208, %swap3A_209] {strides = array<i32>} : memref<4x80xi32, #tpu.memory_space<vmem>>, vector<1x16xi32>,
    %swap3A_211 = vector.shape_cast %swap3A_210 : vector<1x16xi32> to vector<16xi32>
    %swap3A_212 = vector.shape_cast %rem3A_206 : vector<16xi32> to vector<1x16xi32>
    tpu.vector_store %arg9[%swap3A_208, %swap3A_209], %swap3A_212 {strides = array<i32>} : memref<4x80xi32, #tpu.memory_space<vmem>>, vector<1x16xi32>,
    %shift_right_logical3A_213 = arith.constant 14 : i32
    %shift_right_logical3A_214 = vector.broadcast %shift_right_logical3A_213 : i32 to vector<16xi32>
    %shift_right_logical3A_215 = arith.shrui %get3A_203, %shift_right_logical3A_214 : vector<16xi32>
    %swap3A_216 = arith.constant 1 : i32
    %swap3A_217 = arith.index_cast %swap3A_216 : i32 to index
    %swap3A_218 = arith.constant 48 : index
    %swap3A_219 = tpu.vector_load %arg10[%swap3A_217, %swap3A_218] {strides = array<i32>} : memref<4x80xi32, #tpu.memory_space<vmem>>, vector<1x16xi32>,
    %swap3A_220 = vector.shape_cast %swap3A_219 : vector<1x16xi32> to vector<16xi32>
    %swap3A_221 = vector.shape_cast %shift_right_logical3A_215 : vector<16xi32> to vector<1x16xi32>
    tpu.vector_store %arg10[%swap3A_217, %swap3A_218], %swap3A_221 {strides = array<i32>} : memref<4x80xi32, #tpu.memory_space<vmem>>, vector<1x16xi32>,
    %get3A_222 = arith.constant 1 : i32
    %get3A_223 = arith.index_cast %get3A_222 : i32 to index
    %get3A_224 = arith.constant 64 : index
    %get3A_225 = tpu.vector_load %arg8[%get3A_223, %get3A_224] {strides = array<i32>} : memref<4x80xi32, #tpu.memory_space<vmem>>, vector<1x16xi32>,
    %get3A_226 = vector.shape_cast %get3A_225 : vector<1x16xi32> to vector<16xi32>
    %rem3A_227 = arith.constant 16384 : i32
    %rem3A_228 = vector.broadcast %rem3A_227 : i32 to vector<16xi32>
    %rem3A_229 = arith.remsi %get3A_226, %rem3A_228 : vector<16xi32>
    %swap3A_230 = arith.constant 1 : i32
    %swap3A_231 = arith.index_cast %swap3A_230 : i32 to index
    %swap3A_232 = arith.constant 64 : index
    %swap3A_233 = tpu.vector_load %arg9[%swap3A_231, %swap3A_232] {strides = array<i32>} : memref<4x80xi32, #tpu.memory_space<vmem>>, vector<1x16xi32>,
    %swap3A_234 = vector.shape_cast %swap3A_233 : vector<1x16xi32> to vector<16xi32>
    %swap3A_235 = vector.shape_cast %rem3A_229 : vector<16xi32> to vector<1x16xi32>
    tpu.vector_store %arg9[%swap3A_231, %swap3A_232], %swap3A_235 {strides = array<i32>} : memref<4x80xi32, #tpu.memory_space<vmem>>, vector<1x16xi32>,
    %shift_right_logical3A_236 = arith.constant 14 : i32
    %shift_right_logical3A_237 = vector.broadcast %shift_right_logical3A_236 : i32 to vector<16xi32>
    %shift_right_logical3A_238 = arith.shrui %get3A_226, %shift_right_logical3A_237 : vector<16xi32>
    %swap3A_239 = arith.constant 1 : i32
    %swap3A_240 = arith.index_cast %swap3A_239 : i32 to index
    %swap3A_241 = arith.constant 64 : index
    %swap3A_242 = tpu.vector_load %arg10[%swap3A_240, %swap3A_241] {strides = array<i32>} : memref<4x80xi32, #tpu.memory_space<vmem>>, vector<1x16xi32>,
    %swap3A_243 = vector.shape_cast %swap3A_242 : vector<1x16xi32> to vector<16xi32>
    %swap3A_244 = vector.shape_cast %shift_right_logical3A_238 : vector<16xi32> to vector<1x16xi32>
    tpu.vector_store %arg10[%swap3A_240, %swap3A_241], %swap3A_244 {strides = array<i32>} : memref<4x80xi32, #tpu.memory_space<vmem>>, vector<1x16xi32>,
    %dma_start3A_245 = arith.constant 1 : i32
    %dma_start3A_246 = arith.constant 1 : i32
    %dma_start3A_247 = arith.constant 0 : i32
    %dma_start3A_248 = arith.constant 0 : i32
    %dma_start3A_249 = tpu.memref_slice %arg11[%dma_start3A_246, %dma_start3A_247, %dma_start3A_248] : memref<4x80x128xf32, #tpu.memory_space<vmem>> -> memref<1x80x128xf32, #tpu.memory_space<vmem>>
    %dma_start3A_250 = tpu.memref_squeeze %dma_start3A_249 : memref<1x80x128xf32, #tpu.memory_space<vmem>> -> memref<80x128xf32, #tpu.memory_space<vmem>>
    %dma_start3A_251 = arith.constant 0 : i32
    %dma_start3A_252 = tpu.memref_slice %arg9[%dma_start3A_245, %dma_start3A_251] : memref<4x80xi32, #tpu.memory_space<vmem>> -> memref<1x80xi32, #tpu.memory_space<vmem>>
    %dma_start3A_253 = tpu.memref_squeeze %dma_start3A_252 : memref<1x80xi32, #tpu.memory_space<vmem>> -> memref<80xi32, #tpu.memory_space<vmem>>
    %dma_start3A_254 = arith.constant 0 : i32
    %dma_start3A_255 = arith.constant 0 : i32
    %dma_start3A_256 = tpu.memref_slice %arg2[%dma_start3A_254, %dma_start3A_255] : memref<10000x128xf32, #tpu.memory_space<hbm>> -> memref<10000x128xf32, #tpu.memory_space<hbm>>
    tpu.enqueue_indirect_dma source(%dma_start3A_256 : memref<10000x128xf32, #tpu.memory_space<hbm>>) target(%dma_start3A_250 : memref<80x128xf32, #tpu.memory_space<vmem>>) offsets(%dma_start3A_253 : memref<80xi32, #tpu.memory_space<vmem>>) semaphore(%arg15 : memref<!tpu.dma_semaphore, #tpu.memory_space<semaphore_mem>>)
    %add3A_257 = arith.constant 160 : i32
    %add3A_258 = arith.addi %mul3A_2, %add3A_257 : i32
    %run_scoped3A_259 = arith.constant 2 : i32
    "tpu.region"() ({
      %run_scoped3A_423 = tpu.sem_alloc : memref<!tpu.dma_semaphore, #tpu.memory_space<semaphore_mem>>
      %dma_start3A_424 = arith.constant 0 : i32
      %dma_start3A_425 = tpu.memref_slice %arg8[%run_scoped3A_259, %dma_start3A_424] : memref<4x80xi32, #tpu.memory_space<vmem>> -> memref<1x80xi32, #tpu.memory_space<vmem>>
      %dma_start3A_426 = tpu.memref_squeeze %dma_start3A_425 : memref<1x80xi32, #tpu.memory_space<vmem>> -> memref<80xi32, #tpu.memory_space<vmem>>
      %dma_start3A_427 = tpu.memref_slice %arg3[%add3A_258] : memref<320000xi32, #tpu.memory_space<hbm>> -> memref<80xi32, #tpu.memory_space<hbm>>
      %dma_start3A_428 = arith.constant 0 : i32
      %dma_start3A_429 = tpu.memref_slice %arg8[%run_scoped3A_259, %dma_start3A_428] : memref<4x80xi32, #tpu.memory_space<vmem>> -> memref<1x80xi32, #tpu.memory_space<vmem>>
      %dma_start3A_430 = tpu.memref_squeeze %dma_start3A_429 : memref<1x80xi32, #tpu.memory_space<vmem>> -> memref<80xi32, #tpu.memory_space<vmem>>
      %dma_start3A_431 = tpu.memref_slice %arg3[%add3A_258] : memref<320000xi32, #tpu.memory_space<hbm>> -> memref<80xi32, #tpu.memory_space<hbm>>
      tpu.enqueue_dma source(%dma_start3A_431 : memref<80xi32, #tpu.memory_space<hbm>>) target(%dma_start3A_430 : memref<80xi32, #tpu.memory_space<vmem>>) target_semaphore(%run_scoped3A_423 : memref<!tpu.dma_semaphore, #tpu.memory_space<semaphore_mem>>)
      %dma_wait3A_432 = arith.constant 0 : i32
      %dma_wait3A_433 = tpu.memref_slice %arg8[%run_scoped3A_259, %dma_wait3A_432] : memref<4x80xi32, #tpu.memory_space<vmem>> -> memref<1x80xi32, #tpu.memory_space<vmem>>
      %dma_wait3A_434 = tpu.memref_squeeze %dma_wait3A_433 : memref<1x80xi32, #tpu.memory_space<vmem>> -> memref<80xi32, #tpu.memory_space<vmem>>
      %dma_wait3A_435 = tpu.memref_slice %arg3[%add3A_258] : memref<320000xi32, #tpu.memory_space<hbm>> -> memref<80xi32, #tpu.memory_space<hbm>>
      %dma_wait3A_436 = arith.constant 0 : i32
      %dma_wait3A_437 = tpu.memref_slice %arg8[%run_scoped3A_259, %dma_wait3A_436] : memref<4x80xi32, #tpu.memory_space<vmem>> -> memref<1x80xi32, #tpu.memory_space<vmem>>
      %dma_wait3A_438 = tpu.memref_squeeze %dma_wait3A_437 : memref<1x80xi32, #tpu.memory_space<vmem>> -> memref<80xi32, #tpu.memory_space<vmem>>
      %dma_wait3A_439 = tpu.memref_slice %arg3[%add3A_258] : memref<320000xi32, #tpu.memory_space<hbm>> -> memref<80xi32, #tpu.memory_space<hbm>>
      tpu.wait_dma2 semaphore(%run_scoped3A_423 : memref<!tpu.dma_semaphore, #tpu.memory_space<semaphore_mem>>) src(%dma_wait3A_439 : memref<80xi32, #tpu.memory_space<hbm>>) dst(%dma_wait3A_438 : memref<80xi32, #tpu.memory_space<vmem>>)
      tpu.yield
    }) : () -> ()
    %get3A_260 = arith.constant 2 : i32
    %get3A_261 = arith.index_cast %get3A_260 : i32 to index
    %get3A_262 = arith.constant 0 : index
    %get3A_263 = tpu.vector_load %arg8[%get3A_261, %get3A_262] {strides = array<i32>} : memref<4x80xi32, #tpu.memory_space<vmem>>, vector<1x16xi32>,
    %get3A_264 = vector.shape_cast %get3A_263 : vector<1x16xi32> to vector<16xi32>
    %rem3A_265 = arith.constant 16384 : i32
    %rem3A_266 = vector.broadcast %rem3A_265 : i32 to vector<16xi32>
    %rem3A_267 = arith.remsi %get3A_264, %rem3A_266 : vector<16xi32>
    %swap3A_268 = arith.constant 2 : i32
    %swap3A_269 = arith.index_cast %swap3A_268 : i32 to index
    %swap3A_270 = arith.constant 0 : index
    %swap3A_271 = tpu.vector_load %arg9[%swap3A_269, %swap3A_270] {strides = array<i32>} : memref<4x80xi32, #tpu.memory_space<vmem>>, vector<1x16xi32>,
    %swap3A_272 = vector.shape_cast %swap3A_271 : vector<1x16xi32> to vector<16xi32>
    %swap3A_273 = vector.shape_cast %rem3A_267 : vector<16xi32> to vector<1x16xi32>
    tpu.vector_store %arg9[%swap3A_269, %swap3A_270], %swap3A_273 {strides = array<i32>} : memref<4x80xi32, #tpu.memory_space<vmem>>, vector<1x16xi32>,
    %shift_right_logical3A_274 = arith.constant 14 : i32
    %shift_right_logical3A_275 = vector.broadcast %shift_right_logical3A_274 : i32 to vector<16xi32>
    %shift_right_logical3A_276 = arith.shrui %get3A_264, %shift_right_logical3A_275 : vector<16xi32>
    %swap3A_277 = arith.constant 2 : i32
    %swap3A_278 = arith.index_cast %swap3A_277 : i32 to index
    %swap3A_279 = arith.constant 0 : index
    %swap3A_280 = tpu.vector_load %arg10[%swap3A_278, %swap3A_279] {strides = array<i32>} : memref<4x80xi32, #tpu.memory_space<vmem>>, vector<1x16xi32>,
    %swap3A_281 = vector.shape_cast %swap3A_280 : vector<1x16xi32> to vector<16xi32>
    %swap3A_282 = vector.shape_cast %shift_right_logical3A_276 : vector<16xi32> to vector<1x16xi32>
    tpu.vector_store %arg10[%swap3A_278, %swap3A_279], %swap3A_282 {strides = array<i32>} : memref<4x80xi32, #tpu.memory_space<vmem>>, vector<1x16xi32>,
    %get3A_283 = arith.constant 2 : i32
    %get3A_284 = arith.index_cast %get3A_283 : i32 to index
    %get3A_285 = arith.constant 16 : index
    %get3A_286 = tpu.vector_load %arg8[%get3A_284, %get3A_285] {strides = array<i32>} : memref<4x80xi32, #tpu.memory_space<vmem>>, vector<1x16xi32>,
    %get3A_287 = vector.shape_cast %get3A_286 : vector<1x16xi32> to vector<16xi32>
    %rem3A_288 = arith.constant 16384 : i32
    %rem3A_289 = vector.broadcast %rem3A_288 : i32 to vector<16xi32>
    %rem3A_290 = arith.remsi %get3A_287, %rem3A_289 : vector<16xi32>
    %swap3A_291 = arith.constant 2 : i32
    %swap3A_292 = arith.index_cast %swap3A_291 : i32 to index
    %swap3A_293 = arith.constant 16 : index
    %swap3A_294 = tpu.vector_load %arg9[%swap3A_292, %swap3A_293] {strides = array<i32>} : memref<4x80xi32, #tpu.memory_space<vmem>>, vector<1x16xi32>,
    %swap3A_295 = vector.shape_cast %swap3A_294 : vector<1x16xi32> to vector<16xi32>
    %swap3A_296 = vector.shape_cast %rem3A_290 : vector<16xi32> to vector<1x16xi32>
    tpu.vector_store %arg9[%swap3A_292, %swap3A_293], %swap3A_296 {strides = array<i32>} : memref<4x80xi32, #tpu.memory_space<vmem>>, vector<1x16xi32>,
    %shift_right_logical3A_297 = arith.constant 14 : i32
    %shift_right_logical3A_298 = vector.broadcast %shift_right_logical3A_297 : i32 to vector<16xi32>
    %shift_right_logical3A_299 = arith.shrui %get3A_287, %shift_right_logical3A_298 : vector<16xi32>
    %swap3A_300 = arith.constant 2 : i32
    %swap3A_301 = arith.index_cast %swap3A_300 : i32 to index
    %swap3A_302 = arith.constant 16 : index
    %swap3A_303 = tpu.vector_load %arg10[%swap3A_301, %swap3A_302] {strides = array<i32>} : memref<4x80xi32, #tpu.memory_space<vmem>>, vector<1x16xi32>,
    %swap3A_304 = vector.shape_cast %swap3A_303 : vector<1x16xi32> to vector<16xi32>
    %swap3A_305 = vector.shape_cast %shift_right_logical3A_299 : vector<16xi32> to vector<1x16xi32>
    tpu.vector_store %arg10[%swap3A_301, %swap3A_302], %swap3A_305 {strides = array<i32>} : memref<4x80xi32, #tpu.memory_space<vmem>>, vector<1x16xi32>,
    %get3A_306 = arith.constant 2 : i32
    %get3A_307 = arith.index_cast %get3A_306 : i32 to index
    %get3A_308 = arith.constant 32 : index
    %get3A_309 = tpu.vector_load %arg8[%get3A_307, %get3A_308] {strides = array<i32>} : memref<4x80xi32, #tpu.memory_space<vmem>>, vector<1x16xi32>,
    %get3A_310 = vector.shape_cast %get3A_309 : vector<1x16xi32> to vector<16xi32>
    %rem3A_311 = arith.constant 16384 : i32
    %rem3A_312 = vector.broadcast %rem3A_311 : i32 to vector<16xi32>
    %rem3A_313 = arith.remsi %get3A_310, %rem3A_312 : vector<16xi32>
    %swap3A_314 = arith.constant 2 : i32
    %swap3A_315 = arith.index_cast %swap3A_314 : i32 to index
    %swap3A_316 = arith.constant 32 : index
    %swap3A_317 = tpu.vector_load %arg9[%swap3A_315, %swap3A_316] {strides = array<i32>} : memref<4x80xi32, #tpu.memory_space<vmem>>, vector<1x16xi32>,
    %swap3A_318 = vector.shape_cast %swap3A_317 : vector<1x16xi32> to vector<16xi32>
    %swap3A_319 = vector.shape_cast %rem3A_313 : vector<16xi32> to vector<1x16xi32>
    tpu.vector_store %arg9[%swap3A_315, %swap3A_316], %swap3A_319 {strides = array<i32>} : memref<4x80xi32, #tpu.memory_space<vmem>>, vector<1x16xi32>,
    %shift_right_logical3A_320 = arith.constant 14 : i32
    %shift_right_logical3A_321 = vector.broadcast %shift_right_logical3A_320 : i32 to vector<16xi32>
    %shift_right_logical3A_322 = arith.shrui %get3A_310, %shift_right_logical3A_321 : vector<16xi32>
    %swap3A_323 = arith.constant 2 : i32
    %swap3A_324 = arith.index_cast %swap3A_323 : i32 to index
    %swap3A_325 = arith.constant 32 : index
    %swap3A_326 = tpu.vector_load %arg10[%swap3A_324, %swap3A_325] {strides = array<i32>} : memref<4x80xi32, #tpu.memory_space<vmem>>, vector<1x16xi32>,
    %swap3A_327 = vector.shape_cast %swap3A_326 : vector<1x16xi32> to vector<16xi32>
    %swap3A_328 = vector.shape_cast %shift_right_logical3A_322 : vector<16xi32> to vector<1x16xi32>
    tpu.vector_store %arg10[%swap3A_324, %swap3A_325], %swap3A_328 {strides = array<i32>} : memref<4x80xi32, #tpu.memory_space<vmem>>, vector<1x16xi32>,
    %get3A_329 = arith.constant 2 : i32
    %get3A_330 = arith.index_cast %get3A_329 : i32 to index
    %get3A_331 = arith.constant 48 : index
    %get3A_332 = tpu.vector_load %arg8[%get3A_330, %get3A_331] {strides = array<i32>} : memref<4x80xi32, #tpu.memory_space<vmem>>, vector<1x16xi32>,
    %get3A_333 = vector.shape_cast %get3A_332 : vector<1x16xi32> to vector<16xi32>
    %rem3A_334 = arith.constant 16384 : i32
    %rem3A_335 = vector.broadcast %rem3A_334 : i32 to vector<16xi32>
    %rem3A_336 = arith.remsi %get3A_333, %rem3A_335 : vector<16xi32>
    %swap3A_337 = arith.constant 2 : i32
    %swap3A_338 = arith.index_cast %swap3A_337 : i32 to index
    %swap3A_339 = arith.constant 48 : index
    %swap3A_340 = tpu.vector_load %arg9[%swap3A_338, %swap3A_339] {strides = array<i32>} : memref<4x80xi32, #tpu.memory_space<vmem>>, vector<1x16xi32>,
    %swap3A_341 = vector.shape_cast %swap3A_340 : vector<1x16xi32> to vector<16xi32>
    %swap3A_342 = vector.shape_cast %rem3A_336 : vector<16xi32> to vector<1x16xi32>
    tpu.vector_store %arg9[%swap3A_338, %swap3A_339], %swap3A_342 {strides = array<i32>} : memref<4x80xi32, #tpu.memory_space<vmem>>, vector<1x16xi32>,
    %shift_right_logical3A_343 = arith.constant 14 : i32
    %shift_right_logical3A_344 = vector.broadcast %shift_right_logical3A_343 : i32 to vector<16xi32>
    %shift_right_logical3A_345 = arith.shrui %get3A_333, %shift_right_logical3A_344 : vector<16xi32>
    %swap3A_346 = arith.constant 2 : i32
    %swap3A_347 = arith.index_cast %swap3A_346 : i32 to index
    %swap3A_348 = arith.constant 48 : index
    %swap3A_349 = tpu.vector_load %arg10[%swap3A_347, %swap3A_348] {strides = array<i32>} : memref<4x80xi32, #tpu.memory_space<vmem>>, vector<1x16xi32>,
    %swap3A_350 = vector.shape_cast %swap3A_349 : vector<1x16xi32> to vector<16xi32>
    %swap3A_351 = vector.shape_cast %shift_right_logical3A_345 : vector<16xi32> to vector<1x16xi32>
    tpu.vector_store %arg10[%swap3A_347, %swap3A_348], %swap3A_351 {strides = array<i32>} : memref<4x80xi32, #tpu.memory_space<vmem>>, vector<1x16xi32>,
    %get3A_352 = arith.constant 2 : i32
    %get3A_353 = arith.index_cast %get3A_352 : i32 to index
    %get3A_354 = arith.constant 64 : index
    %get3A_355 = tpu.vector_load %arg8[%get3A_353, %get3A_354] {strides = array<i32>} : memref<4x80xi32, #tpu.memory_space<vmem>>, vector<1x16xi32>,
    %get3A_356 = vector.shape_cast %get3A_355 : vector<1x16xi32> to vector<16xi32>
    %rem3A_357 = arith.constant 16384 : i32
    %rem3A_358 = vector.broadcast %rem3A_357 : i32 to vector<16xi32>
    %rem3A_359 = arith.remsi %get3A_356, %rem3A_358 : vector<16xi32>
    %swap3A_360 = arith.constant 2 : i32
    %swap3A_361 = arith.index_cast %swap3A_360 : i32 to index
    %swap3A_362 = arith.constant 64 : index
    %swap3A_363 = tpu.vector_load %arg9[%swap3A_361, %swap3A_362] {strides = array<i32>} : memref<4x80xi32, #tpu.memory_space<vmem>>, vector<1x16xi32>,
    %swap3A_364 = vector.shape_cast %swap3A_363 : vector<1x16xi32> to vector<16xi32>
    %swap3A_365 = vector.shape_cast %rem3A_359 : vector<16xi32> to vector<1x16xi32>
    tpu.vector_store %arg9[%swap3A_361, %swap3A_362], %swap3A_365 {strides = array<i32>} : memref<4x80xi32, #tpu.memory_space<vmem>>, vector<1x16xi32>,
    %shift_right_logical3A_366 = arith.constant 14 : i32
    %shift_right_logical3A_367 = vector.broadcast %shift_right_logical3A_366 : i32 to vector<16xi32>
    %shift_right_logical3A_368 = arith.shrui %get3A_356, %shift_right_logical3A_367 : vector<16xi32>
    %swap3A_369 = arith.constant 2 : i32
    %swap3A_370 = arith.index_cast %swap3A_369 : i32 to index
    %swap3A_371 = arith.constant 64 : index
    %swap3A_372 = tpu.vector_load %arg10[%swap3A_370, %swap3A_371] {strides = array<i32>} : memref<4x80xi32, #tpu.memory_space<vmem>>, vector<1x16xi32>,
    %swap3A_373 = vector.shape_cast %swap3A_372 : vector<1x16xi32> to vector<16xi32>
    %swap3A_374 = vector.shape_cast %shift_right_logical3A_368 : vector<16xi32> to vector<1x16xi32>
    tpu.vector_store %arg10[%swap3A_370, %swap3A_371], %swap3A_374 {strides = array<i32>} : memref<4x80xi32, #tpu.memory_space<vmem>>, vector<1x16xi32>,
    %dma_start3A_375 = arith.constant 2 : i32
    %dma_start3A_376 = arith.constant 2 : i32
    %dma_start3A_377 = arith.constant 0 : i32
    %dma_start3A_378 = arith.constant 0 : i32
    %dma_start3A_379 = tpu.memref_slice %arg11[%dma_start3A_376, %dma_start3A_377, %dma_start3A_378] : memref<4x80x128xf32, #tpu.memory_space<vmem>> -> memref<1x80x128xf32, #tpu.memory_space<vmem>>
    %dma_start3A_380 = tpu.memref_squeeze %dma_start3A_379 : memref<1x80x128xf32, #tpu.memory_space<vmem>> -> memref<80x128xf32, #tpu.memory_space<vmem>>
    %dma_start3A_381 = arith.constant 0 : i32
    %dma_start3A_382 = tpu.memref_slice %arg9[%dma_start3A_375, %dma_start3A_381] : memref<4x80xi32, #tpu.memory_space<vmem>> -> memref<1x80xi32, #tpu.memory_space<vmem>>
    %dma_start3A_383 = tpu.memref_squeeze %dma_start3A_382 : memref<1x80xi32, #tpu.memory_space<vmem>> -> memref<80xi32, #tpu.memory_space<vmem>>
    %dma_start3A_384 = arith.constant 0 : i32
    %dma_start3A_385 = arith.constant 0 : i32
    %dma_start3A_386 = tpu.memref_slice %arg2[%dma_start3A_384, %dma_start3A_385] : memref<10000x128xf32, #tpu.memory_space<hbm>> -> memref<10000x128xf32, #tpu.memory_space<hbm>>
    tpu.enqueue_indirect_dma source(%dma_start3A_386 : memref<10000x128xf32, #tpu.memory_space<hbm>>) target(%dma_start3A_380 : memref<80x128xf32, #tpu.memory_space<vmem>>) offsets(%dma_start3A_383 : memref<80xi32, #tpu.memory_space<vmem>>) semaphore(%arg15 : memref<!tpu.dma_semaphore, #tpu.memory_space<semaphore_mem>>)
    %add3A_387 = arith.constant 240 : i32
    %add3A_388 = arith.addi %mul3A_2, %add3A_387 : i32
    %dma_start3A_389 = arith.constant 3 : i32
    %dma_start3A_390 = arith.constant 0 : i32
    %dma_start3A_391 = tpu.memref_slice %arg8[%dma_start3A_389, %dma_start3A_390] : memref<4x80xi32, #tpu.memory_space<vmem>> -> memref<1x80xi32, #tpu.memory_space<vmem>>
    %dma_start3A_392 = tpu.memref_squeeze %dma_start3A_391 : memref<1x80xi32, #tpu.memory_space<vmem>> -> memref<80xi32, #tpu.memory_space<vmem>>
    %dma_start3A_393 = tpu.memref_slice %arg3[%add3A_388] : memref<320000xi32, #tpu.memory_space<hbm>> -> memref<80xi32, #tpu.memory_space<hbm>>
    %dma_start3A_394 = arith.constant 0 : i32
    %dma_start3A_395 = tpu.memref_slice %arg8[%dma_start3A_389, %dma_start3A_394] : memref<4x80xi32, #tpu.memory_space<vmem>> -> memref<1x80xi32, #tpu.memory_space<vmem>>
    %dma_start3A_396 = tpu.memref_squeeze %dma_start3A_395 : memref<1x80xi32, #tpu.memory_space<vmem>> -> memref<80xi32, #tpu.memory_space<vmem>>
    %dma_start3A_397 = tpu.memref_slice %arg3[%add3A_388] : memref<320000xi32, #tpu.memory_space<hbm>> -> memref<80xi32, #tpu.memory_space<hbm>>
    tpu.enqueue_dma source(%dma_start3A_397 : memref<80xi32, #tpu.memory_space<hbm>>) target(%dma_start3A_396 : memref<80xi32, #tpu.memory_space<vmem>>) target_semaphore(%arg17 : memref<!tpu.dma_semaphore, #tpu.memory_space<semaphore_mem>>)
    %mul3A_398 = arith.constant 640 : i32
    %mul3A_399 = arith.muli %arg1, %mul3A_398 : i32
    %mul3A_400 = arith.constant 640 : i32
    %mul3A_401 = arith.muli %arg1, %mul3A_400 : i32
    "tpu.region"() ({
      %run_scoped3A_423 = tpu.sem_alloc : memref<!tpu.dma_semaphore, #tpu.memory_space<semaphore_mem>>
      %dma_start3A_424 = arith.constant 0 : i32
      %dma_start3A_425 = tpu.memref_slice %arg13[%mul3A_401, %dma_start3A_424] : memref<10240x128xf32, #tpu.memory_space<vmem_shared>> -> memref<640x128xf32, #tpu.memory_space<vmem_shared>>
      %dma_start3A_426 = arith.constant 0 : i32
      %dma_start3A_427 = tpu.memref_slice %arg4[%mul3A_399, %dma_start3A_426] : memref<10240x128xf32, #tpu.memory_space<hbm>> -> memref<640x128xf32, #tpu.memory_space<hbm>>
      tpu.enqueue_dma source(%dma_start3A_427 : memref<640x128xf32, #tpu.memory_space<hbm>>) target(%dma_start3A_425 : memref<640x128xf32, #tpu.memory_space<vmem_shared>>) target_semaphore(%run_scoped3A_423 : memref<!tpu.dma_semaphore, #tpu.memory_space<semaphore_mem>>)
      %dma_wait3A_428 = arith.constant 0 : i32
      %dma_wait3A_429 = tpu.memref_slice %arg13[%mul3A_401, %dma_wait3A_428] : memref<10240x128xf32, #tpu.memory_space<vmem_shared>> -> memref<640x128xf32, #tpu.memory_space<vmem_shared>>
      %dma_wait3A_430 = arith.constant 0 : i32
      %dma_wait3A_431 = tpu.memref_slice %arg4[%mul3A_399, %dma_wait3A_430] : memref<10240x128xf32, #tpu.memory_space<hbm>> -> memref<640x128xf32, #tpu.memory_space<hbm>>
      tpu.wait_dma2 semaphore(%run_scoped3A_423 : memref<!tpu.dma_semaphore, #tpu.memory_space<semaphore_mem>>) src(%dma_wait3A_431 : memref<640x128xf32, #tpu.memory_space<hbm>>) dst(%dma_wait3A_429 : memref<640x128xf32, #tpu.memory_space<vmem_shared>>)
      tpu.yield
    }) : () -> ()
    %barrier3A = arith.constant 0 : index
    tpu.barrier barrier_id(%barrier3A)
    %scan3A = arith.constant 0 : i32
    %scan3A_402 = arith.constant 0 : i32
    %scan3A_403 = arith.constant 125 : i32
    %scan3A_404 = arith.addi %scan3A_402, %scan3A_403 : i32
    %scan3A_405 = arith.constant 1 : i32
    scf.for %scan3A_423 = %scan3A_402 to %scan3A_404 step %scan3A_405  : i32 {
      %rem3A_424 = arith.constant 4 : i32
      %rem3A_425 = arith.remsi %scan3A_423, %rem3A_424 : i32
      %add3A_426 = arith.constant 4 : i32
      %add3A_427 = arith.addi %scan3A_423, %add3A_426 : i32
      %sub3A = arith.constant 1 : i32
      %sub3A_428 = arith.subi %add3A_427, %sub3A : i32
      %rem3A_429 = arith.constant 4 : i32
      %rem3A_430 = arith.remsi %sub3A_428, %rem3A_429 : i32
      %dma_wait3A_431 = arith.constant 0 : i32
      %dma_wait3A_432 = arith.constant 0 : i32
      %dma_wait3A_433 = tpu.memref_slice %arg11[%rem3A_425, %dma_wait3A_431, %dma_wait3A_432] : memref<4x80x128xf32, #tpu.memory_space<vmem>> -> memref<1x80x128xf32, #tpu.memory_space<vmem>>
      %dma_wait3A_434 = tpu.memref_squeeze %dma_wait3A_433 : memref<1x80x128xf32, #tpu.memory_space<vmem>> -> memref<80x128xf32, #tpu.memory_space<vmem>>
      %dma_wait3A_435 = arith.constant 0 : i32
      %dma_wait3A_436 = tpu.memref_slice %arg9[%rem3A_425, %dma_wait3A_435] : memref<4x80xi32, #tpu.memory_space<vmem>> -> memref<1x80xi32, #tpu.memory_space<vmem>>
      %dma_wait3A_437 = tpu.memref_squeeze %dma_wait3A_436 : memref<1x80xi32, #tpu.memory_space<vmem>> -> memref<80xi32, #tpu.memory_space<vmem>>
      %dma_wait3A_438 = arith.constant 0 : i32
      %dma_wait3A_439 = arith.constant 0 : i32
      %dma_wait3A_440 = tpu.memref_slice %arg2[%dma_wait3A_438, %dma_wait3A_439] : memref<10000x128xf32, #tpu.memory_space<hbm>> -> memref<10000x128xf32, #tpu.memory_space<hbm>>
      tpu.wait_indirect_dma semaphore(%arg15 : memref<!tpu.dma_semaphore, #tpu.memory_space<semaphore_mem>>) src(%dma_wait3A_440 : memref<10000x128xf32, #tpu.memory_space<hbm>>) dst(%dma_wait3A_434 : memref<80x128xf32, #tpu.memory_space<vmem>>)
      %gt3A = arith.constant 0 : i32
      %gt3A_441 = arith.cmpi sgt, %scan3A_423, %gt3A : i32
      %convert_element_type3A = arith.extui %gt3A_441 : i1 to i32
      %cond3A = arith.constant 0 : i32
      %cond3A_442 = arith.cmpi ne, %convert_element_type3A, %cond3A : i32
      scf.if %cond3A_442 {
        %dma_wait3A_468 = arith.constant 0 : i32
        %dma_wait3A_469 = arith.constant 0 : i32
        %dma_wait3A_470 = tpu.memref_slice %arg11[%rem3A_430, %dma_wait3A_468, %dma_wait3A_469] : memref<4x80x128xf32, #tpu.memory_space<vmem>> -> memref<1x80x128xf32, #tpu.memory_space<vmem>>
        %dma_wait3A_471 = tpu.memref_squeeze %dma_wait3A_470 : memref<1x80x128xf32, #tpu.memory_space<vmem>> -> memref<80x128xf32, #tpu.memory_space<vmem>>
        %dma_wait3A_472 = arith.constant 0 : i32
        %dma_wait3A_473 = tpu.memref_slice %arg10[%rem3A_430, %dma_wait3A_472] : memref<4x80xi32, #tpu.memory_space<vmem>> -> memref<1x80xi32, #tpu.memory_space<vmem>>
        %dma_wait3A_474 = tpu.memref_squeeze %dma_wait3A_473 : memref<1x80xi32, #tpu.memory_space<vmem>> -> memref<80xi32, #tpu.memory_space<vmem>>
        %dma_wait3A_475 = arith.constant 0 : i32
        %dma_wait3A_476 = arith.constant 0 : i32
        %dma_wait3A_477 = tpu.memref_slice %arg13[%dma_wait3A_475, %dma_wait3A_476] : memref<10240x128xf32, #tpu.memory_space<vmem_shared>> -> memref<10240x128xf32, #tpu.memory_space<vmem_shared>>
        tpu.wait_indirect_dma semaphore(%arg16 : memref<!tpu.dma_semaphore, #tpu.memory_space<semaphore_mem>>) src(%dma_wait3A_471 : memref<80x128xf32, #tpu.memory_space<vmem>>) dst(%dma_wait3A_477 : memref<10240x128xf32, #tpu.memory_space<vmem_shared>>)
      } else {
      }
      %add3A_443 = arith.constant 4 : i32
      %add3A_444 = arith.addi %scan3A_423, %add3A_443 : i32
      %sub3A_445 = arith.constant 1 : i32
      %sub3A_446 = arith.subi %add3A_444, %sub3A_445 : i32
      %lt3A = arith.constant 125 : i32
      %lt3A_447 = arith.cmpi slt, %sub3A_446, %lt3A : i32
      %convert_element_type3A_448 = arith.extui %lt3A_447 : i1 to i32
      %cond3A_449 = arith.constant 0 : i32
      %cond3A_450 = arith.cmpi ne, %convert_element_type3A_448, %cond3A_449 : i32
      scf.if %cond3A_450 {
        %dma_wait3A_468 = arith.constant 0 : i32
        %dma_wait3A_469 = tpu.memref_slice %arg8[%rem3A_430, %dma_wait3A_468] : memref<4x80xi32, #tpu.memory_space<vmem>> -> memref<1x80xi32, #tpu.memory_space<vmem>>
        %dma_wait3A_470 = tpu.memref_squeeze %dma_wait3A_469 : memref<1x80xi32, #tpu.memory_space<vmem>> -> memref<80xi32, #tpu.memory_space<vmem>>
        %dma_wait3A_471 = tpu.memref_slice %arg3[%mul3A_2] : memref<320000xi32, #tpu.memory_space<hbm>> -> memref<80xi32, #tpu.memory_space<hbm>>
        %dma_wait3A_472 = arith.constant 0 : i32
        %dma_wait3A_473 = tpu.memref_slice %arg8[%rem3A_430, %dma_wait3A_472] : memref<4x80xi32, #tpu.memory_space<vmem>> -> memref<1x80xi32, #tpu.memory_space<vmem>>
        %dma_wait3A_474 = tpu.memref_squeeze %dma_wait3A_473 : memref<1x80xi32, #tpu.memory_space<vmem>> -> memref<80xi32, #tpu.memory_space<vmem>>
        %dma_wait3A_475 = tpu.memref_slice %arg3[%mul3A_2] : memref<320000xi32, #tpu.memory_space<hbm>> -> memref<80xi32, #tpu.memory_space<hbm>>
        tpu.wait_dma2 semaphore(%arg17 : memref<!tpu.dma_semaphore, #tpu.memory_space<semaphore_mem>>) src(%dma_wait3A_475 : memref<80xi32, #tpu.memory_space<hbm>>) dst(%dma_wait3A_474 : memref<80xi32, #tpu.memory_space<vmem>>)
        %get3A_476 = arith.index_cast %rem3A_430 : i32 to index
        %get3A_477 = arith.constant 0 : index
        %get3A_478 = tpu.vector_load %arg8[%get3A_476, %get3A_477] {strides = array<i32>} : memref<4x80xi32, #tpu.memory_space<vmem>>, vector<1x16xi32>,
        %get3A_479 = vector.shape_cast %get3A_478 : vector<1x16xi32> to vector<16xi32>
        %rem3A_480 = arith.constant 16384 : i32
        %rem3A_481 = vector.broadcast %rem3A_480 : i32 to vector<16xi32>
        %rem3A_482 = arith.remsi %get3A_479, %rem3A_481 : vector<16xi32>
        %swap3A_483 = arith.index_cast %rem3A_430 : i32 to index
        %swap3A_484 = arith.constant 0 : index
        %swap3A_485 = tpu.vector_load %arg9[%swap3A_483, %swap3A_484] {strides = array<i32>} : memref<4x80xi32, #tpu.memory_space<vmem>>, vector<1x16xi32>,
        %swap3A_486 = vector.shape_cast %swap3A_485 : vector<1x16xi32> to vector<16xi32>
        %swap3A_487 = vector.shape_cast %rem3A_482 : vector<16xi32> to vector<1x16xi32>
        tpu.vector_store %arg9[%swap3A_483, %swap3A_484], %swap3A_487 {strides = array<i32>} : memref<4x80xi32, #tpu.memory_space<vmem>>, vector<1x16xi32>,
        %shift_right_logical3A_488 = arith.constant 14 : i32
        %shift_right_logical3A_489 = vector.broadcast %shift_right_logical3A_488 : i32 to vector<16xi32>
        %shift_right_logical3A_490 = arith.shrui %get3A_479, %shift_right_logical3A_489 : vector<16xi32>
        %swap3A_491 = arith.index_cast %rem3A_430 : i32 to index
        %swap3A_492 = arith.constant 0 : index
        %swap3A_493 = tpu.vector_load %arg10[%swap3A_491, %swap3A_492] {strides = array<i32>} : memref<4x80xi32, #tpu.memory_space<vmem>>, vector<1x16xi32>,
        %swap3A_494 = vector.shape_cast %swap3A_493 : vector<1x16xi32> to vector<16xi32>
        %swap3A_495 = vector.shape_cast %shift_right_logical3A_490 : vector<16xi32> to vector<1x16xi32>
        tpu.vector_store %arg10[%swap3A_491, %swap3A_492], %swap3A_495 {strides = array<i32>} : memref<4x80xi32, #tpu.memory_space<vmem>>, vector<1x16xi32>,
        %get3A_496 = arith.index_cast %rem3A_430 : i32 to index
        %get3A_497 = arith.constant 16 : index
        %get3A_498 = tpu.vector_load %arg8[%get3A_496, %get3A_497] {strides = array<i32>} : memref<4x80xi32, #tpu.memory_space<vmem>>, vector<1x16xi32>,
        %get3A_499 = vector.shape_cast %get3A_498 : vector<1x16xi32> to vector<16xi32>
        %rem3A_500 = arith.constant 16384 : i32
        %rem3A_501 = vector.broadcast %rem3A_500 : i32 to vector<16xi32>
        %rem3A_502 = arith.remsi %get3A_499, %rem3A_501 : vector<16xi32>
        %swap3A_503 = arith.index_cast %rem3A_430 : i32 to index
        %swap3A_504 = arith.constant 16 : index
        %swap3A_505 = tpu.vector_load %arg9[%swap3A_503, %swap3A_504] {strides = array<i32>} : memref<4x80xi32, #tpu.memory_space<vmem>>, vector<1x16xi32>,
        %swap3A_506 = vector.shape_cast %swap3A_505 : vector<1x16xi32> to vector<16xi32>
        %swap3A_507 = vector.shape_cast %rem3A_502 : vector<16xi32> to vector<1x16xi32>
        tpu.vector_store %arg9[%swap3A_503, %swap3A_504], %swap3A_507 {strides = array<i32>} : memref<4x80xi32, #tpu.memory_space<vmem>>, vector<1x16xi32>,
        %shift_right_logical3A_508 = arith.constant 14 : i32
        %shift_right_logical3A_509 = vector.broadcast %shift_right_logical3A_508 : i32 to vector<16xi32>
        %shift_right_logical3A_510 = arith.shrui %get3A_499, %shift_right_logical3A_509 : vector<16xi32>
        %swap3A_511 = arith.index_cast %rem3A_430 : i32 to index
        %swap3A_512 = arith.constant 16 : index
        %swap3A_513 = tpu.vector_load %arg10[%swap3A_511, %swap3A_512] {strides = array<i32>} : memref<4x80xi32, #tpu.memory_space<vmem>>, vector<1x16xi32>,
        %swap3A_514 = vector.shape_cast %swap3A_513 : vector<1x16xi32> to vector<16xi32>
        %swap3A_515 = vector.shape_cast %shift_right_logical3A_510 : vector<16xi32> to vector<1x16xi32>
        tpu.vector_store %arg10[%swap3A_511, %swap3A_512], %swap3A_515 {strides = array<i32>} : memref<4x80xi32, #tpu.memory_space<vmem>>, vector<1x16xi32>,
        %get3A_516 = arith.index_cast %rem3A_430 : i32 to index
        %get3A_517 = arith.constant 32 : index
        %get3A_518 = tpu.vector_load %arg8[%get3A_516, %get3A_517] {strides = array<i32>} : memref<4x80xi32, #tpu.memory_space<vmem>>, vector<1x16xi32>,
        %get3A_519 = vector.shape_cast %get3A_518 : vector<1x16xi32> to vector<16xi32>
        %rem3A_520 = arith.constant 16384 : i32
        %rem3A_521 = vector.broadcast %rem3A_520 : i32 to vector<16xi32>
        %rem3A_522 = arith.remsi %get3A_519, %rem3A_521 : vector<16xi32>
        %swap3A_523 = arith.index_cast %rem3A_430 : i32 to index
        %swap3A_524 = arith.constant 32 : index
        %swap3A_525 = tpu.vector_load %arg9[%swap3A_523, %swap3A_524] {strides = array<i32>} : memref<4x80xi32, #tpu.memory_space<vmem>>, vector<1x16xi32>,
        %swap3A_526 = vector.shape_cast %swap3A_525 : vector<1x16xi32> to vector<16xi32>
        %swap3A_527 = vector.shape_cast %rem3A_522 : vector<16xi32> to vector<1x16xi32>
        tpu.vector_store %arg9[%swap3A_523, %swap3A_524], %swap3A_527 {strides = array<i32>} : memref<4x80xi32, #tpu.memory_space<vmem>>, vector<1x16xi32>,
        %shift_right_logical3A_528 = arith.constant 14 : i32
        %shift_right_logical3A_529 = vector.broadcast %shift_right_logical3A_528 : i32 to vector<16xi32>
        %shift_right_logical3A_530 = arith.shrui %get3A_519, %shift_right_logical3A_529 : vector<16xi32>
        %swap3A_531 = arith.index_cast %rem3A_430 : i32 to index
        %swap3A_532 = arith.constant 32 : index
        %swap3A_533 = tpu.vector_load %arg10[%swap3A_531, %swap3A_532] {strides = array<i32>} : memref<4x80xi32, #tpu.memory_space<vmem>>, vector<1x16xi32>,
        %swap3A_534 = vector.shape_cast %swap3A_533 : vector<1x16xi32> to vector<16xi32>
        %swap3A_535 = vector.shape_cast %shift_right_logical3A_530 : vector<16xi32> to vector<1x16xi32>
        tpu.vector_store %arg10[%swap3A_531, %swap3A_532], %swap3A_535 {strides = array<i32>} : memref<4x80xi32, #tpu.memory_space<vmem>>, vector<1x16xi32>,
        %get3A_536 = arith.index_cast %rem3A_430 : i32 to index
        %get3A_537 = arith.constant 48 : index
        %get3A_538 = tpu.vector_load %arg8[%get3A_536, %get3A_537] {strides = array<i32>} : memref<4x80xi32, #tpu.memory_space<vmem>>, vector<1x16xi32>,
        %get3A_539 = vector.shape_cast %get3A_538 : vector<1x16xi32> to vector<16xi32>
        %rem3A_540 = arith.constant 16384 : i32
        %rem3A_541 = vector.broadcast %rem3A_540 : i32 to vector<16xi32>
        %rem3A_542 = arith.remsi %get3A_539, %rem3A_541 : vector<16xi32>
        %swap3A_543 = arith.index_cast %rem3A_430 : i32 to index
        %swap3A_544 = arith.constant 48 : index
        %swap3A_545 = tpu.vector_load %arg9[%swap3A_543, %swap3A_544] {strides = array<i32>} : memref<4x80xi32, #tpu.memory_space<vmem>>, vector<1x16xi32>,
        %swap3A_546 = vector.shape_cast %swap3A_545 : vector<1x16xi32> to vector<16xi32>
        %swap3A_547 = vector.shape_cast %rem3A_542 : vector<16xi32> to vector<1x16xi32>
        tpu.vector_store %arg9[%swap3A_543, %swap3A_544], %swap3A_547 {strides = array<i32>} : memref<4x80xi32, #tpu.memory_space<vmem>>, vector<1x16xi32>,
        %shift_right_logical3A_548 = arith.constant 14 : i32
        %shift_right_logical3A_549 = vector.broadcast %shift_right_logical3A_548 : i32 to vector<16xi32>
        %shift_right_logical3A_550 = arith.shrui %get3A_539, %shift_right_logical3A_549 : vector<16xi32>
        %swap3A_551 = arith.index_cast %rem3A_430 : i32 to index
        %swap3A_552 = arith.constant 48 : index
        %swap3A_553 = tpu.vector_load %arg10[%swap3A_551, %swap3A_552] {strides = array<i32>} : memref<4x80xi32, #tpu.memory_space<vmem>>, vector<1x16xi32>,
        %swap3A_554 = vector.shape_cast %swap3A_553 : vector<1x16xi32> to vector<16xi32>
        %swap3A_555 = vector.shape_cast %shift_right_logical3A_550 : vector<16xi32> to vector<1x16xi32>
        tpu.vector_store %arg10[%swap3A_551, %swap3A_552], %swap3A_555 {strides = array<i32>} : memref<4x80xi32, #tpu.memory_space<vmem>>, vector<1x16xi32>,
        %get3A_556 = arith.index_cast %rem3A_430 : i32 to index
        %get3A_557 = arith.constant 64 : index
        %get3A_558 = tpu.vector_load %arg8[%get3A_556, %get3A_557] {strides = array<i32>} : memref<4x80xi32, #tpu.memory_space<vmem>>, vector<1x16xi32>,
        %get3A_559 = vector.shape_cast %get3A_558 : vector<1x16xi32> to vector<16xi32>
        %rem3A_560 = arith.constant 16384 : i32
        %rem3A_561 = vector.broadcast %rem3A_560 : i32 to vector<16xi32>
        %rem3A_562 = arith.remsi %get3A_559, %rem3A_561 : vector<16xi32>
        %swap3A_563 = arith.index_cast %rem3A_430 : i32 to index
        %swap3A_564 = arith.constant 64 : index
        %swap3A_565 = tpu.vector_load %arg9[%swap3A_563, %swap3A_564] {strides = array<i32>} : memref<4x80xi32, #tpu.memory_space<vmem>>, vector<1x16xi32>,
        %swap3A_566 = vector.shape_cast %swap3A_565 : vector<1x16xi32> to vector<16xi32>
        %swap3A_567 = vector.shape_cast %rem3A_562 : vector<16xi32> to vector<1x16xi32>
        tpu.vector_store %arg9[%swap3A_563, %swap3A_564], %swap3A_567 {strides = array<i32>} : memref<4x80xi32, #tpu.memory_space<vmem>>, vector<1x16xi32>,
        %shift_right_logical3A_568 = arith.constant 14 : i32
        %shift_right_logical3A_569 = vector.broadcast %shift_right_logical3A_568 : i32 to vector<16xi32>
        %shift_right_logical3A_570 = arith.shrui %get3A_559, %shift_right_logical3A_569 : vector<16xi32>
        %swap3A_571 = arith.index_cast %rem3A_430 : i32 to index
        %swap3A_572 = arith.constant 64 : index
        %swap3A_573 = tpu.vector_load %arg10[%swap3A_571, %swap3A_572] {strides = array<i32>} : memref<4x80xi32, #tpu.memory_space<vmem>>, vector<1x16xi32>,
        %swap3A_574 = vector.shape_cast %swap3A_573 : vector<1x16xi32> to vector<16xi32>
        %swap3A_575 = vector.shape_cast %shift_right_logical3A_570 : vector<16xi32> to vector<1x16xi32>
        tpu.vector_store %arg10[%swap3A_571, %swap3A_572], %swap3A_575 {strides = array<i32>} : memref<4x80xi32, #tpu.memory_space<vmem>>, vector<1x16xi32>,
        %dma_start3A_576 = arith.constant 0 : i32
        %dma_start3A_577 = arith.constant 0 : i32
        %dma_start3A_578 = tpu.memref_slice %arg11[%rem3A_430, %dma_start3A_576, %dma_start3A_577] : memref<4x80x128xf32, #tpu.memory_space<vmem>> -> memref<1x80x128xf32, #tpu.memory_space<vmem>>
        %dma_start3A_579 = tpu.memref_squeeze %dma_start3A_578 : memref<1x80x128xf32, #tpu.memory_space<vmem>> -> memref<80x128xf32, #tpu.memory_space<vmem>>
        %dma_start3A_580 = arith.constant 0 : i32
        %dma_start3A_581 = tpu.memref_slice %arg9[%rem3A_430, %dma_start3A_580] : memref<4x80xi32, #tpu.memory_space<vmem>> -> memref<1x80xi32, #tpu.memory_space<vmem>>
        %dma_start3A_582 = tpu.memref_squeeze %dma_start3A_581 : memref<1x80xi32, #tpu.memory_space<vmem>> -> memref<80xi32, #tpu.memory_space<vmem>>
        %dma_start3A_583 = arith.constant 0 : i32
        %dma_start3A_584 = arith.constant 0 : i32
        %dma_start3A_585 = tpu.memref_slice %arg2[%dma_start3A_583, %dma_start3A_584] : memref<10000x128xf32, #tpu.memory_space<hbm>> -> memref<10000x128xf32, #tpu.memory_space<hbm>>
        tpu.enqueue_indirect_dma source(%dma_start3A_585 : memref<10000x128xf32, #tpu.memory_space<hbm>>) target(%dma_start3A_579 : memref<80x128xf32, #tpu.memory_space<vmem>>) offsets(%dma_start3A_582 : memref<80xi32, #tpu.memory_space<vmem>>) semaphore(%arg15 : memref<!tpu.dma_semaphore, #tpu.memory_space<semaphore_mem>>)
      } else {
      }
      %add3A_451 = arith.constant 4 : i32
      %add3A_452 = arith.addi %scan3A_423, %add3A_451 : i32
      %lt3A_453 = arith.constant 125 : i32
      %lt3A_454 = arith.cmpi slt, %add3A_452, %lt3A_453 : i32
      %convert_element_type3A_455 = arith.extui %lt3A_454 : i1 to i32
      %cond3A_456 = arith.constant 0 : i32
      %cond3A_457 = arith.cmpi ne, %convert_element_type3A_455, %cond3A_456 : i32
      scf.if %cond3A_457 {
        %add3A_468 = arith.constant 4 : i32
        %add3A_469 = arith.addi %scan3A_423, %add3A_468 : i32
        %mul3A_470 = arith.constant 80 : i32
        %mul3A_471 = arith.muli %add3A_469, %mul3A_470 : i32
        %add3A_472 = arith.addi %mul3A_2, %mul3A_471 : i32
        %dma_start3A_473 = arith.constant 0 : i32
        %dma_start3A_474 = tpu.memref_slice %arg8[%rem3A_425, %dma_start3A_473] : memref<4x80xi32, #tpu.memory_space<vmem>> -> memref<1x80xi32, #tpu.memory_space<vmem>>
        %dma_start3A_475 = tpu.memref_squeeze %dma_start3A_474 : memref<1x80xi32, #tpu.memory_space<vmem>> -> memref<80xi32, #tpu.memory_space<vmem>>
        %dma_start3A_476 = tpu.memref_slice %arg3[%add3A_472] : memref<320000xi32, #tpu.memory_space<hbm>> -> memref<80xi32, #tpu.memory_space<hbm>>
        %dma_start3A_477 = arith.constant 0 : i32
        %dma_start3A_478 = tpu.memref_slice %arg8[%rem3A_425, %dma_start3A_477] : memref<4x80xi32, #tpu.memory_space<vmem>> -> memref<1x80xi32, #tpu.memory_space<vmem>>
        %dma_start3A_479 = tpu.memref_squeeze %dma_start3A_478 : memref<1x80xi32, #tpu.memory_space<vmem>> -> memref<80xi32, #tpu.memory_space<vmem>>
        %dma_start3A_480 = tpu.memref_slice %arg3[%add3A_472] : memref<320000xi32, #tpu.memory_space<hbm>> -> memref<80xi32, #tpu.memory_space<hbm>>
        tpu.enqueue_dma source(%dma_start3A_480 : memref<80xi32, #tpu.memory_space<hbm>>) target(%dma_start3A_479 : memref<80xi32, #tpu.memory_space<vmem>>) target_semaphore(%arg17 : memref<!tpu.dma_semaphore, #tpu.memory_space<semaphore_mem>>)
      } else {
      }
      %dma_start3A_458 = arith.constant 0 : i32
      %dma_start3A_459 = arith.constant 0 : i32
      %dma_start3A_460 = tpu.memref_slice %arg11[%rem3A_425, %dma_start3A_458, %dma_start3A_459] : memref<4x80x128xf32, #tpu.memory_space<vmem>> -> memref<1x80x128xf32, #tpu.memory_space<vmem>>
      %dma_start3A_461 = tpu.memref_squeeze %dma_start3A_460 : memref<1x80x128xf32, #tpu.memory_space<vmem>> -> memref<80x128xf32, #tpu.memory_space<vmem>>
      %dma_start3A_462 = arith.constant 0 : i32
      %dma_start3A_463 = tpu.memref_slice %arg10[%rem3A_425, %dma_start3A_462] : memref<4x80xi32, #tpu.memory_space<vmem>> -> memref<1x80xi32, #tpu.memory_space<vmem>>
      %dma_start3A_464 = tpu.memref_squeeze %dma_start3A_463 : memref<1x80xi32, #tpu.memory_space<vmem>> -> memref<80xi32, #tpu.memory_space<vmem>>
      %dma_start3A_465 = arith.constant 0 : i32
      %dma_start3A_466 = arith.constant 0 : i32
      %dma_start3A_467 = tpu.memref_slice %arg13[%dma_start3A_465, %dma_start3A_466] : memref<10240x128xf32, #tpu.memory_space<vmem_shared>> -> memref<10240x128xf32, #tpu.memory_space<vmem_shared>>
      tpu.enqueue_indirect_dma source(%dma_start3A_461 : memref<80x128xf32, #tpu.memory_space<vmem>>) target(%dma_start3A_467 : memref<10240x128xf32, #tpu.memory_space<vmem_shared>>) offsets(%dma_start3A_464 : memref<80xi32, #tpu.memory_space<vmem>>) semaphore(%arg16 : memref<!tpu.dma_semaphore, #tpu.memory_space<semaphore_mem>>) {add = true}
    }
    %scan3A_406 = arith.constant 125 : i32
    %dma_wait3A = arith.constant 0 : i32
    %dma_wait3A_407 = arith.constant 0 : i32
    %dma_wait3A_408 = arith.constant 0 : i32
    %dma_wait3A_409 = arith.constant 0 : i32
    %dma_wait3A_410 = tpu.memref_slice %arg11[%dma_wait3A, %dma_wait3A_408, %dma_wait3A_409] : memref<4x80x128xf32, #tpu.memory_space<vmem>> -> memref<1x80x128xf32, #tpu.memory_space<vmem>>
    %dma_wait3A_411 = tpu.memref_squeeze %dma_wait3A_410 : memref<1x80x128xf32, #tpu.memory_space<vmem>> -> memref<80x128xf32, #tpu.memory_space<vmem>>
    %dma_wait3A_412 = arith.constant 0 : i32
    %dma_wait3A_413 = tpu.memref_slice %arg10[%dma_wait3A_407, %dma_wait3A_412] : memref<4x80xi32, #tpu.memory_space<vmem>> -> memref<1x80xi32, #tpu.memory_space<vmem>>
    %dma_wait3A_414 = tpu.memref_squeeze %dma_wait3A_413 : memref<1x80xi32, #tpu.memory_space<vmem>> -> memref<80xi32, #tpu.memory_space<vmem>>
    %dma_wait3A_415 = arith.constant 0 : i32
    %dma_wait3A_416 = arith.constant 0 : i32
    %dma_wait3A_417 = tpu.memref_slice %arg13[%dma_wait3A_415, %dma_wait3A_416] : memref<10240x128xf32, #tpu.memory_space<vmem_shared>> -> memref<10240x128xf32, #tpu.memory_space<vmem_shared>>
    tpu.wait_indirect_dma semaphore(%arg16 : memref<!tpu.dma_semaphore, #tpu.memory_space<semaphore_mem>>) src(%dma_wait3A_411 : memref<80x128xf32, #tpu.memory_space<vmem>>) dst(%dma_wait3A_417 : memref<10240x128xf32, #tpu.memory_space<vmem_shared>>)
    %barrier3A_418 = arith.constant 0 : index
    tpu.barrier barrier_id(%barrier3A_418)
    %mul3A_419 = arith.constant 640 : i32
    %mul3A_420 = arith.muli %arg1, %mul3A_419 : i32
    %mul3A_421 = arith.constant 640 : i32
    %mul3A_422 = arith.muli %arg1, %mul3A_421 : i32
    "tpu.region"() ({
      %run_scoped3A_423 = tpu.sem_alloc : memref<!tpu.dma_semaphore, #tpu.memory_space<semaphore_mem>>
      %dma_start3A_424 = arith.constant 0 : i32
      %dma_start3A_425 = tpu.memref_slice %arg6[%arg0, %mul3A_422, %dma_start3A_424] : memref<2x10240x128xf32, #tpu.memory_space<hbm>> -> memref<1x640x128xf32, #tpu.memory_space<hbm>>
      %dma_start3A_426 = tpu.memref_squeeze %dma_start3A_425 : memref<1x640x128xf32, #tpu.memory_space<hbm>> -> memref<640x128xf32, #tpu.memory_space<hbm>>
      %dma_start3A_427 = arith.constant 0 : i32
      %dma_start3A_428 = tpu.memref_slice %arg13[%mul3A_420, %dma_start3A_427] : memref<10240x128xf32, #tpu.memory_space<vmem_shared>> -> memref<640x128xf32, #tpu.memory_space<vmem_shared>>
      tpu.enqueue_dma source(%dma_start3A_428 : memref<640x128xf32, #tpu.memory_space<vmem_shared>>) target(%dma_start3A_426 : memref<640x128xf32, #tpu.memory_space<hbm>>) target_semaphore(%run_scoped3A_423 : memref<!tpu.dma_semaphore, #tpu.memory_space<semaphore_mem>>)
      %dma_wait3A_429 = arith.constant 0 : i32
      %dma_wait3A_430 = tpu.memref_slice %arg6[%arg0, %mul3A_422, %dma_wait3A_429] : memref<2x10240x128xf32, #tpu.memory_space<hbm>> -> memref<1x640x128xf32, #tpu.memory_space<hbm>>
      %dma_wait3A_431 = tpu.memref_squeeze %dma_wait3A_430 : memref<1x640x128xf32, #tpu.memory_space<hbm>> -> memref<640x128xf32, #tpu.memory_space<hbm>>
      %dma_wait3A_432 = arith.constant 0 : i32
      %dma_wait3A_433 = tpu.memref_slice %arg13[%mul3A_420, %dma_wait3A_432] : memref<10240x128xf32, #tpu.memory_space<vmem_shared>> -> memref<640x128xf32, #tpu.memory_space<vmem_shared>>
      tpu.wait_dma2 semaphore(%run_scoped3A_423 : memref<!tpu.dma_semaphore, #tpu.memory_space<semaphore_mem>>) src(%dma_wait3A_433 : memref<640x128xf32, #tpu.memory_space<vmem_shared>>) dst(%dma_wait3A_431 : memref<640x128xf32, #tpu.memory_space<hbm>>)
      tpu.yield
    }) : () -> ()
    return
  }
}

module attributes {stable_mosaic.version = 14 : i64} {
  func.func @_dense_body(%arg0: i32, %arg1: memref<2x2000x128xf32, #tpu.memory_space<vmem>>, %arg2: memref<2x2000x1xf32, #tpu.memory_space<vmem>>, %arg3: memref<2000x128xf32, #tpu.memory_space<vmem>>, %arg4: memref<128x128xf32, #tpu.memory_space<vmem>>, %arg5: memref<128x128xf32, #tpu.memory_space<vmem>>, %arg6: memref<1x128xf32, #tpu.memory_space<vmem>>, %arg7: memref<2000x128xf32, #tpu.memory_space<vmem>>) attributes {dimension_semantics = [#tpu.dimension_semantics<arbitrary>], iteration_bounds = array<i64: 5>, scalar_prefetch = 0 : i64, scratch_operands = 0 : i64, tpu.core_type = #tpu.core_type<tc>, window_params = [{transform_indices = @transform_0, window_bounds = array<i64: 2, 2000, 128>}, {transform_indices = @transform_1, window_bounds = array<i64: 2, 2000, 1>}, {transform_indices = @transform_2, window_bounds = array<i64: 2000, 128>}, {pipeline_mode = #tpu.pipeline_mode<synchronous>, transform_indices = @transform_3, window_bounds = array<i64: 128, 128>}, {pipeline_mode = #tpu.pipeline_mode<synchronous>, transform_indices = @transform_4, window_bounds = array<i64: 128, 128>}, {pipeline_mode = #tpu.pipeline_mode<synchronous>, transform_indices = @transform_5, window_bounds = array<i64: 1, 128>}, {transform_indices = @transform_6, window_bounds = array<i64: 2000, 128>}]} {
    %get3A = arith.constant 0 : index
    %get3A_0 = arith.constant 0 : index
    %get3A_1 = arith.constant 0 : index
    %get3A_2 = vector.load %arg2[%get3A, %get3A_0, %get3A_1] : memref<2x2000x1xf32, #tpu.memory_space<vmem>>, vector<1x2000x1xf32>
    %get3A_3 = vector.shape_cast %get3A_2 : vector<1x2000x1xf32> to vector<2000x1xf32>
    %get3A_4 = arith.constant 1 : index
    %get3A_5 = arith.constant 0 : index
    %get3A_6 = arith.constant 0 : index
    %get3A_7 = vector.load %arg2[%get3A_4, %get3A_5, %get3A_6] : memref<2x2000x1xf32, #tpu.memory_space<vmem>>, vector<1x2000x1xf32>
    %get3A_8 = vector.shape_cast %get3A_7 : vector<1x2000x1xf32> to vector<2000x1xf32>
    %add3A = arith.addf %get3A_3, %get3A_8 : vector<2000x1xf32>
    %max3A = arith.constant 1.000000e+00 : f32
    %max3A_9 = vector.broadcast %max3A : f32 to vector<2000x1xf32>
    %max3A_10 = arith.maximumf %add3A, %max3A_9 : vector<2000x1xf32>
    %get3A_11 = arith.constant 0 : index
    %get3A_12 = arith.constant 0 : index
    %get3A_13 = arith.constant 0 : index
    %get3A_14 = vector.load %arg1[%get3A_11, %get3A_12, %get3A_13] : memref<2x2000x128xf32, #tpu.memory_space<vmem>>, vector<1x2000x128xf32>
    %get3A_15 = vector.shape_cast %get3A_14 : vector<1x2000x128xf32> to vector<2000x128xf32>
    %get3A_16 = arith.constant 1 : index
    %get3A_17 = arith.constant 0 : index
    %get3A_18 = arith.constant 0 : index
    %get3A_19 = vector.load %arg1[%get3A_16, %get3A_17, %get3A_18] : memref<2x2000x128xf32, #tpu.memory_space<vmem>>, vector<1x2000x128xf32>
    %get3A_20 = vector.shape_cast %get3A_19 : vector<1x2000x128xf32> to vector<2000x128xf32>
    %add3A_21 = arith.addf %get3A_15, %get3A_20 : vector<2000x128xf32>
    %div3A = vector.broadcast %max3A_10 : vector<2000x1xf32> to vector<2000x128xf32>
    %div3A_22 = arith.divf %add3A_21, %div3A : vector<2000x128xf32>
    %get3A_23 = arith.constant 0 : index
    %get3A_24 = arith.constant 0 : index
    %get3A_25 = vector.load %arg4[%get3A_23, %get3A_24] : memref<128x128xf32, #tpu.memory_space<vmem>>, vector<128x128xf32>
    %dot_general3A = arith.constant dense<0.000000e+00> : vector<2000x128xf32>
    %dot_general3A_26 = tpu.matmul %div3A_22, %get3A_25, %dot_general3A {dimension_numbers = #tpu.dot_dimension_numbers<[1], [1], [0], [0], [0, 0, 1, 0], [], []>, transpose_lhs_hint = false} : vector<2000x128xf32>, vector<128x128xf32>, vector<2000x128xf32> -> vector<2000x128xf32>
    %get3A_27 = arith.constant 0 : index
    %get3A_28 = arith.constant 0 : index
    %get3A_29 = vector.load %arg3[%get3A_27, %get3A_28] : memref<2000x128xf32, #tpu.memory_space<vmem>>, vector<2000x128xf32>
    %get3A_30 = arith.constant 0 : index
    %get3A_31 = arith.constant 0 : index
    %get3A_32 = vector.load %arg5[%get3A_30, %get3A_31] : memref<128x128xf32, #tpu.memory_space<vmem>>, vector<128x128xf32>
    %dot_general3A_33 = arith.constant dense<0.000000e+00> : vector<2000x128xf32>
    %dot_general3A_34 = tpu.matmul %get3A_29, %get3A_32, %dot_general3A_33 {dimension_numbers = #tpu.dot_dimension_numbers<[1], [1], [0], [0], [0, 0, 1, 0], [], []>, transpose_lhs_hint = false} : vector<2000x128xf32>, vector<128x128xf32>, vector<2000x128xf32> -> vector<2000x128xf32>
    %add3A_35 = arith.addf %dot_general3A_26, %dot_general3A_34 : vector<2000x128xf32>
    %get3A_36 = arith.constant 0 : index
    %get3A_37 = arith.constant 0 : index
    %get3A_38 = vector.load %arg6[%get3A_36, %get3A_37] : memref<1x128xf32, #tpu.memory_space<vmem>>, vector<1x128xf32>
    %add3A_39 = vector.broadcast %get3A_38 : vector<1x128xf32> to vector<2000x128xf32>
    %add3A_40 = arith.addf %add3A_35, %add3A_39 : vector<2000x128xf32>
    %swap3A = arith.constant 0 : index
    %swap3A_41 = arith.constant 0 : index
    %swap3A_42 = vector.load %arg7[%swap3A, %swap3A_41] : memref<2000x128xf32, #tpu.memory_space<vmem>>, vector<2000x128xf32>
    tpu.vector_store %arg7[%swap3A, %swap3A_41], %add3A_40 {strides = array<i32>} : memref<2000x128xf32, #tpu.memory_space<vmem>>, vector<2000x128xf32>,
    return
  }
  func.func @transform_0(%arg0: i32) -> (i32, i32, i32) {
    %c0_i32 = arith.constant 0 : i32
    %c0_i32_0 = arith.constant 0 : i32
    %c0_i32_1 = arith.constant 0 : i32
    return %c0_i32, %arg0, %c0_i32_0 : i32, i32, i32
  }
  func.func @transform_1(%arg0: i32) -> (i32, i32, i32) {
    %c0_i32 = arith.constant 0 : i32
    %c0_i32_0 = arith.constant 0 : i32
    %c0_i32_1 = arith.constant 0 : i32
    return %c0_i32, %arg0, %c0_i32_0 : i32, i32, i32
  }
  func.func @transform_2(%arg0: i32) -> (i32, i32) {
    %c0_i32 = arith.constant 0 : i32
    %c0_i32_0 = arith.constant 0 : i32
    return %arg0, %c0_i32 : i32, i32
  }
  func.func @transform_3(%arg0: i32) -> (i32, i32) {
    %c0_i32 = arith.constant 0 : i32
    %c0_i32_0 = arith.constant 0 : i32
    %c0_i32_1 = arith.constant 0 : i32
    return %c0_i32, %c0_i32_0 : i32, i32
  }
  func.func @transform_4(%arg0: i32) -> (i32, i32) {
    %c0_i32 = arith.constant 0 : i32
    %c0_i32_0 = arith.constant 0 : i32
    %c0_i32_1 = arith.constant 0 : i32
    return %c0_i32, %c0_i32_0 : i32, i32
  }
  func.func @transform_5(%arg0: i32) -> (i32, i32) {
    %c0_i32 = arith.constant 0 : i32
    %c0_i32_0 = arith.constant 0 : i32
    %c0_i32_1 = arith.constant 0 : i32
    return %c0_i32, %c0_i32_0 : i32, i32
  }
  func.func @transform_6(%arg0: i32) -> (i32, i32) {
    %c0_i32 = arith.constant 0 : i32
    %c0_i32_0 = arith.constant 0 : i32
    return %arg0, %c0_i32 : i32, i32
  }
}

module attributes {stable_mosaic.version = 14 : i64} {
  func.func @_dense_body(%arg0: i32, %arg1: memref<2x2000x128xf32, #tpu.memory_space<vmem>>, %arg2: memref<2x2000x1xf32, #tpu.memory_space<vmem>>, %arg3: memref<2000x128xf32, #tpu.memory_space<vmem>>, %arg4: memref<128x128xf32, #tpu.memory_space<vmem>>, %arg5: memref<128x128xf32, #tpu.memory_space<vmem>>, %arg6: memref<1x128xf32, #tpu.memory_space<vmem>>, %arg7: memref<2000x128xf32, #tpu.memory_space<vmem>>) attributes {dimension_semantics = [#tpu.dimension_semantics<arbitrary>], iteration_bounds = array<i64: 5>, scalar_prefetch = 0 : i64, scratch_operands = 0 : i64, tpu.core_type = #tpu.core_type<tc>, window_params = [{transform_indices = @transform_0, window_bounds = array<i64: 2, 2000, 128>}, {transform_indices = @transform_1, window_bounds = array<i64: 2, 2000, 1>}, {transform_indices = @transform_2, window_bounds = array<i64: 2000, 128>}, {pipeline_mode = #tpu.pipeline_mode<synchronous>, transform_indices = @transform_3, window_bounds = array<i64: 128, 128>}, {pipeline_mode = #tpu.pipeline_mode<synchronous>, transform_indices = @transform_4, window_bounds = array<i64: 128, 128>}, {pipeline_mode = #tpu.pipeline_mode<synchronous>, transform_indices = @transform_5, window_bounds = array<i64: 1, 128>}, {transform_indices = @transform_6, window_bounds = array<i64: 2000, 128>}]} {
    %get3A = arith.constant 0 : index
    %get3A_0 = arith.constant 0 : index
    %get3A_1 = arith.constant 0 : index
    %get3A_2 = vector.load %arg2[%get3A, %get3A_0, %get3A_1] : memref<2x2000x1xf32, #tpu.memory_space<vmem>>, vector<1x2000x1xf32>
    %get3A_3 = vector.shape_cast %get3A_2 : vector<1x2000x1xf32> to vector<2000x1xf32>
    %get3A_4 = arith.constant 1 : index
    %get3A_5 = arith.constant 0 : index
    %get3A_6 = arith.constant 0 : index
    %get3A_7 = vector.load %arg2[%get3A_4, %get3A_5, %get3A_6] : memref<2x2000x1xf32, #tpu.memory_space<vmem>>, vector<1x2000x1xf32>
    %get3A_8 = vector.shape_cast %get3A_7 : vector<1x2000x1xf32> to vector<2000x1xf32>
    %add3A = arith.addf %get3A_3, %get3A_8 : vector<2000x1xf32>
    %max3A = arith.constant 1.000000e+00 : f32
    %max3A_9 = vector.broadcast %max3A : f32 to vector<2000x1xf32>
    %max3A_10 = arith.maximumf %add3A, %max3A_9 : vector<2000x1xf32>
    %get3A_11 = arith.constant 0 : index
    %get3A_12 = arith.constant 0 : index
    %get3A_13 = arith.constant 0 : index
    %get3A_14 = vector.load %arg1[%get3A_11, %get3A_12, %get3A_13] : memref<2x2000x128xf32, #tpu.memory_space<vmem>>, vector<1x2000x128xf32>
    %get3A_15 = vector.shape_cast %get3A_14 : vector<1x2000x128xf32> to vector<2000x128xf32>
    %get3A_16 = arith.constant 1 : index
    %get3A_17 = arith.constant 0 : index
    %get3A_18 = arith.constant 0 : index
    %get3A_19 = vector.load %arg1[%get3A_16, %get3A_17, %get3A_18] : memref<2x2000x128xf32, #tpu.memory_space<vmem>>, vector<1x2000x128xf32>
    %get3A_20 = vector.shape_cast %get3A_19 : vector<1x2000x128xf32> to vector<2000x128xf32>
    %add3A_21 = arith.addf %get3A_15, %get3A_20 : vector<2000x128xf32>
    %div3A = vector.broadcast %max3A_10 : vector<2000x1xf32> to vector<2000x128xf32>
    %div3A_22 = arith.divf %add3A_21, %div3A : vector<2000x128xf32>
    %get3A_23 = arith.constant 0 : index
    %get3A_24 = arith.constant 0 : index
    %get3A_25 = vector.load %arg4[%get3A_23, %get3A_24] : memref<128x128xf32, #tpu.memory_space<vmem>>, vector<128x128xf32>
    %dot_general3A = arith.constant dense<0.000000e+00> : vector<2000x128xf32>
    %dot_general3A_26 = tpu.matmul %div3A_22, %get3A_25, %dot_general3A {dimension_numbers = #tpu.dot_dimension_numbers<[1], [1], [0], [0], [0, 0, 1, 0], [], []>, transpose_lhs_hint = false} : vector<2000x128xf32>, vector<128x128xf32>, vector<2000x128xf32> -> vector<2000x128xf32>
    %get3A_27 = arith.constant 0 : index
    %get3A_28 = arith.constant 0 : index
    %get3A_29 = vector.load %arg3[%get3A_27, %get3A_28] : memref<2000x128xf32, #tpu.memory_space<vmem>>, vector<2000x128xf32>
    %get3A_30 = arith.constant 0 : index
    %get3A_31 = arith.constant 0 : index
    %get3A_32 = vector.load %arg5[%get3A_30, %get3A_31] : memref<128x128xf32, #tpu.memory_space<vmem>>, vector<128x128xf32>
    %dot_general3A_33 = arith.constant dense<0.000000e+00> : vector<2000x128xf32>
    %dot_general3A_34 = tpu.matmul %get3A_29, %get3A_32, %dot_general3A_33 {dimension_numbers = #tpu.dot_dimension_numbers<[1], [1], [0], [0], [0, 0, 1, 0], [], []>, transpose_lhs_hint = false} : vector<2000x128xf32>, vector<128x128xf32>, vector<2000x128xf32> -> vector<2000x128xf32>
    %add3A_35 = arith.addf %dot_general3A_26, %dot_general3A_34 : vector<2000x128xf32>
    %get3A_36 = arith.constant 0 : index
    %get3A_37 = arith.constant 0 : index
    %get3A_38 = vector.load %arg6[%get3A_36, %get3A_37] : memref<1x128xf32, #tpu.memory_space<vmem>>, vector<1x128xf32>
    %add3A_39 = vector.broadcast %get3A_38 : vector<1x128xf32> to vector<2000x128xf32>
    %add3A_40 = arith.addf %add3A_35, %add3A_39 : vector<2000x128xf32>
    %max3A_41 = arith.constant 0.000000e+00 : f32
    %max3A_42 = vector.broadcast %max3A_41 : f32 to vector<2000x128xf32>
    %max3A_43 = arith.maximumf %add3A_40, %max3A_42 : vector<2000x128xf32>
    %swap3A = arith.constant 0 : index
    %swap3A_44 = arith.constant 0 : index
    %swap3A_45 = vector.load %arg7[%swap3A, %swap3A_44] : memref<2000x128xf32, #tpu.memory_space<vmem>>, vector<2000x128xf32>
    tpu.vector_store %arg7[%swap3A, %swap3A_44], %max3A_43 {strides = array<i32>} : memref<2000x128xf32, #tpu.memory_space<vmem>>, vector<2000x128xf32>,
    return
  }
  func.func @transform_0(%arg0: i32) -> (i32, i32, i32) {
    %c0_i32 = arith.constant 0 : i32
    %c0_i32_0 = arith.constant 0 : i32
    %c0_i32_1 = arith.constant 0 : i32
    return %c0_i32, %arg0, %c0_i32_0 : i32, i32, i32
  }
  func.func @transform_1(%arg0: i32) -> (i32, i32, i32) {
    %c0_i32 = arith.constant 0 : i32
    %c0_i32_0 = arith.constant 0 : i32
    %c0_i32_1 = arith.constant 0 : i32
    return %c0_i32, %arg0, %c0_i32_0 : i32, i32, i32
  }
  func.func @transform_2(%arg0: i32) -> (i32, i32) {
    %c0_i32 = arith.constant 0 : i32
    %c0_i32_0 = arith.constant 0 : i32
    return %arg0, %c0_i32 : i32, i32
  }
  func.func @transform_3(%arg0: i32) -> (i32, i32) {
    %c0_i32 = arith.constant 0 : i32
    %c0_i32_0 = arith.constant 0 : i32
    %c0_i32_1 = arith.constant 0 : i32
    return %c0_i32, %c0_i32_0 : i32, i32
  }
  func.func @transform_4(%arg0: i32) -> (i32, i32) {
    %c0_i32 = arith.constant 0 : i32
    %c0_i32_0 = arith.constant 0 : i32
    %c0_i32_1 = arith.constant 0 : i32
    return %c0_i32, %c0_i32_0 : i32, i32
  }
  func.func @transform_5(%arg0: i32) -> (i32, i32) {
    %c0_i32 = arith.constant 0 : i32
    %c0_i32_0 = arith.constant 0 : i32
    %c0_i32_1 = arith.constant 0 : i32
    return %c0_i32, %c0_i32_0 : i32, i32
  }
  func.func @transform_6(%arg0: i32) -> (i32, i32) {
    %c0_i32 = arith.constant 0 : i32
    %c0_i32_0 = arith.constant 0 : i32
    return %arg0, %c0_i32 : i32, i32
  }
}

</mosaic_0001>

<sc_bundles>
// kernel: kernel.6.cloned.1.call-start
scs
__scs_entry_jumppad:
0x0: {  	(pc) =	sbr.rel $0x88, $3  }
0x1: {  	(tag) =	ssettag $0x0;
	lr =	simm.s32 $0x1  }
0x2: {  	[smem:$0x3F99] =	sst lr;
	_ =	strace $0xD0000000  }
0x3: {  	_ = 	snop  }
0x4: {  	_ = 	snop  }
0x5: {  	_ = 	snop  }
0x6: {  	_ = 	snop  }
0x7: {  	_ = 	snop  }
__scs_overlays_trampoline_lowered:
0x8: {  	[smem:$0x3FA8] =	sst s0  }
0x9: {  	[smem:$0x3FA9] =	sst s1  }
0xa: {  	[smem:$0x3FAA] =	sst s2  }
0xb: {  	[smem:$0x3FAB] =	sst s3  }
0xc: {  	[smem:$0x3FAC] =	sst s4  }
0xd: {  	[smem:$0x3FAD] =	sst s5  }
0xe: {  	[smem:$0x3FAE] =	sst s6  }
0xf: {  	[smem:$0x3FAF] =	sst s7  }
0x10: {  	[smem:$0x3FB0] =	sst s8  }
0x11: {  	[smem:$0x3FB1] =	sst s9;
	s0 =	simm.s32 @!p0 $0x0  }
0x12: {  	s1 =	sld [smem:$0x3F97];
	s0 =	simm.s32 @p0 $0x1  }
0x13: {  	[smem:$0x3FB2] =	sst s0;
	s0 =	simm.s32 @!p1 $0x0  }
0x14: {  	s2 =	sld [smem:$0x3F96];
	s0 =	simm.s32 @p1 $0x1  }
0x15: {  	[smem:$0x3FB3] =	sst s0;
	s0 =	simm.s32 @!p2 $0x0  }
0x16: {  	s3 =	sld [smem:$0x3FDB];
	s0 =	simm.s32 @p2 $0x1  }
0x17: {  	s4 =	simm.s32 $0x1BF5;
	[smem:$0x3FB5] =	sst s0  }
0x18: {  	s0 =	sld [smem:$0x3F98];
	_ =	swait.ge [sflag:s4], $0x0  }
0x19: {  	s7 =	sld [smem:$0x3F99]  }
0x1a: {  	s8 =	sadd.s32 $0xFFFFE003, lr  }
0x1b: {  	s9 =	sadd.s32 $0xFFFFFEF7, lr;
	s5 =	simm.s32 $0xFFFFFFFF;
	p2 =	slt.u32 s8, $0xFFFFF086  }
0x1c: {  	p1 =	slt.u32 s9, $0xF7A;
	s5 =	simm.s32 @!p2 $0x0  }
0x1d: {  	s5 =	simm.s32 @p1 $0x1;
	p0 =	seq.s32 s7, s2  }
0x1e: {  	s7 =	smul.u32 @!p0 $0xF7A, s2;
	p2 =	seq.s32 @!p0 s5, $0x0  }
0x1f: {  	s9 =	smul.u32 $0xF7A, s1;
	s8 =	simm.s32 @!p0 $0x1BF5;
	p2 =	por !p2, p0  }
0x20: {  	[sflag:s8] =	ssyncset.s32 @!p0 $0xFFFFF086;
	s6 =	sadd.s32 @!p0 s3, s7;
	s7 =	simm.s32 @!p0 $0x108  }
0x21: {  	s3 =	sadd.s32 s3, s9;
	s6 =	sadd.s32 @!p0 $0x88, s6;
	s7 =	simm.s32 @p2 $0x1082  }
0x22: {  	[simem:s7], [sflag:s8] =	dma.local @!p0 [hbm:s6], $0xF7A  }
0x23: {  	s9 =	sor.u32 $0xD0000000, s2;
	s6 =	simm.s32 $0x108;
	_ =	swait.ge @!p0 [sflag:s8], $0x0  }
0x24: {  	s3 =	sadd.s32 $0x88, s3;
	s6 =	simm.s32 @!p1 $0x1082;
	[sflag:s4] =	ssyncset.s32 $0xFFFFF086  }
0x25: {  	[simem:s6], [sflag:s4] =	dma.local [hbm:s3], $0xF7A  }
0x26: {  	[smem:$0x3F99] =	sst s1;
	(tag) =	ssettag s2;
	_ =	strace s9  }
0x27: {  	s1 =	sld [smem:$0x3FA9]  }
0x28: {  	s2 =	sld [smem:$0x3FAA]  }
0x29: {  	s4 =	sld [smem:$0x3FAC]  }
0x2a: {  	p0 =	seq.s32 s5, $0x0;
	s5 =	sld [smem:$0x3FAD]  }
0x2b: {  	s6 =	sld [smem:$0x3FAE]  }
0x2c: {  	s7 =	sld [smem:$0x3FAF]  }
0x2d: {  	s3 =	simm.s32 $0x108;
	s8 =	sld [smem:$0x3FB0]  }
0x2e: {  	s3 =	simm.s32 @!p0 $0x1082;
	s9 =	sld [smem:$0x3FB1]  }
0x2f: {  	lr =	sadd.s32 s0, s3;
	s0 =	sld [smem:$0x3FA8]  }
0x30: {  	s3 =	sld [smem:$0x3FAB]  }
0x31: {  	[smem:$0x3FB4] =	sst s10  }
0x32: {  	s10 =	sld [smem:$0x3FB2];
	_ =	sdelay $0x3  }
0x33: {  	p0 =	seq.s32 s10, $0x1;
	s10 =	sld [smem:$0x3FB4];
	_ =	sdelay $0x3  }
0x34: {  	[smem:$0x3FB4] =	sst s10  }
0x35: {  	s10 =	sld [smem:$0x3FB3];
	_ =	sdelay $0x3  }
0x36: {  	p1 =	seq.s32 s10, $0x1;
	s10 =	sld [smem:$0x3FB4];
	_ =	sdelay $0x3  }
0x37: {  	[smem:$0x3FB4] =	sst s10  }
0x38: {  	s10 =	sld [smem:$0x3FB5]  }
0x39: {  	_ = 	snop;
	(pc) =	sbr.ind lr, $3  }
0x3a: {  	_ = 	snop  }
0x3b: {  	_ = 	snop  }
0x3c: {  	p2 =	seq.s32 s10, $0x1;
	s10 =	sld [smem:$0x3FB4]  }
0x3d: {  	_ =	shalt  }
0x3e: {  	_ =	shalt  }
0x3f: {  	_ =	shalt  }
0x40: {  	_ =	shalt  }
0x41: {  	_ =	shalt  }
0x42: {  	_ =	shalt  }
0x43: {  	_ =	shalt  }
0x44: {  	_ =	shalt  }
0x45: {  	_ =	shalt  }
0x46: {  	_ =	shalt  }
0x47: {  	_ =	shalt  }
0x48: {  	_ =	shalt  }
0x49: {  	_ =	shalt  }
0x4a: {  	_ =	shalt  }
0x4b: {  	_ =	shalt  }
0x4c: {  	_ =	shalt  }
0x4d: {  	_ =	shalt  }
0x4e: {  	_ =	shalt  }
0x4f: {  	_ =	shalt  }
0x50: {  	_ =	shalt  }
0x51: {  	_ =	shalt  }
0x52: {  	_ =	shalt  }
0x53: {  	_ =	shalt  }
0x54: {  	_ =	shalt  }
0x55: {  	_ =	shalt  }
0x56: {  	_ =	shalt  }
0x57: {  	_ =	shalt  }
0x58: {  	_ =	shalt  }
0x59: {  	_ =	shalt  }
0x5a: {  	_ =	shalt  }
0x5b: {  	_ =	shalt  }
0x5c: {  	_ =	shalt  }
0x5d: {  	_ =	shalt  }
0x5e: {  	_ =	shalt  }
0x5f: {  	_ =	shalt  }
0x60: {  	_ =	shalt  }
0x61: {  	_ =	shalt  }
0x62: {  	_ =	shalt  }
0x63: {  	_ =	shalt  }
0x64: {  	_ =	shalt  }
0x65: {  	_ =	shalt  }
0x66: {  	_ =	shalt  }
0x67: {  	_ =	shalt  }
0x68: {  	_ =	shalt  }
0x69: {  	_ =	shalt  }
0x6a: {  	_ =	shalt  }
0x6b: {  	_ =	shalt  }
0x6c: {  	_ =	shalt  }
0x6d: {  	_ =	shalt  }
0x6e: {  	_ =	shalt  }
0x6f: {  	_ =	shalt  }
0x70: {  	_ =	shalt  }
0x71: {  	_ =	shalt  }
0x72: {  	_ =	shalt  }
0x73: {  	_ =	shalt  }
0x74: {  	_ =	shalt  }
0x75: {  	_ =	shalt  }
0x76: {  	_ =	shalt  }
0x77: {  	_ =	shalt  }
0x78: {  	_ =	shalt  }
0x79: {  	_ =	shalt  }
0x7a: {  	_ =	shalt  }
0x7b: {  	_ =	shalt  }
0x7c: {  	_ =	shalt  }
0x7d: {  	_ =	shalt  }
0x7e: {  	_ =	shalt  }
0x7f: {  	_ =	shalt  }
0x80: {  	_ =	shalt  }
0x81: {  	_ =	shalt  }
0x82: {  	_ =	shalt  }
0x83: {  	_ =	shalt  }
0x84: {  	_ =	shalt  }
0x85: {  	_ =	shalt  }
0x86: {  	_ =	shalt  }
0x87: {  	_ =	shalt  }
.Lfunc_end0:
.L_simem_size_0:
called_computation_lowered:
.L_overlay_start_0:
0x88: {  	s2 =	sld [smem:$0x3FD9]  }
0x89: {  	s3 =	sld [smem:$0x3FFE];
	_ =	sdelay $0x1  }
0x8a: {  	s1 =	srdreg.scid  }
0x8b: {  	s0 =	sand.u32 $0x1, s1  }
0x8c: {  	s17 =	sshll.u32 s0, $0xA;
	s2 =	sadd.s32 s3, s2  }
0x8d: {  	s2 =	sadd.s32 s2, s17  }
0x8e: {  	[smem:$0x3FC0] =	sst s2  }
0x8f: {  	_ = 	snop  }
0x90: {  	s2 =	sld [smem:$0x3FC9]  }
0x91: {  	s18 =	sld [smem:$0x3FD0];
	(tm) =	ssettm $0x1  }
0x92: {  	s4 =	sld [smem:$0x3FFB];
	_ =	sdelay $0x3  }
0x93: {  	_ =	strace s4  }
0x94: {  	s4 =	sld [smem:$0x3FFC];
	_ =	sdelay $0x3  }
0x95: {  	_ =	strace s4  }
0x96: {  	s4 =	sld [smem:$0x3FFD];
	_ =	sdelay $0x3  }
0x97: {  	_ =	strace s4  }
0x98: {  	_ =	strace $0x8FFFFFFF  }
0x99: {  	s19 =	sld [smem:$0x3FDB];
	_ =	sdelay $0x1  }
0x9a: {  	s5 =	simm.s32 $_scs_section_size  }
0x9b: {  	s6 =	simm.s32 $_size__tile_overlayer_lowered;
	s7 =	simm.s32 $_tile_overlayer_lowered  }
0x9c: {  	s22 =	simm.s32 $0x1BFF;
	s21 =	sshll.u32 s7, $0x1;
	s4 =	sadd.s32 s5, s19  }
0x9d: {  	s8 =	simm.s32 $0x0;
	s20 =	sshll.u32 s6, $0x1;
	s6 =	sadd.s32 s21, s4  }
0x9e: {  	[timem:s8], [sflag:s22] =	dma.local [hbm:s6], s20  }
0x9f: {  	_ =	swait.ge [sflag:s22], s20  }
0xa0: {  	s5 =	ssub.s32 $0x0, s20;
	[sflag:s22] =	ssyncset.done $0x0  }
0xa1: {  	[sflag:s22] =	ssyncadd.s32 s5;
	_ =	sdelay $0x1  }
0xa2: {  	s23 =	simm.s32 $0x1B8B  }
0xa3: {  	_ =	swait.ge [sflag:s23], $0x1  }
0xa4: {  	[sflag:s23] =	ssyncset.done $0x0  }
0xa5: {  	s25 =	simm.s32 $0x1B8E;
	s24 =	sld [smem:$0x3FFE];
	[sflag:s23] =	ssyncadd.s32 $0xFFFFFFFF  }
0xa6: {  	s26 =	simm.s32 $execute0_lowered;
	[smem:$0x3FD2] =	sst s25  }
0xa7: {  	s6 =	sshll.u32 s26, $0x1;
	_ =	strace $0x80000046;
	[dreg:$0x1] =	wrdreg $0xFFFFFFFF  }
0xa8: {  	s28 =	simm.s32 $_size_execute0_lowered;
	s4 =	sadd.s32 s4, s6;
	[dreg:$0x0] =	wrdreg $0x0  }
0xa9: {  	s6 =	sshll.u32 s28, $0x1;
	[dreg:$0x2] =	wrdreg s4  }
0xaa: {  	[dreg:$0x3] =	wrdreg s6  }
0xab: {  	[dreg:$0x4] =	wrdreg $0xC0  }
0xac: {  	_ =	task [dreg:s8], $0x5FFFF  }
0xad: {  	[dreg:$0x1] =	wrdreg $0xFFFFFFFF  }
0xae: {  	[dreg:$0x0] =	wrdreg $0x60  }
0xaf: {  	[dreg:$0x2] =	wrdreg s2  }
0xb0: {  	[dreg:$0x3] =	wrdreg s24  }
0xb1: {  	[dreg:$0x4] =	wrdreg s18  }
0xb2: {  	[dreg:$0x5] =	wrdreg $0xA6800  }
0xb3: {  	[dreg:$0x6] =	wrdreg $0x1E6800  }
0xb4: {  	[dreg:$0x7] =	wrdreg $0x9  }
0xb5: {  	_ =	task.clear_ibuf [dreg:s8], $0x8FFFF;
	_ =	strace $0x90000046  }
0xb6: {  	s29 =	simm.s32 $0x9;
	_ =	strace $0x80000048  }
0xb7: {  	_ =	swait.ge [sflag:s29], $0x1  }
0xb8: {  	[sflag:s29] =	ssyncadd.s32 $0xFFFFFFFF  }
0xb9: {  	_ =	strace $0x90000048  }
0xba: {  	_ =	sfence  }
0xbb: {  	s30 =	sld [smem:$0x0];
	_ =	sdelay $0x2  }
0xbc: {  	s31 =	sshll.u32 s1, $0xD;
	s1 =	sshrl.u32 s1, $0x2  }
0xbd: {  	s3 =	sand.u32 $0x4000, s31;
	s1 =	sadd.s32 s1, s30  }
0xbe: {  	s0 =	sor.u32 s3, s0;
	s1 =	sshll.u32 s1, $0x11  }
0xbf: {  	s0 =	sor.u32 s1, s0  }
0xc0: {  	s0 =	sadd.s32 $0x8F2B, s0  }
0xc1: {  	[sflag:s0] =	ssyncadd.remote.s32 $0x1  }
0xc2: {  	_ =	sfence.sel $0xFFFF  }
0xc3: {  	[dreg:$0x0] =	wrdreg $0xFFFFFFFF;
	(pc) =	sbr.abs _section_cstart, $3  }
0xc4: {  	[dreg:$0x1] =	wrdreg $0xFFFFFFFF  }
0xc5: {  	_ =	task.clear_ibuf [dreg:s8], $0x2FFFF;
	_ =	strace $0x9FFFFFFF  }
0xc6: {  	(tm) =	ssettm $0x7FFFFFFF  }
0xc7: {  	_ =	shalt  }
tec
execute0_lowered:
.L_overlay_start_1:
0x0: {  	(tag) =	ssettag $0x1  }
0x1: {  	s1 =	rddreg [dreg:$0x0]  }
0x2: {  	s0 =	rddreg [dreg:$0x1]  }
0x3: {  	s14 =	rddreg [dreg:$0x2]  }
0x4: {  	s2 =	rddreg [dreg:$0x3]  }
0x5: {  	s3 =	rddreg [dreg:$0x4]  }
0x6: {  	s4 =	simm.s32 $0x0;
	s5 =	stileid.u32;
	s6 =	srdreg.scid  }
0x7: {  	s29 =	simm.s32 $0x1;
	s30 =	simm.s32 $0x3;
	s31 =	simm.s32 $0xA600  }
0x8: {  	s19 =	simm.s32 $0x0;
	[smem:$0x7FF] =	sst s4;
	s7 =	smul.u32 $0x14000, s5  }
0x9: {  	s8 =	sand.u32 $0x1, s6;
	s16 =	sadd.s32 $0x2800, s0;
	s10 =	smul.u32 $0x50000, s5  }
0xa: {  	s18 =	smul.u32 $0x2710, s5;
	p0 =	sne.s32 s5, $0x0;
	_ =	strace $0x80000047  }
0xb: {  	s6 =	smul.u32 $0x140000, s8;
	s15 =	sshll.u32 s8, $0x4;
	s25 =	ssub.s32 $0x2, s8  }
0xc: {  	s13 =	smul.u32 $0x27100, s8;
	s9 =	sshrl.u32 s7, $0x3;
	s24 =	sor.u32 s5, s15  }
0xd: {  	s11 =	sshrl.u32 s25, $0x1;
	s26 =	sshrl.u32 s10, $0x2;
	s14 =	sadd.s32 s14, s15  }
0xe: {  	s12 =	sadd.s32 s9, s0;
	s7 =	sadd.s32 s7, s6;
	s6 =	sadd.s32 $0xC600, s0  }
0xf: {  	s9 =	smul.u32 $0x2710, s24;
	s17 =	ssub.s32 s25, s11;
	s11 =	sadd.s32 s26, s2  }
0x10: {  	s18 =	sadd.s32 s18, s13;
	s7 =	sshrl.u32 s7, $0x3;
	s12 =	sadd.s32 $0xCC00, s12  }
.Ltmp0:
0x11: {  	s28 =	sadd.s32 $0x140, s18;
	s15 =	smax.u32 s17, $0x1;
	(pc) =	sbr.rel .LBB2_1-.Ltmp0, $4  }
0x12: {  	s17 =	simm.s32 $0x4;
	s0 =	sadd.s32 s7, s0;
	s9 =	sshrl.u32 s9, $0x3  }
0x13: {  	s18 =	simm.s32 $0x50;
	s7 =	sadd.s32 s16, s9;
	s13 =	sadd.s32 $0x34C00, s0  }
0x14: {  	s0 =	sshrl.u32 s28, $0x3;
	s8 =	sadd.s32 $0xA, s7;
	s9 =	sadd.s32 $0x14, s7  }
0x15: {  	v0 =	vimm.f32 $1.000000000e+00;
	s10 =	sadd.s32 $0x1E, s7;
	s23 =	sadd.s32 s0, s16;
	s0 =	simm.s32 $0x2  }
.LBB2_5:
0x16: {  	_ =	swait.ge [sflag:s0], $0x2800  }
0x17: {  	[sflag:s0] =	ssyncset.done $0x0  }
0x18: {  	[sflag:s0] =	ssyncadd.s32 $0xFFFFD800  }
0x19: {  	_ =	swait.ge [sflag:s0], $0x50  }
0x1a: {  	[sflag:s0] =	ssyncset.done $0x0  }
0x1b: {  	[sflag:s0] =	ssyncadd.s32 $0xFFFFFFB0  }
0x1c: {  	[bflag:$0x0] =	sbarrier.arrive $0xFFFF  }
0x1d: {  	[hbm:s13], [sflag:s20] =	dma.local [spmem:s22], $0x2800  }
0x1e: {  	s5 =	simm.s32 @!p0 $0x1;
	_ =	swait.ge [sflag:s17], $0x2800  }
0x1f: {  	s16 =	simm.s32 @!p0 $0x20;
	s19 =	sadd.s32 $0x1, s19;
	[sflag:s17] =	ssyncset.done $0x0  }
0x20: {  	p1 =	sne.s32 s19, s15;
	s22 =	simm.s32 @!p0 $0x10;
	[sflag:s17] =	ssyncadd.s32 $0xFFFFD800  }
0x21: {  	[hbm:s14@s16], [sflag:s20] =	dma.strided @!p0 [spmem:s21@s22], $0x500, s5, $0x10   }
.Ltmp1:
0x22: {  	_ = 	snop;
	(pc) =	sbr.rel @!p1 .LBB2_6-.Ltmp1, $4  }
0x23: {  	s5 =	simm.s32 @!p0 $0x4  }
0x24: {  	_ =	swait.ge @!p0 [sflag:s5], $0x500  }
0x25: {  	[sflag:s5] =	ssyncset.done @!p0 $0x0  }
0x26: {  	[sflag:s5] =	ssyncadd.s32 @!p0 $0xFFFFFB00  }
.LBB2_1:
0x27: {  	[tilespmem:s4], [sflag:$0x4] =	stream.linear.gather [hbm4b:s7+s4], $0x50, $0x38;
	[tilespmem:$0x1E900] =	vst v63  }
0x28: {  	_ =	swait.ge [sflag:s17], $0x50  }
0x29: {  	[sflag:s17] =	ssyncset.done $0x0  }
0x2a: {  	[sflag:s17] =	ssyncadd.s32 $0xFFFFFFB0  }
0x2b: {  	v1 =	vld [tilespmem:$0x0];
	_ =	sdelay $0x1  }
0x2c: {  	v2 =	vld [tilespmem:$0x10];
	_ =	sdelay $0x1  }
0x2d: {  	v3 =	vld [tilespmem:$0x20]  }
0x2e: {  	v4 =	vshra.s32 v1, $0x1F  }
0x2f: {  	v5 =	vld [tilespmem:$0x30];
	v4 =	vshrl.u32 v4, $0x12  }
0x30: {  	v6 =	vshra.s32 v2, $0x1F;
	v4 =	vadd.s32 v4, v1  }
0x31: {  	v7 =	vld [tilespmem:$0x40];
	v6 =	vshrl.u32 v6, $0x12;
	v4 =	vand.u32 $0xFFFFC000, v4  }
0x32: {  	v8 =	vshra.s32 v3, $0x1F;
	v6 =	vadd.s32 v6, v2;
	v4 =	vsub.s32 v1, v4  }
0x33: {  	v37 =	vshrl.u32 v8, $0x12;
	v36 =	vand.u32 $0xFFFFC000, v6;
	v1 =	vshrl.u32 v1, $0xE;
	[tilespmem:$0x200] =	vst v4  }
0x34: {  	v39 =	vshra.s32 v5, $0x1F;
	v38 =	vadd.s32 v37, v3;
	[tilespmem:$0x400] =	vst v1;
	v1 =	vsub.s32 v2, v36  }
0x35: {  	v40 =	vshrl.u32 v39, $0x12;
	[tilespmem:$0x210] =	vst v1;
	v1 =	vshrl.u32 v2, $0xE;
	v2 =	vand.u32 $0xFFFFC000, v38  }
0x36: {  	v41 =	vshra.s32 v7, $0x1F;
	[tilespmem:$0x410] =	vst v1;
	v1 =	vsub.s32 v3, v2;
	v2 =	vadd.s32 v40, v5  }
0x37: {  	[tilespmem:$0x220] =	vst v1;
	v1 =	vshrl.u32 v3, $0xE;
	v2 =	vand.u32 $0xFFFFC000, v2;
	v3 =	vshrl.u32 v41, $0x12  }
0x38: {  	[tilespmem:$0x420] =	vst v1;
	v1 =	vsub.s32 v5, v2;
	v2 =	vadd.s32 v3, v7  }
0x39: {  	[tilespmem:$0x230] =	vst v1;
	v1 =	vshrl.u32 v5, $0xE;
	v2 =	vand.u32 $0xFFFFC000, v2  }
0x3a: {  	[tilespmem:$0x430] =	vst v1;
	v1 =	vsub.s32 v7, v2  }
0x3b: {  	[tilespmem:$0x240] =	vst v1;
	v1 =	vshrl.u32 v7, $0xE  }
0x3c: {  	s5 =	simm.s32 $0x200;
	s16 =	simm.s32 $0x600;
	[tilespmem:$0x440] =	vst v1  }
0x3d: {  	[tilespmem:s16], [sflag:$0x1] =	stream.indirect.gather [hbm4b:s1+s18], $0x80, s5, s18, $0xb8;
	[tilespmem:$0x1E900] =	vst v63  }
0x3e: {  	s28 =	simm.s32 $0x80  }
0x3f: {  	[tilespmem:s28], [sflag:$0x4] =	stream.linear.gather [hbm4b:s8+s4], $0x50, $0x38;
	[tilespmem:$0x1E900] =	vst v63  }
0x40: {  	_ =	swait.ge [sflag:s17], $0x50  }
0x41: {  	[sflag:s17] =	ssyncset.done $0x0  }
0x42: {  	[sflag:s17] =	ssyncadd.s32 $0xFFFFFFB0  }
0x43: {  	v1 =	vld [tilespmem:$0x80];
	_ =	sdelay $0x1  }
0x44: {  	v2 =	vld [tilespmem:$0x90];
	_ =	sdelay $0x1  }
0x45: {  	v3 =	vld [tilespmem:$0xA0]  }
0x46: {  	v42 =	vshra.s32 v1, $0x1F  }
0x47: {  	v43 =	vld [tilespmem:$0xB0];
	v4 =	vshrl.u32 v42, $0x12  }
0x48: {  	v44 =	vshra.s32 v2, $0x1F;
	v4 =	vadd.s32 v4, v1  }
0x49: {  	v45 =	vld [tilespmem:$0xC0];
	v6 =	vshrl.u32 v44, $0x12;
	v4 =	vand.u32 $0xFFFFC000, v4  }
0x4a: {  	v46 =	vshra.s32 v3, $0x1F;
	v6 =	vadd.s32 v6, v2;
	v4 =	vsub.s32 v1, v4  }
0x4b: {  	v48 =	vshrl.u32 v46, $0x12;
	v47 =	vand.u32 $0xFFFFC000, v6;
	v1 =	vshrl.u32 v1, $0xE;
	[tilespmem:$0x280] =	vst v4  }
0x4c: {  	v50 =	vshra.s32 v43, $0x1F;
	v49 =	vadd.s32 v48, v3;
	[tilespmem:$0x480] =	vst v1;
	v1 =	vsub.s32 v2, v47  }
0x4d: {  	v51 =	vshrl.u32 v50, $0x12;
	[tilespmem:$0x290] =	vst v1;
	v1 =	vshrl.u32 v2, $0xE;
	v2 =	vand.u32 $0xFFFFC000, v49  }
0x4e: {  	v52 =	vshra.s32 v45, $0x1F;
	[tilespmem:$0x490] =	vst v1;
	v1 =	vsub.s32 v3, v2;
	v2 =	vadd.s32 v51, v43  }
0x4f: {  	[tilespmem:$0x2A0] =	vst v1;
	v1 =	vshrl.u32 v3, $0xE;
	v2 =	vand.u32 $0xFFFFC000, v2;
	v3 =	vshrl.u32 v52, $0x12  }
0x50: {  	[tilespmem:$0x4A0] =	vst v1;
	v1 =	vsub.s32 v43, v2;
	v2 =	vadd.s32 v3, v45  }
0x51: {  	[tilespmem:$0x2B0] =	vst v1;
	v1 =	vshrl.u32 v43, $0xE;
	v2 =	vand.u32 $0xFFFFC000, v2  }
0x52: {  	[tilespmem:$0x4B0] =	vst v1;
	v1 =	vsub.s32 v45, v2  }
0x53: {  	[tilespmem:$0x2C0] =	vst v1;
	v1 =	vshrl.u32 v45, $0xE  }
0x54: {  	s20 =	simm.s32 $0x2E00;
	s16 =	simm.s32 $0x280;
	[tilespmem:$0x4C0] =	vst v1  }
0x55: {  	[tilespmem:s20], [sflag:$0x1] =	stream.indirect.gather [hbm4b:s1+s18], $0x80, s16, s18, $0xb8;
	[tilespmem:$0x1E900] =	vst v63  }
0x56: {  	s21 =	simm.s32 $0x100  }
0x57: {  	[tilespmem:s21], [sflag:$0x4] =	stream.linear.gather [hbm4b:s9+s4], $0x50, $0x38;
	[tilespmem:$0x1E900] =	vst v63  }
0x58: {  	_ =	swait.ge [sflag:s17], $0x50  }
0x59: {  	[sflag:s17] =	ssyncset.done $0x0  }
0x5a: {  	[sflag:s17] =	ssyncadd.s32 $0xFFFFFFB0  }
0x5b: {  	v1 =	vld [tilespmem:$0x100];
	_ =	sdelay $0x1  }
0x5c: {  	v2 =	vld [tilespmem:$0x110];
	_ =	sdelay $0x1  }
0x5d: {  	v3 =	vld [tilespmem:$0x120]  }
0x5e: {  	v53 =	vshra.s32 v1, $0x1F  }
0x5f: {  	v54 =	vld [tilespmem:$0x130];
	v4 =	vshrl.u32 v53, $0x12  }
0x60: {  	v55 =	vshra.s32 v2, $0x1F;
	v4 =	vadd.s32 v4, v1  }
0x61: {  	v56 =	vld [tilespmem:$0x140];
	v6 =	vshrl.u32 v55, $0x12;
	v4 =	vand.u32 $0xFFFFC000, v4  }
0x62: {  	v57 =	vshra.s32 v3, $0x1F;
	v6 =	vadd.s32 v6, v2;
	v4 =	vsub.s32 v1, v4  }
0x63: {  	v59 =	vshrl.u32 v57, $0x12;
	v58 =	vand.u32 $0xFFFFC000, v6;
	v1 =	vshrl.u32 v1, $0xE;
	[tilespmem:$0x300] =	vst v4  }
0x64: {  	v61 =	vshra.s32 v54, $0x1F;
	v60 =	vadd.s32 v59, v3;
	[tilespmem:$0x500] =	vst v1;
	v1 =	vsub.s32 v2, v58  }
0x65: {  	v62 =	vshrl.u32 v61, $0x12;
	[tilespmem:$0x310] =	vst v1;
	v1 =	vshrl.u32 v2, $0xE;
	v2 =	vand.u32 $0xFFFFC000, v60  }
0x66: {  	v63 =	vshra.s32 v56, $0x1F;
	[tilespmem:$0x510] =	vst v1;
	v1 =	vsub.s32 v3, v2;
	v2 =	vadd.s32 v62, v54  }
0x67: {  	[tilespmem:$0x320] =	vst v1;
	v1 =	vshrl.u32 v3, $0xE;
	v2 =	vand.u32 $0xFFFFC000, v2;
	v3 =	vshrl.u32 v63, $0x12  }
0x68: {  	[tilespmem:$0x520] =	vst v1;
	v1 =	vsub.s32 v54, v2;
	v2 =	vadd.s32 v3, v56  }
0x69: {  	[tilespmem:$0x330] =	vst v1;
	v1 =	vshrl.u32 v54, $0xE;
	v2 =	vand.u32 $0xFFFFC000, v2  }
0x6a: {  	[tilespmem:$0x530] =	vst v1;
	v1 =	vsub.s32 v56, v2  }
0x6b: {  	s26 =	stileid.u32;
	[tilespmem:$0x340] =	vst v1;
	v1 =	vshrl.u32 v56, $0xE  }
0x6c: {  	s22 =	simm.s32 $0x300;
	s24 =	simm.s32 $0x5600;
	s28 =	sshll.u32 s26, $0x6;
	[tilespmem:$0x540] =	vst v1  }
0x6d: {  	[tilespmem:s24], [sflag:$0x1] =	stream.indirect.gather [hbm4b:s1+s18], $0x80, s22, s18, $0xb8;
	[tilespmem:$0x1E900] =	vst v63  }
0x6e: {  	s25 =	simm.s32 $0x180;
	s20 =	sor.u32 $0x1C04, s28;
	s22 =	sshrl.u32 s11, $0x3  }
0x6f: {  	[tilespmem:s25], [sflag:$0x3] =	stream.linear.gather [hbm4b:s10+s4], $0x50, $0x38;
	[tilespmem:$0x1E900] =	vst v63  }
0x70: {  	[spmem:s22], [sflag:s20] =	dma.local [hbm:s12], $0x2800  }
0x71: {  	_ =	swait.ge [sflag:s17], $0x2800  }
0x72: {  	[sflag:s17] =	ssyncset.done $0x0  }
0x73: {  	s16 =	simm.s32 @!p0 $0x4;
	s21 =	sshrl.u32 @!p0 s3, $0x3;
	[sflag:s17] =	ssyncadd.s32 $0xFFFFD800  }
0x74: {  	[spmem:s21], [sflag:s20] =	dma.local @!p0 [hbm:s6], $0x500  }
0x75: {  	_ =	swait.ge @!p0 [sflag:s16], $0x500  }
0x76: {  	[sflag:s16] =	ssyncset.done @!p0 $0x0  }
0x77: {  	[sflag:s16] =	ssyncadd.s32 @!p0 $0xFFFFFB00  }
0x78: {  	[tilespmem:$0xA600] =	vst v0  }
0x79: {  	[tilespmem:$0xA610] =	vst v0  }
.Ltmp2:
0x7a: {  	[tilespmem:$0xA620] =	vst v0;
	(pc) =	sbr.rel .LBB2_2-.Ltmp2, $4  }
0x7b: {  	[tilespmem:$0xA630] =	vst v0  }
0x7c: {  	[tilespmem:$0xA640] =	vst v0  }
0x7d: {  	[bflag:$0x0] =	sbarrier.arrive $0xFFFF  }
0x7e: {  	s24 =	simm.s32 $0x0;
	s16 =	smov.u32 s23  }
.LBB2_4:
0x7f: {  	s5 =	smul.u32 $0xA000, s25;
	s24 =	sadd.s32 $0x1, s24  }
0x80: {  	p1 =	sne.s32 s24, $0x7D  }
.Ltmp3:
0x81: {  	s28 =	sshll.u32 s25, $0x7;
	s5 =	sshrl.u32 s5, $0x2;
	(pc) =	sbr.rel @!p1 .LBB2_5-.Ltmp3, $4  }
0x82: {  	s25 =	sor.u32 $0x400, s28;
	s5 =	sor.u32 $0x600, s5  }
0x83: {  	[spmem:s2] =	stream.indirect.scatter.add.f32 [tilespmem:s5], [sflag:$0x2], $0x80, s25, s18, $0xb8;
	[tilespmem:$0x1E900] =	vst v63  }
0x84: {  	s16 =	sadd.s32 $0xA, s16  }
0x85: {  	[spmem:s3] =	stream.indirect.scatter.add.f32 [tilespmem:s31], [sflag:$0x2], $0x1, s25, s18, $0xb8;
	[tilespmem:$0x1E900] =	vst v63  }
.LBB2_2:
0x86: {  	_ =	swait.ge [sflag:s29], $0x2800  }
0x87: {  	p1 =	seq.s32 s24, $0x0;
	[sflag:s29] =	ssyncset.done $0x0  }
0x88: {  	s26 =	simm.s32 @!p1 $0x2;
	p2 =	sgt.u32 @!p1 s24, $0x79;
	[sflag:s29] =	ssyncadd.s32 $0xFFFFD800  }
0x89: {  	p2 =	por p1, !p2;
	_ =	swait.ge @!p1 [sflag:s26], $0x2800  }
.Ltmp4:
0x8a: {  	[sflag:s26] =	ssyncset.done @!p1 $0x0;
	(pc) =	sbr.rel @!p2 .LBB2_4-.Ltmp4, $4  }
0x8b: {  	[sflag:s26] =	ssyncadd.s32 @!p1 $0xFFFFD800  }
0x8c: {  	_ =	swait.ge @!p1 [sflag:s26], $0x50  }
0x8d: {  	[sflag:s26] =	ssyncset.done @!p1 $0x0  }
0x8e: {  	s25 =	sand.u32 $0x3, s24;
	[sflag:s26] =	ssyncadd.s32 @!p1 $0xFFFFFFB0  }
0x8f: {  	s26 =	sadd.s32 $0xFFFFFFFF, s24;
	_ =	swait.ge [sflag:s30], $0x50  }
0x90: {  	s26 =	sand.u32 $0x3, s26;
	[sflag:s30] =	ssyncset.done $0x0  }
0x91: {  	[sflag:s30] =	ssyncadd.s32 $0xFFFFFFB0;
	s5 =	sshll.u32 s26, $0x7  }
0x92: {  	v1 =	vld [tilespmem:s5+$0x0];
	_ =	sdelay $0x1  }
0x93: {  	v2 =	vld [tilespmem:s5+$0x10];
	_ =	sdelay $0x1  }
0x94: {  	v3 =	vld [tilespmem:s5+$0x20]  }
0x95: {  	v4 =	vshra.s32 v1, $0x1F  }
0x96: {  	v5 =	vld [tilespmem:s5+$0x30];
	v4 =	vshrl.u32 v4, $0x12  }
0x97: {  	v6 =	vshra.s32 v2, $0x1F;
	v4 =	vadd.s32 v4, v1  }
0x98: {  	v7 =	vld [tilespmem:s5+$0x40];
	v6 =	vshrl.u32 v6, $0x12;
	v4 =	vand.u32 $0xFFFFC000, v4  }
0x99: {  	v8 =	vshra.s32 v3, $0x1F;
	v6 =	vadd.s32 v6, v2;
	v4 =	vsub.s32 v1, v4  }
0x9a: {  	v59 =	vshrl.u32 v8, $0x12;
	v58 =	vand.u32 $0xFFFFC000, v6;
	v1 =	vshrl.u32 v1, $0xE;
	[tilespmem:s5+$0x200] =	vst v4  }
0x9b: {  	v61 =	vshra.s32 v5, $0x1F;
	v60 =	vadd.s32 v59, v3;
	[tilespmem:s5+$0x400] =	vst v1;
	v1 =	vsub.s32 v2, v58  }
0x9c: {  	v62 =	vshrl.u32 v61, $0x12;
	[tilespmem:s5+$0x210] =	vst v1;
	v1 =	vshrl.u32 v2, $0xE;
	v2 =	vand.u32 $0xFFFFC000, v60  }
0x9d: {  	v63 =	vshra.s32 v7, $0x1F;
	[tilespmem:s5+$0x410] =	vst v1;
	v1 =	vsub.s32 v3, v2;
	v2 =	vadd.s32 v62, v5  }
0x9e: {  	[tilespmem:s5+$0x220] =	vst v1;
	v1 =	vshrl.u32 v3, $0xE;
	v2 =	vand.u32 $0xFFFFC000, v2;
	v3 =	vshrl.u32 v63, $0x12  }
0x9f: {  	[tilespmem:s5+$0x420] =	vst v1;
	v1 =	vsub.s32 v5, v2;
	v2 =	vadd.s32 v3, v7  }
0xa0: {  	s26 =	smul.u32 $0xA000, s26;
	[tilespmem:s5+$0x230] =	vst v1;
	v1 =	vshrl.u32 v5, $0xE;
	v2 =	vand.u32 $0xFFFFC000, v2  }
0xa1: {  	[tilespmem:s5+$0x430] =	vst v1;
	v1 =	vsub.s32 v7, v2  }
.Ltmp5:
0xa2: {  	s26 =	sshrl.u32 s26, $0x2;
	[tilespmem:s5+$0x240] =	vst v1;
	v1 =	vshrl.u32 v7, $0xE;
	(pc) =	sbr.rel .LBB2_4-.Ltmp5, $4  }
0xa3: {  	p1 =	sgt.u32 s24, $0x78;
	s28 =	sor.u32 $0x200, s5;
	s26 =	sor.u32 $0x600, s26;
	[tilespmem:s5+$0x440] =	vst v1  }
0xa4: {  	[tilespmem:s26], [sflag:$0x1] =	stream.indirect.gather [hbm4b:s1+s18], $0x80, s28, s18, $0xb8;
	[tilespmem:$0x1E900] =	vst v63  }
0xa5: {  	s5 =	sshll.u32 @!p1 s25, $0x7;
	s26 =	simm.s32 @!p1 $0x0  }
0xa6: {  	[tilespmem:s5], [sflag:$0x3] =	stream.linear.gather @!p1 [hbm4b:s16+s26], $0x50, $0x38;
	[tilespmem:$0x1E900] =	vst v63  }
.LBB2_6:
0xa7: {  	_ =	sfence.sel $0x180000  }
0xa8: {  	[bflag:$0x0] =	sbarrier.arrive $0xFFFF  }
0xa9: {  	_ =	strace $0x90000047  }
0xaa: {  	[bflag:$0x2] =	sbarrier.arrive $0xFFFF  }
0xab: {  	s0 =	rddreg [dreg:$0x5]  }
0xac: {  	s0 =	sadd.s32 @!p0 $0x100000, s0  }
0xad: {  	[sflag:s0] =	ssyncadd.tile.s32 @!p0 $0x1;
	_ =	shalt  }
.Lfunc_end2:
_tile_overlayer_lowered:
.L_overlay_start_2:
0xae: {  	(tag) =	ssettag $0x2  }
0xaf: {  	s0 =	rddreg [dreg:$0x0];
	s2 =	stileid.u32  }
0xb0: {  	s1 =	rddreg [dreg:$0x1];
	p0 =	sne.s32 s2, $0x0  }
0xb1: {  	s3 =	rddreg [dreg:$0x2];
	[bflag:$0x3] =	sbarrier.arrive $0xFFFF;
	s2 =	simm.s32 @!p0 $0x1C04  }
0xb2: {  	[timem:s3], [sflag:s2] =	dma.local @!p0 [hbm:s0], s1  }
0xb3: {  	s0 =	simm.s32 @!p0 $0x4  }
0xb4: {  	_ =	swait.ge @!p0 [sflag:s0], s1  }
0xb5: {  	s1 =	ssub.s32 @!p0 $0x0, s1;
	[sflag:s0] =	ssyncset.done @!p0 $0x0  }
0xb6: {  	[sflag:s0] =	ssyncadd.s32 @!p0 s1  }
0xb7: {  	[bflag:$0x3] =	sbarrier.arrive $0xFFFF  }
0xb8: {  	_ =	shalt  }

// kernel: kernel.9.cloned.1.call-start
scs
__scs_entry_jumppad:
0x0: {  	(pc) =	sbr.rel $0x88, $3  }
0x1: {  	(tag) =	ssettag $0x0;
	lr =	simm.s32 $0x1  }
0x2: {  	[smem:$0x3F99] =	sst lr;
	_ =	strace $0xD0000000  }
0x3: {  	_ = 	snop  }
0x4: {  	_ = 	snop  }
0x5: {  	_ = 	snop  }
0x6: {  	_ = 	snop  }
0x7: {  	_ = 	snop  }
__scs_overlays_trampoline_lowered:
0x8: {  	[smem:$0x3FA8] =	sst s0  }
0x9: {  	[smem:$0x3FA9] =	sst s1  }
0xa: {  	[smem:$0x3FAA] =	sst s2  }
0xb: {  	[smem:$0x3FAB] =	sst s3  }
0xc: {  	[smem:$0x3FAC] =	sst s4  }
0xd: {  	[smem:$0x3FAD] =	sst s5  }
0xe: {  	[smem:$0x3FAE] =	sst s6  }
0xf: {  	[smem:$0x3FAF] =	sst s7  }
0x10: {  	[smem:$0x3FB0] =	sst s8  }
0x11: {  	[smem:$0x3FB1] =	sst s9;
	s0 =	simm.s32 @!p0 $0x0  }
0x12: {  	s1 =	sld [smem:$0x3F97];
	s0 =	simm.s32 @p0 $0x1  }
0x13: {  	[smem:$0x3FB2] =	sst s0;
	s0 =	simm.s32 @!p1 $0x0  }
0x14: {  	s2 =	sld [smem:$0x3F96];
	s0 =	simm.s32 @p1 $0x1  }
0x15: {  	[smem:$0x3FB3] =	sst s0;
	s0 =	simm.s32 @!p2 $0x0  }
0x16: {  	s3 =	sld [smem:$0x3FDB];
	s0 =	simm.s32 @p2 $0x1  }
0x17: {  	s4 =	simm.s32 $0x1BF5;
	[smem:$0x3FB5] =	sst s0  }
0x18: {  	s0 =	sld [smem:$0x3F98];
	_ =	swait.ge [sflag:s4], $0x0  }
0x19: {  	s7 =	sld [smem:$0x3F99]  }
0x1a: {  	s8 =	sadd.s32 $0xFFFFE003, lr  }
0x1b: {  	s9 =	sadd.s32 $0xFFFFFEF7, lr;
	s5 =	simm.s32 $0xFFFFFFFF;
	p2 =	slt.u32 s8, $0xFFFFF086  }
0x1c: {  	p1 =	slt.u32 s9, $0xF7A;
	s5 =	simm.s32 @!p2 $0x0  }
0x1d: {  	s5 =	simm.s32 @p1 $0x1;
	p0 =	seq.s32 s7, s2  }
0x1e: {  	s7 =	smul.u32 @!p0 $0xF7A, s2;
	p2 =	seq.s32 @!p0 s5, $0x0  }
0x1f: {  	s9 =	smul.u32 $0xF7A, s1;
	s8 =	simm.s32 @!p0 $0x1BF5;
	p2 =	por !p2, p0  }
0x20: {  	[sflag:s8] =	ssyncset.s32 @!p0 $0xFFFFF086;
	s6 =	sadd.s32 @!p0 s3, s7;
	s7 =	simm.s32 @!p0 $0x108  }
0x21: {  	s3 =	sadd.s32 s3, s9;
	s6 =	sadd.s32 @!p0 $0x88, s6;
	s7 =	simm.s32 @p2 $0x1082  }
0x22: {  	[simem:s7], [sflag:s8] =	dma.local @!p0 [hbm:s6], $0xF7A  }
0x23: {  	s9 =	sor.u32 $0xD0000000, s2;
	s6 =	simm.s32 $0x108;
	_ =	swait.ge @!p0 [sflag:s8], $0x0  }
0x24: {  	s3 =	sadd.s32 $0x88, s3;
	s6 =	simm.s32 @!p1 $0x1082;
	[sflag:s4] =	ssyncset.s32 $0xFFFFF086  }
0x25: {  	[simem:s6], [sflag:s4] =	dma.local [hbm:s3], $0xF7A  }
0x26: {  	[smem:$0x3F99] =	sst s1;
	(tag) =	ssettag s2;
	_ =	strace s9  }
0x27: {  	s1 =	sld [smem:$0x3FA9]  }
0x28: {  	s2 =	sld [smem:$0x3FAA]  }
0x29: {  	s4 =	sld [smem:$0x3FAC]  }
0x2a: {  	p0 =	seq.s32 s5, $0x0;
	s5 =	sld [smem:$0x3FAD]  }
0x2b: {  	s6 =	sld [smem:$0x3FAE]  }
0x2c: {  	s7 =	sld [smem:$0x3FAF]  }
0x2d: {  	s3 =	simm.s32 $0x108;
	s8 =	sld [smem:$0x3FB0]  }
0x2e: {  	s3 =	simm.s32 @!p0 $0x1082;
	s9 =	sld [smem:$0x3FB1]  }
0x2f: {  	lr =	sadd.s32 s0, s3;
	s0 =	sld [smem:$0x3FA8]  }
0x30: {  	s3 =	sld [smem:$0x3FAB]  }
0x31: {  	[smem:$0x3FB4] =	sst s10  }
0x32: {  	s10 =	sld [smem:$0x3FB2];
	_ =	sdelay $0x3  }
0x33: {  	p0 =	seq.s32 s10, $0x1;
	s10 =	sld [smem:$0x3FB4];
	_ =	sdelay $0x3  }
0x34: {  	[smem:$0x3FB4] =	sst s10  }
0x35: {  	s10 =	sld [smem:$0x3FB3];
	_ =	sdelay $0x3  }
0x36: {  	p1 =	seq.s32 s10, $0x1;
	s10 =	sld [smem:$0x3FB4];
	_ =	sdelay $0x3  }
0x37: {  	[smem:$0x3FB4] =	sst s10  }
0x38: {  	s10 =	sld [smem:$0x3FB5]  }
0x39: {  	_ = 	snop;
	(pc) =	sbr.ind lr, $3  }
0x3a: {  	_ = 	snop  }
0x3b: {  	_ = 	snop  }
0x3c: {  	p2 =	seq.s32 s10, $0x1;
	s10 =	sld [smem:$0x3FB4]  }
0x3d: {  	_ =	shalt  }
0x3e: {  	_ =	shalt  }
0x3f: {  	_ =	shalt  }
0x40: {  	_ =	shalt  }
0x41: {  	_ =	shalt  }
0x42: {  	_ =	shalt  }
0x43: {  	_ =	shalt  }
0x44: {  	_ =	shalt  }
0x45: {  	_ =	shalt  }
0x46: {  	_ =	shalt  }
0x47: {  	_ =	shalt  }
0x48: {  	_ =	shalt  }
0x49: {  	_ =	shalt  }
0x4a: {  	_ =	shalt  }
0x4b: {  	_ =	shalt  }
0x4c: {  	_ =	shalt  }
0x4d: {  	_ =	shalt  }
0x4e: {  	_ =	shalt  }
0x4f: {  	_ =	shalt  }
0x50: {  	_ =	shalt  }
0x51: {  	_ =	shalt  }
0x52: {  	_ =	shalt  }
0x53: {  	_ =	shalt  }
0x54: {  	_ =	shalt  }
0x55: {  	_ =	shalt  }
0x56: {  	_ =	shalt  }
0x57: {  	_ =	shalt  }
0x58: {  	_ =	shalt  }
0x59: {  	_ =	shalt  }
0x5a: {  	_ =	shalt  }
0x5b: {  	_ =	shalt  }
0x5c: {  	_ =	shalt  }
0x5d: {  	_ =	shalt  }
0x5e: {  	_ =	shalt  }
0x5f: {  	_ =	shalt  }
0x60: {  	_ =	shalt  }
0x61: {  	_ =	shalt  }
0x62: {  	_ =	shalt  }
0x63: {  	_ =	shalt  }
0x64: {  	_ =	shalt  }
0x65: {  	_ =	shalt  }
0x66: {  	_ =	shalt  }
0x67: {  	_ =	shalt  }
0x68: {  	_ =	shalt  }
0x69: {  	_ =	shalt  }
0x6a: {  	_ =	shalt  }
0x6b: {  	_ =	shalt  }
0x6c: {  	_ =	shalt  }
0x6d: {  	_ =	shalt  }
0x6e: {  	_ =	shalt  }
0x6f: {  	_ =	shalt  }
0x70: {  	_ =	shalt  }
0x71: {  	_ =	shalt  }
0x72: {  	_ =	shalt  }
0x73: {  	_ =	shalt  }
0x74: {  	_ =	shalt  }
0x75: {  	_ =	shalt  }
0x76: {  	_ =	shalt  }
0x77: {  	_ =	shalt  }
0x78: {  	_ =	shalt  }
0x79: {  	_ =	shalt  }
0x7a: {  	_ =	shalt  }
0x7b: {  	_ =	shalt  }
0x7c: {  	_ =	shalt  }
0x7d: {  	_ =	shalt  }
0x7e: {  	_ =	shalt  }
0x7f: {  	_ =	shalt  }
0x80: {  	_ =	shalt  }
0x81: {  	_ =	shalt  }
0x82: {  	_ =	shalt  }
0x83: {  	_ =	shalt  }
0x84: {  	_ =	shalt  }
0x85: {  	_ =	shalt  }
0x86: {  	_ =	shalt  }
0x87: {  	_ =	shalt  }
.Lfunc_end0:
.L_simem_size_0:
called_computation.1_lowered:
.L_overlay_start_0:
0x88: {  	s2 =	sld [smem:$0x3FD9]  }
0x89: {  	s3 =	sld [smem:$0x3FFE];
	_ =	sdelay $0x1  }
0x8a: {  	s1 =	srdreg.scid  }
0x8b: {  	s0 =	sand.u32 $0x1, s1  }
0x8c: {  	s17 =	sshll.u32 s0, $0xA;
	s2 =	sadd.s32 s3, s2  }
0x8d: {  	s2 =	sadd.s32 s2, s17  }
0x8e: {  	[smem:$0x3FC0] =	sst s2  }
0x8f: {  	_ = 	snop  }
0x90: {  	s2 =	sld [smem:$0x3FD0];
	(tm) =	ssettm $0x1  }
0x91: {  	s18 =	sld [smem:$0x3FFB];
	_ =	sdelay $0x3  }
0x92: {  	_ =	strace s18  }
0x93: {  	s3 =	sld [smem:$0x3FFC];
	_ =	sdelay $0x3  }
0x94: {  	_ =	strace s3  }
0x95: {  	s3 =	sld [smem:$0x3FFD];
	_ =	sdelay $0x3  }
0x96: {  	_ =	strace s3  }
0x97: {  	_ =	strace $0x8FFFFFFF  }
0x98: {  	s19 =	sld [smem:$0x3FDB];
	_ =	sdelay $0x1  }
0x99: {  	s4 =	simm.s32 $_scs_section_size  }
0x9a: {  	s5 =	simm.s32 $_size__tile_overlayer_lowered;
	s6 =	simm.s32 $_tile_overlayer_lowered  }
0x9b: {  	s22 =	simm.s32 $0x1BFF;
	s21 =	sshll.u32 s6, $0x1;
	s3 =	sadd.s32 s4, s19  }
0x9c: {  	s7 =	simm.s32 $0x0;
	s20 =	sshll.u32 s5, $0x1;
	s5 =	sadd.s32 s21, s3  }
0x9d: {  	[timem:s7], [sflag:s22] =	dma.local [hbm:s5], s20  }
0x9e: {  	_ =	swait.ge [sflag:s22], s20  }
0x9f: {  	s4 =	ssub.s32 $0x0, s20;
	[sflag:s22] =	ssyncset.done $0x0  }
0xa0: {  	[sflag:s22] =	ssyncadd.s32 s4;
	_ =	sdelay $0x1  }
0xa1: {  	s23 =	simm.s32 $0x1B8B  }
0xa2: {  	_ =	swait.ge [sflag:s23], $0x1  }
0xa3: {  	[sflag:s23] =	ssyncset.done $0x0  }
0xa4: {  	s25 =	simm.s32 $0x1B8E;
	s24 =	sld [smem:$0x3FFE];
	[sflag:s23] =	ssyncadd.s32 $0xFFFFFFFF  }
0xa5: {  	s26 =	simm.s32 $execute0_lowered;
	[smem:$0x3FD2] =	sst s25  }
0xa6: {  	s5 =	sshll.u32 s26, $0x1;
	_ =	strace $0x80000049;
	[dreg:$0x1] =	wrdreg $0xFFFFFFFF  }
0xa7: {  	s28 =	simm.s32 $_size_execute0_lowered;
	s3 =	sadd.s32 s3, s5;
	[dreg:$0x0] =	wrdreg $0x0  }
0xa8: {  	s5 =	sshll.u32 s28, $0x1;
	[dreg:$0x2] =	wrdreg s3  }
0xa9: {  	[dreg:$0x3] =	wrdreg s5  }
0xaa: {  	[dreg:$0x4] =	wrdreg $0xC0  }
0xab: {  	_ =	task [dreg:s7], $0x5FFFF  }
0xac: {  	[dreg:$0x1] =	wrdreg $0xFFFFFFFF  }
0xad: {  	[dreg:$0x0] =	wrdreg $0x60  }
0xae: {  	[dreg:$0x2] =	wrdreg s2  }
0xaf: {  	[dreg:$0x3] =	wrdreg s24  }
0xb0: {  	[dreg:$0x4] =	wrdreg $0xA6000  }
0xb1: {  	[dreg:$0x5] =	wrdreg $0x9  }
0xb2: {  	_ =	task.clear_ibuf [dreg:s7], $0x6FFFF;
	_ =	strace $0x90000049  }
0xb3: {  	s29 =	simm.s32 $0x9;
	_ =	strace $0x8000004B  }
0xb4: {  	_ =	swait.ge [sflag:s29], $0x1  }
0xb5: {  	[sflag:s29] =	ssyncadd.s32 $0xFFFFFFFF  }
0xb6: {  	_ =	strace $0x9000004B  }
0xb7: {  	_ =	sfence  }
0xb8: {  	s30 =	sld [smem:$0x0];
	_ =	sdelay $0x2  }
0xb9: {  	s31 =	sshll.u32 s1, $0xD;
	s1 =	sshrl.u32 s1, $0x2  }
0xba: {  	s3 =	sand.u32 $0x4000, s31;
	s1 =	sadd.s32 s1, s30  }
0xbb: {  	s0 =	sor.u32 s3, s0;
	s1 =	sshll.u32 s1, $0x11  }
0xbc: {  	s0 =	sor.u32 s1, s0  }
0xbd: {  	s0 =	sadd.s32 $0x8F2B, s0  }
0xbe: {  	[sflag:s0] =	ssyncadd.remote.s32 $0x1  }
0xbf: {  	_ =	sfence.sel $0xFFFF  }
0xc0: {  	[dreg:$0x0] =	wrdreg $0xFFFFFFFF;
	(pc) =	sbr.abs _section_cstart, $3  }
0xc1: {  	[dreg:$0x1] =	wrdreg $0xFFFFFFFF  }
0xc2: {  	_ =	task.clear_ibuf [dreg:s7], $0x2FFFF;
	_ =	strace $0x9FFFFFFF  }
0xc3: {  	(tm) =	ssettm $0x7FFFFFFF  }
tec
execute0_lowered:
.L_overlay_start_1:
0x0: {  	(tag) =	ssettag $0x1  }
0x1: {  	s2 =	rddreg [dreg:$0x0]  }
0x2: {  	s0 =	rddreg [dreg:$0x1]  }
0x3: {  	s3 =	rddreg [dreg:$0x2]  }
0x4: {  	s16 =	stileid.u32;
	s1 =	srdreg.scid;
	s4 =	simm.s32 $0x0  }
0x5: {  	s14 =	simm.s32 $0x4;
	s15 =	simm.s32 $0x50;
	s20 =	simm.s32 $0x2E00  }
0x6: {  	s21 =	simm.s32 $0x100;
	s22 =	simm.s32 $0x300;
	s28 =	simm.s32 $0x3  }
0x7: {  	s29 =	simm.s32 $0x2;
	s30 =	simm.s32 $0x0;
	s5 =	smul.u32 $0x14000, s16  }
0x8: {  	s1 =	sand.u32 $0x1, s1;
	[smem:$0x7FF] =	sst s4;
	s9 =	smul.u32 $0x50000, s16  }
0x9: {  	s13 =	sadd.s32 $0x2800, s0;
	s11 =	smul.u32 $0x2710, s16;
	s31 =	sshll.u32 s16, $0x6  }
0xa: {  	s6 =	smul.u32 $0x140000, s1;
	_ =	strace $0x8000004A;
	s7 =	sshll.u32 s1, $0x4  }
0xb: {  	s23 =	ssub.s32 $0x2, s1;
	s1 =	smul.u32 $0x27100, s1;
	s7 =	sor.u32 s16, s7  }
0xc: {  	s25 =	sshrl.u32 s23, $0x1;
	s9 =	sshrl.u32 s9, $0x2;
	s6 =	sadd.s32 s5, s6  }
0xd: {  	s5 =	sshrl.u32 s5, $0x3;
	s7 =	smul.u32 $0x2710, s7;
	s12 =	ssub.s32 s23, s25  }
0xe: {  	s1 =	sadd.s32 s11, s1;
	s9 =	sadd.s32 s9, s3;
	s23 =	simm.s32 $0x5600  }
0xf: {  	s25 =	sor.u32 $0x1C04, s31;
	s6 =	sshrl.u32 s6, $0x3;
	s10 =	sadd.s32 s5, s0  }
.Ltmp0:
0x10: {  	s1 =	sadd.s32 $0x140, s1;
	s12 =	smax.u32 s12, $0x1;
	(pc) =	sbr.rel .LBB2_1-.Ltmp0, $4  }
0x11: {  	s0 =	sadd.s32 s6, s0;
	s24 =	sshrl.u32 s7, $0x3;
	s10 =	sadd.s32 $0xCC00, s10  }
0x12: {  	s26 =	sshrl.u32 s1, $0x3;
	s5 =	sadd.s32 s13, s24;
	s11 =	sadd.s32 $0xD4C00, s0  }
0x13: {  	s0 =	sadd.s32 s26, s13;
	s24 =	simm.s32 $0x180;
	s26 =	simm.s32 $0x1  }
0x14: {  	s6 =	sadd.s32 $0xA, s5;
	s7 =	sadd.s32 $0x14, s5;
	s8 =	sadd.s32 $0x1E, s5  }
.LBB2_5:
0x15: {  	_ =	swait.ge [sflag:s29], $0x2800  }
0x16: {  	s30 =	sadd.s32 $0x1, s30;
	[sflag:s29] =	ssyncset.done $0x0  }
0x17: {  	p0 =	sne.s32 s30, s12;
	[sflag:s29] =	ssyncadd.s32 $0xFFFFD800  }
.Ltmp1:
0x18: {  	[bflag:$0x0] =	sbarrier.arrive $0xFFFF;
	(pc) =	sbr.rel @!p0 .LBB2_6-.Ltmp1, $4  }
0x19: {  	[hbm:s11], [sflag:s25] =	dma.local [spmem:s31], $0x2800  }
0x1a: {  	_ =	swait.ge [sflag:s14], $0x2800  }
0x1b: {  	[sflag:s14] =	ssyncset.done $0x0  }
0x1c: {  	[sflag:s14] =	ssyncadd.s32 $0xFFFFD800  }
.LBB2_1:
0x1d: {  	[tilespmem:s4], [sflag:$0x4] =	stream.linear.gather [hbm4b:s5+s4], $0x50, $0x38;
	[tilespmem:$0x1E600] =	vst v63  }
0x1e: {  	_ =	swait.ge [sflag:s14], $0x50  }
0x1f: {  	[sflag:s14] =	ssyncset.done $0x0  }
0x20: {  	[sflag:s14] =	ssyncadd.s32 $0xFFFFFFB0  }
0x21: {  	v0 =	vld [tilespmem:$0x0]  }
0x22: {  	v1 =	vld [tilespmem:$0x10]  }
0x23: {  	v2 =	vld [tilespmem:$0x20]  }
0x24: {  	v4 =	vld [tilespmem:$0x30]  }
0x25: {  	v6 =	vld [tilespmem:$0x40];
	_ =	sdelay $0x3  }
0x26: {  	v3 =	vshra.s32 v0, $0x1F;
	v5 =	vshra.s32 v1, $0x1F;
	v7 =	vshra.s32 v2, $0x1F  }
0x27: {  	v56 =	vshra.s32 v4, $0x1F;
	v57 =	vshrl.u32 v1, $0xE;
	v62 =	vshra.s32 v6, $0x1F  }
0x28: {  	v63 =	vshrl.u32 v2, $0xE;
	v9 =	vshrl.u32 v4, $0xE;
	v3 =	vshrl.u32 v3, $0x12;
	[tilespmem:$0x410] =	vst v57  }
0x29: {  	v11 =	vshrl.u32 v6, $0xE;
	v5 =	vshrl.u32 v5, $0x12;
	[tilespmem:$0x420] =	vst v63;
	v3 =	vadd.s32 v3, v0  }
0x2a: {  	v53 =	vshrl.u32 v7, $0x12;
	v59 =	vshrl.u32 v56, $0x12;
	[tilespmem:$0x430] =	vst v9;
	v3 =	vand.u32 $0xFFFFC000, v3  }
0x2b: {  	[tilespmem:$0x440] =	vst v11;
	v5 =	vadd.s32 v5, v1;
	v55 =	vadd.s32 v53, v2;
	v3 =	vsub.s32 v0, v3  }
0x2c: {  	v61 =	vadd.s32 v59, v4;
	v52 =	vand.u32 $0xFFFFC000, v5;
	v0 =	vshrl.u32 v0, $0xE;
	[tilespmem:$0x200] =	vst v3  }
0x2d: {  	v58 =	vand.u32 $0xFFFFC000, v55;
	v5 =	vshrl.u32 v62, $0x12;
	v54 =	vsub.s32 v1, v52;
	[tilespmem:$0x400] =	vst v0  }
0x2e: {  	v60 =	vsub.s32 v2, v58;
	v1 =	vand.u32 $0xFFFFC000, v61;
	v8 =	vadd.s32 v5, v6;
	[tilespmem:$0x210] =	vst v54  }
0x2f: {  	[tilespmem:$0x220] =	vst v60;
	v7 =	vsub.s32 v4, v1;
	v1 =	vand.u32 $0xFFFFC000, v8  }
0x30: {  	[tilespmem:$0x230] =	vst v7;
	v10 =	vsub.s32 v6, v1  }
0x31: {  	s1 =	simm.s32 $0x200;
	s13 =	simm.s32 $0x600;
	[tilespmem:$0x240] =	vst v10  }
0x32: {  	[tilespmem:s13], [sflag:$0x1] =	stream.indirect.gather [hbm4b:s2+s15], $0x80, s1, s15, $0xb8;
	[tilespmem:$0x1E600] =	vst v63  }
0x33: {  	s18 =	simm.s32 $0x80  }
0x34: {  	[tilespmem:s18], [sflag:$0x4] =	stream.linear.gather [hbm4b:s6+s4], $0x50, $0x38;
	[tilespmem:$0x1E600] =	vst v63  }
0x35: {  	_ =	swait.ge [sflag:s14], $0x50  }
0x36: {  	[sflag:s14] =	ssyncset.done $0x0  }
0x37: {  	[sflag:s14] =	ssyncadd.s32 $0xFFFFFFB0  }
0x38: {  	v12 =	vld [tilespmem:$0x80]  }
0x39: {  	v13 =	vld [tilespmem:$0x90]  }
0x3a: {  	v14 =	vld [tilespmem:$0xA0]  }
0x3b: {  	v16 =	vld [tilespmem:$0xB0]  }
0x3c: {  	v18 =	vld [tilespmem:$0xC0];
	_ =	sdelay $0x2  }
0x3d: {  	v15 =	vshra.s32 v12, $0x1F;
	v17 =	vshra.s32 v13, $0x1F;
	v19 =	vshra.s32 v14, $0x1F  }
0x3e: {  	v0 =	vshrl.u32 v12, $0xE;
	v24 =	vshra.s32 v16, $0x1F;
	v25 =	vshrl.u32 v13, $0xE  }
0x3f: {  	v30 =	vshra.s32 v18, $0x1F;
	v31 =	vshrl.u32 v14, $0xE;
	v35 =	vshrl.u32 v16, $0xE;
	[tilespmem:$0x480] =	vst v0  }
0x40: {  	v37 =	vshrl.u32 v18, $0xE;
	v3 =	vshrl.u32 v15, $0x12;
	v5 =	vshrl.u32 v17, $0x12;
	[tilespmem:$0x490] =	vst v25  }
0x41: {  	v21 =	vshrl.u32 v19, $0x12;
	v27 =	vshrl.u32 v24, $0x12;
	[tilespmem:$0x4A0] =	vst v31;
	v3 =	vadd.s32 v3, v12  }
0x42: {  	v32 =	vshrl.u32 v30, $0x12;
	[tilespmem:$0x4B0] =	vst v35;
	v5 =	vadd.s32 v5, v13;
	v3 =	vand.u32 $0xFFFFC000, v3  }
0x43: {  	[tilespmem:$0x4C0] =	vst v37;
	v23 =	vadd.s32 v21, v14;
	v20 =	vand.u32 $0xFFFFC000, v5;
	v3 =	vsub.s32 v12, v3  }
0x44: {  	v29 =	vadd.s32 v27, v16;
	v26 =	vand.u32 $0xFFFFC000, v23;
	v22 =	vsub.s32 v13, v20;
	[tilespmem:$0x280] =	vst v3  }
0x45: {  	v34 =	vadd.s32 v32, v18;
	v1 =	vand.u32 $0xFFFFC000, v29;
	v28 =	vsub.s32 v14, v26;
	[tilespmem:$0x290] =	vst v22  }
0x46: {  	v33 =	vsub.s32 v16, v1;
	v1 =	vand.u32 $0xFFFFC000, v34;
	[tilespmem:$0x2A0] =	vst v28  }
0x47: {  	[tilespmem:$0x2B0] =	vst v33;
	v36 =	vsub.s32 v18, v1  }
0x48: {  	s19 =	simm.s32 $0x280;
	[tilespmem:$0x2C0] =	vst v36  }
0x49: {  	[tilespmem:s20], [sflag:$0x1] =	stream.indirect.gather [hbm4b:s2+s15], $0x80, s19, s15, $0xb8;
	[tilespmem:$0x1E600] =	vst v63  }
0x4a: {  	_ = 	snop  }
0x4b: {  	[tilespmem:s21], [sflag:$0x4] =	stream.linear.gather [hbm4b:s7+s4], $0x50, $0x38;
	[tilespmem:$0x1E600] =	vst v63  }
0x4c: {  	_ =	swait.ge [sflag:s14], $0x50  }
0x4d: {  	[sflag:s14] =	ssyncset.done $0x0  }
0x4e: {  	[sflag:s14] =	ssyncadd.s32 $0xFFFFFFB0  }
0x4f: {  	v38 =	vld [tilespmem:$0x100]  }
0x50: {  	v39 =	vld [tilespmem:$0x110]  }
0x51: {  	v40 =	vld [tilespmem:$0x120]  }
0x52: {  	v42 =	vld [tilespmem:$0x130]  }
0x53: {  	v44 =	vld [tilespmem:$0x140];
	_ =	sdelay $0x2  }
0x54: {  	v41 =	vshra.s32 v38, $0x1F;
	v43 =	vshra.s32 v39, $0x1F;
	v45 =	vshra.s32 v40, $0x1F  }
0x55: {  	v0 =	vshrl.u32 v38, $0xE;
	v50 =	vshra.s32 v42, $0x1F;
	v51 =	vshrl.u32 v39, $0xE  }
0x56: {  	v56 =	vshra.s32 v44, $0x1F;
	v57 =	vshrl.u32 v40, $0xE;
	v61 =	vshrl.u32 v42, $0xE;
	[tilespmem:$0x500] =	vst v0  }
0x57: {  	v63 =	vshrl.u32 v44, $0xE;
	v3 =	vshrl.u32 v41, $0x12;
	v5 =	vshrl.u32 v43, $0x12;
	[tilespmem:$0x510] =	vst v51  }
0x58: {  	v47 =	vshrl.u32 v45, $0x12;
	v53 =	vshrl.u32 v50, $0x12;
	[tilespmem:$0x520] =	vst v57;
	v3 =	vadd.s32 v3, v38  }
0x59: {  	v58 =	vshrl.u32 v56, $0x12;
	[tilespmem:$0x530] =	vst v61;
	v5 =	vadd.s32 v5, v39;
	v3 =	vand.u32 $0xFFFFC000, v3  }
0x5a: {  	[tilespmem:$0x540] =	vst v63;
	v49 =	vadd.s32 v47, v40;
	v46 =	vand.u32 $0xFFFFC000, v5;
	v3 =	vsub.s32 v38, v3  }
0x5b: {  	v55 =	vadd.s32 v53, v42;
	v52 =	vand.u32 $0xFFFFC000, v49;
	v48 =	vsub.s32 v39, v46;
	[tilespmem:$0x300] =	vst v3  }
0x5c: {  	v60 =	vadd.s32 v58, v44;
	v1 =	vand.u32 $0xFFFFC000, v55;
	v54 =	vsub.s32 v40, v52;
	[tilespmem:$0x310] =	vst v48  }
0x5d: {  	v59 =	vsub.s32 v42, v1;
	v1 =	vand.u32 $0xFFFFC000, v60;
	[tilespmem:$0x320] =	vst v54  }
0x5e: {  	[tilespmem:$0x330] =	vst v59;
	v62 =	vsub.s32 v44, v1  }
0x5f: {  	[tilespmem:$0x340] =	vst v62  }
0x60: {  	[tilespmem:s23], [sflag:$0x1] =	stream.indirect.gather [hbm4b:s2+s15], $0x80, s22, s15, $0xb8;
	[tilespmem:$0x1E600] =	vst v63  }
0x61: {  	s31 =	sshrl.u32 s9, $0x3  }
0x62: {  	[tilespmem:s24], [sflag:$0x3] =	stream.linear.gather [hbm4b:s8+s4], $0x50, $0x38;
	[tilespmem:$0x1E600] =	vst v63  }
0x63: {  	[spmem:s31], [sflag:s25] =	dma.local [hbm:s10], $0x2800  }
.Ltmp2:
0x64: {  	_ =	swait.ge [sflag:s14], $0x2800;
	(pc) =	sbr.rel .LBB2_2-.Ltmp2, $4  }
0x65: {  	[sflag:s14] =	ssyncset.done $0x0  }
0x66: {  	[sflag:s14] =	ssyncadd.s32 $0xFFFFD800  }
0x67: {  	[bflag:$0x0] =	sbarrier.arrive $0xFFFF  }
0x68: {  	s13 =	smov.u32 s0;
	s1 =	simm.s32 $0x0  }
.LBB2_4:
0x69: {  	s1 =	sadd.s32 $0x1, s1  }
0x6a: {  	s17 =	smul.u32 $0xA000, s16;
	p0 =	sne.s32 s1, $0x7D  }
.Ltmp3:
0x6b: {  	_ = 	snop;
	(pc) =	sbr.rel @!p0 .LBB2_5-.Ltmp3, $4  }
0x6c: {  	_ = 	snop  }
0x6d: {  	s19 =	sshll.u32 s16, $0x7;
	s17 =	sshrl.u32 s17, $0x2  }
0x6e: {  	s13 =	sadd.s32 $0xA, s13;
	s16 =	sor.u32 $0x400, s19;
	s17 =	sor.u32 $0x600, s17  }
0x6f: {  	[spmem:s3] =	stream.indirect.scatter.add.f32 [tilespmem:s17], [sflag:$0x2], $0x80, s16, s15, $0xb8;
	[tilespmem:$0x1E600] =	vst v63  }
.LBB2_2:
0x70: {  	p0 =	seq.s32 s1, $0x0  }
0x71: {  	p1 =	sgt.u32 @!p0 s1, $0x79  }
0x72: {  	_ =	swait.ge [sflag:s26], $0x2800;
	p1 =	por p0, !p1  }
.Ltmp4:
0x73: {  	[sflag:s26] =	ssyncset.done $0x0;
	(pc) =	sbr.rel @!p1 .LBB2_4-.Ltmp4, $4  }
0x74: {  	s17 =	simm.s32 @!p0 $0x2;
	[sflag:s26] =	ssyncadd.s32 $0xFFFFD800  }
0x75: {  	_ =	swait.ge @!p0 [sflag:s17], $0x2800  }
0x76: {  	[sflag:s17] =	ssyncset.done @!p0 $0x0  }
0x77: {  	s16 =	sand.u32 $0x3, s1;
	[sflag:s17] =	ssyncadd.s32 @!p0 $0xFFFFD800  }
0x78: {  	s17 =	sadd.s32 $0xFFFFFFFF, s1;
	_ =	swait.ge [sflag:s28], $0x50  }
0x79: {  	s17 =	sand.u32 $0x3, s17;
	[sflag:s28] =	ssyncset.done $0x0  }
0x7a: {  	[sflag:s28] =	ssyncadd.s32 $0xFFFFFFB0;
	s18 =	sshll.u32 s17, $0x7  }
0x7b: {  	v0 =	vld [tilespmem:s18+$0x0]  }
0x7c: {  	v1 =	vld [tilespmem:s18+$0x10]  }
0x7d: {  	v2 =	vld [tilespmem:s18+$0x20]  }
0x7e: {  	v4 =	vld [tilespmem:s18+$0x30]  }
0x7f: {  	v6 =	vld [tilespmem:s18+$0x40];
	_ =	sdelay $0x3  }
0x80: {  	v3 =	vshra.s32 v0, $0x1F;
	v5 =	vshra.s32 v1, $0x1F;
	v7 =	vshra.s32 v2, $0x1F  }
0x81: {  	v50 =	vshra.s32 v4, $0x1F;
	v51 =	vshrl.u32 v1, $0xE;
	v56 =	vshra.s32 v6, $0x1F  }
0x82: {  	v57 =	vshrl.u32 v2, $0xE;
	v61 =	vshrl.u32 v4, $0xE;
	v3 =	vshrl.u32 v3, $0x12;
	[tilespmem:s18+$0x410] =	vst v51  }
0x83: {  	v63 =	vshrl.u32 v6, $0xE;
	v5 =	vshrl.u32 v5, $0x12;
	[tilespmem:s18+$0x420] =	vst v57;
	v3 =	vadd.s32 v3, v0  }
0x84: {  	v47 =	vshrl.u32 v7, $0x12;
	v53 =	vshrl.u32 v50, $0x12;
	[tilespmem:s18+$0x430] =	vst v61;
	v3 =	vand.u32 $0xFFFFC000, v3  }
0x85: {  	v58 =	vshrl.u32 v56, $0x12;
	[tilespmem:s18+$0x440] =	vst v63;
	v5 =	vadd.s32 v5, v1;
	v3 =	vsub.s32 v0, v3  }
0x86: {  	v49 =	vadd.s32 v47, v2;
	v46 =	vand.u32 $0xFFFFC000, v5;
	v0 =	vshrl.u32 v0, $0xE;
	[tilespmem:s18+$0x200] =	vst v3  }
0x87: {  	v55 =	vadd.s32 v53, v4;
	v52 =	vand.u32 $0xFFFFC000, v49;
	v48 =	vsub.s32 v1, v46;
	[tilespmem:s18+$0x400] =	vst v0  }
0x88: {  	s17 =	smul.u32 $0xA000, s17;
	v60 =	vadd.s32 v58, v6;
	v54 =	vsub.s32 v2, v52;
	v1 =	vand.u32 $0xFFFFC000, v55;
	[tilespmem:s18+$0x210] =	vst v48  }
0x89: {  	[tilespmem:s18+$0x220] =	vst v54;
	v59 =	vsub.s32 v4, v1;
	v1 =	vand.u32 $0xFFFFC000, v60  }
.Ltmp5:
0x8a: {  	s17 =	sshrl.u32 s17, $0x2;
	[tilespmem:s18+$0x230] =	vst v59;
	v62 =	vsub.s32 v6, v1;
	(pc) =	sbr.rel .LBB2_4-.Ltmp5, $4  }
0x8b: {  	p0 =	sgt.u32 s1, $0x78;
	s19 =	sor.u32 $0x200, s18;
	s17 =	sor.u32 $0x600, s17;
	[tilespmem:s18+$0x240] =	vst v62  }
0x8c: {  	[tilespmem:s17], [sflag:$0x1] =	stream.indirect.gather [hbm4b:s2+s15], $0x80, s19, s15, $0xb8;
	[tilespmem:$0x1E600] =	vst v63  }
0x8d: {  	s18 =	simm.s32 @!p0 $0x0;
	s17 =	sshll.u32 @!p0 s16, $0x7  }
0x8e: {  	[tilespmem:s17], [sflag:$0x3] =	stream.linear.gather @!p0 [hbm4b:s13+s18], $0x50, $0x38;
	[tilespmem:$0x1E600] =	vst v63  }
.LBB2_6:
0x8f: {  	_ =	sfence.sel $0x180000  }
0x90: {  	[bflag:$0x0] =	sbarrier.arrive $0xFFFF  }
0x91: {  	_ =	strace $0x9000004A  }
0x92: {  	s0 =	stileid.u32;
	[bflag:$0x2] =	sbarrier.arrive $0xFFFF  }
0x93: {  	p0 =	sne.s32 s0, $0x0;
	s0 =	rddreg [dreg:$0x3]  }
0x94: {  	s0 =	sadd.s32 @!p0 $0x100000, s0  }
0x95: {  	[sflag:s0] =	ssyncadd.tile.s32 @!p0 $0x1;
	_ =	shalt  }
.Lfunc_end2:
_tile_overlayer_lowered:
.L_overlay_start_2:
0x96: {  	(tag) =	ssettag $0x2  }
0x97: {  	s0 =	rddreg [dreg:$0x0];
	s2 =	stileid.u32  }
0x98: {  	s1 =	rddreg [dreg:$0x1];
	p0 =	sne.s32 s2, $0x0  }
0x99: {  	s3 =	rddreg [dreg:$0x2];
	[bflag:$0x3] =	sbarrier.arrive $0xFFFF;
	s2 =	simm.s32 @!p0 $0x1C04  }
0x9a: {  	[timem:s3], [sflag:s2] =	dma.local @!p0 [hbm:s0], s1  }
0x9b: {  	s0 =	simm.s32 @!p0 $0x4  }
0x9c: {  	_ =	swait.ge @!p0 [sflag:s0], s1  }
0x9d: {  	s1 =	ssub.s32 @!p0 $0x0, s1;
	[sflag:s0] =	ssyncset.done @!p0 $0x0  }
0x9e: {  	[sflag:s0] =	ssyncadd.s32 @!p0 s1  }
0x9f: {  	[bflag:$0x3] =	sbarrier.arrive $0xFFFF  }
0xa0: {  	_ =	shalt  }

</sc_bundles>
